<compile_context>
chip_gen: v7x
topology: tpu7x:2x2x1
jax: 0.10.2.dev20260603
libtpu: 0.0.44.dev20260713+nightly
codegen_flags: <defaults>
</compile_context>

<pallas_src>
import functools
import math

import jax
import jax.numpy as jnp
from jax import lax
from jax.experimental import pallas as pl
from jax.experimental.pallas import tpu as pltpu
from jax.experimental.pallas import tpu_sc as plsc

_N = 10000
_E = 160000
_C = 128
_BESS = 8
_S = 9
_R_MAX = 5.0
_AVG_NEIGH = 16.0
_OUT = 128

_NC = 2
_NS = 16
_NW = _NC * _NS
_EPW = _E // _NW
_CH = 128
_NFULL = _EPW // _CH
_TAIL = _EPW - _NFULL * _CH
_NPT = 624
_NREM = _N - _NS * _NPT

_mesh = plsc.VectorSubcoreMesh(core_axis_name="c", subcore_axis_name="s")



@functools.partial(
    pl.kernel, mesh=_mesh,
    out_type=jax.ShapeDtypeStruct((_E, _C), jnp.float32),
    scratch_types=[
        pltpu.VMEM((_CH,), jnp.int32),
        pltpu.VMEM((_CH, _C), jnp.float32),
        pltpu.VMEM((_TAIL,), jnp.int32),
        pltpu.VMEM((_TAIL, _C), jnp.float32),
        pltpu.SemaphoreType.DMA,
    ])
def _gather_h(h_hbm, snd_hbm, out_hbm, idx_v, rows_v, idx_t, rows_t, sem):
    wid = lax.axis_index("s") * _NC + lax.axis_index("c")
    base = wid * _EPW

    def body(j, carry):
        off = base + j * _CH
        pltpu.sync_copy(snd_hbm.at[pl.ds(off, _CH)], idx_v)
        pltpu.async_copy(h_hbm.at[idx_v], rows_v, sem).wait()
        pltpu.sync_copy(rows_v, out_hbm.at[pl.ds(off, _CH)])
        return carry

    lax.fori_loop(0, _NFULL, body, 0)
    off = base + _NFULL * _CH
    pltpu.sync_copy(snd_hbm.at[pl.ds(off, _TAIL)], idx_t)
    pltpu.async_copy(h_hbm.at[idx_t], rows_t, sem).wait()
    pltpu.sync_copy(rows_t, out_hbm.at[pl.ds(off, _TAIL)])


@functools.partial(
    pl.kernel, mesh=_mesh,
    out_type=(jax.ShapeDtypeStruct((_N, _C), jnp.float32),
              jax.ShapeDtypeStruct((_N, _C), jnp.float32)),
    scratch_types=[
        pltpu.VMEM((_CH,), jnp.int32),
        pltpu.VMEM((_CH, _C), jnp.float32),
        pltpu.VMEM((_TAIL,), jnp.int32),
        pltpu.VMEM((_TAIL, _C), jnp.float32),
        pltpu.VMEM_SHARED((_N, _C), jnp.float32),
        pltpu.SemaphoreType.DMA,
    ])
def _scatter_add(z_hbm, rcv_hbm, zeros_hbm, a0_hbm, a1_hbm,
                 idx_v, rows_v, idx_t, rows_t, acc, sem):
    cid = lax.axis_index("c")
    sid = lax.axis_index("s")

    myrows = pl.ds(sid * _NPT, _NPT)
    tailrows = pl.ds(_NS * _NPT, _NREM)
    pltpu.sync_copy(zeros_hbm.at[myrows], acc.at[myrows])

    @pl.when(sid == 0)
    def _():
        pltpu.sync_copy(zeros_hbm.at[tailrows], acc.at[tailrows])

    plsc.subcore_barrier()

    base = (sid * _NC + cid) * _EPW

    def body(j, carry):
        off = base + j * _CH
        pltpu.sync_copy(rcv_hbm.at[pl.ds(off, _CH)], idx_v)
        pltpu.sync_copy(z_hbm.at[pl.ds(off, _CH)], rows_v)
        pltpu.sync_copy(rows_v, acc.at[idx_v], add=True)
        return carry

    lax.fori_loop(0, _NFULL, body, 0)
    off = base + _NFULL * _CH
    pltpu.sync_copy(rcv_hbm.at[pl.ds(off, _TAIL)], idx_t)
    pltpu.sync_copy(z_hbm.at[pl.ds(off, _TAIL)], rows_t)
    pltpu.sync_copy(rows_t, acc.at[idx_t], add=True)
    plsc.subcore_barrier()

    @pl.when(cid == 0)
    def _():
        pltpu.sync_copy(acc.at[myrows], a0_hbm.at[myrows])

        @pl.when(sid == 0)
        def _():
            pltpu.sync_copy(acc.at[tailrows], a0_hbm.at[tailrows])

    @pl.when(cid == 1)
    def _():
        pltpu.sync_copy(acc.at[myrows], a1_hbm.at[myrows])

        @pl.when(sid == 0)
        def _():
            pltpu.sync_copy(acc.at[tailrows], a1_hbm.at[tailrows])



_NBE = 1000


def _embed_body(sp_ref, emb_ref, h_ref):
    sp = sp_ref[0, 0, :]
    oh = (sp[:, None] == lax.broadcasted_iota(jnp.int32, (_NBE, 16), 1))
    h_ref[...] = jnp.dot(oh.astype(jnp.float32), emb_ref[...],
                         preferred_element_type=jnp.float32)


_embed_call = pl.pallas_call(
    _embed_body,
    grid=(_N // _NBE,),
    in_specs=[
        pl.BlockSpec((1, 1, _NBE), lambda i: (i, 0, 0)),
        pl.BlockSpec((16, _C), lambda i: (0, 0)),
    ],
    out_specs=pl.BlockSpec((_NBE, _C), lambda i: (i, 0)),
    out_shape=jax.ShapeDtypeStruct((_N, _C), jnp.float32),
)

_EB = 2000
_SQ2R = math.sqrt(2.0 / _R_MAX)
_C0 = 0.28209479177387814
_C1 = 0.4886025119029199
_C2A = 1.0925484305920792
_C2B = 0.31539156525252005
_C2C = 0.5462742152960396


def _edge_body(ps_ref, pr_ref, hs_ref, wr1_ref, wr2_ref, w2p_ref, z_ref):
    ps = ps_ref[...]
    pr = pr_ref[...]
    vx = pr[:, 0:1] - ps[:, 0:1]
    vy = pr[:, 1:2] - ps[:, 1:2]
    vz = pr[:, 2:3] - ps[:, 2:3]
    d = jnp.sqrt(vx * vx + vy * vy + vz * vz)
    inv = 1.0 / (d + 1e-6)
    ux = vx * inv
    uy = vy * inv
    uz = vz * inv
    u = d * (1.0 / _R_MAX)
    env = jnp.where(u < 1.0, (1.0 - u) * (1.0 - u) * (1.0 + 2.0 * u), 0.0)
    scale = env * inv * _SQ2R
    rb = jnp.concatenate([jnp.sin((math.pi * n) * u) for n in range(1, _BESS + 1)],
                         axis=1) * scale
    r1 = jnp.maximum(jnp.dot(rb, wr1_ref[...], preferred_element_type=jnp.float32), 0.0)
    rr = jnp.dot(r1, wr2_ref[...], preferred_element_type=jnp.float32)
    msg = hs_ref[...] * rr
    ys = (_C0 * jnp.ones_like(u), _C1 * uy, _C1 * uz, _C1 * ux,
          _C2A * ux * uy, _C2A * uy * uz, _C2B * (3.0 * uz * uz - 1.0),
          _C2A * ux * uz, _C2C * (ux * ux - uy * uy))
    g = jnp.concatenate([(msg * y).astype(jnp.bfloat16) for y in ys], axis=1)
    z_ref[...] = jnp.dot(g, w2p_ref[...], preferred_element_type=jnp.float32)


_edge_call = pl.pallas_call(
    _edge_body,
    grid=(_E // _EB,),
    in_specs=[
        pl.BlockSpec((_EB, _C), lambda i: (i, 0)),
        pl.BlockSpec((_EB, _C), lambda i: (i, 0)),
        pl.BlockSpec((_EB, _C), lambda i: (i, 0)),
        pl.BlockSpec((_BESS, 64), lambda i: (0, 0)),
        pl.BlockSpec((64, _C), lambda i: (0, 0)),
        pl.BlockSpec((_S * _C, _C), lambda i: (0, 0)),
    ],
    out_specs=pl.BlockSpec((_EB, _C), lambda i: (i, 0)),
    out_shape=jax.ShapeDtypeStruct((_E, _C), jnp.float32),
)

_NB = 2000


def _node_body(a0_ref, a1_ref, h_ref, wself_ref, wout_ref, hn_ref, out_ref):
    pre = (a0_ref[...] + a1_ref[...]) * (1.0 / _AVG_NEIGH)
    pre = pre + jnp.dot(h_ref[...], wself_ref[...], preferred_element_type=jnp.float32)
    hn = jnp.tanh(pre)
    hn_ref[...] = hn
    out_ref[...] = jnp.dot(hn, wout_ref[...], preferred_element_type=jnp.float32)


_node_call = pl.pallas_call(
    _node_body,
    grid=(_N // _NB,),
    in_specs=[
        pl.BlockSpec((_NB, _C), lambda i: (i, 0)),
        pl.BlockSpec((_NB, _C), lambda i: (i, 0)),
        pl.BlockSpec((_NB, _C), lambda i: (i, 0)),
        pl.BlockSpec((_C, _C), lambda i: (0, 0)),
        pl.BlockSpec((_C, _OUT), lambda i: (0, 0)),
    ],
    out_specs=[
        pl.BlockSpec((_NB, _C), lambda i: (i, 0)),
        pl.BlockSpec((_NB, _OUT), lambda i: (i, 0)),
    ],
    out_shape=[
        jax.ShapeDtypeStruct((_N, _C), jnp.float32),
        jax.ShapeDtypeStruct((_N, _OUT), jnp.float32),
    ],
)



def kernel(positions, species, senders, receivers, embed,
           Wr1_0, Wr2_0, Wmix_0, Wself_0, Wout_0,
           Wr1_1, Wr2_1, Wmix_1, Wself_1, Wout_1):
    senders = senders.astype(jnp.int32)
    receivers = receivers.astype(jnp.int32)
    pos128 = jnp.pad(positions, ((0, 0), (0, _C - 3)))
    emb16 = jnp.pad(embed, ((0, 16 - embed.shape[0]), (0, 0)))
    sp3 = species.astype(jnp.int32).reshape(_N // _NBE, 1, _NBE)

    def reorder(w):
        return (w.reshape(_C, _S, _C).transpose(1, 0, 2)
                 .reshape(_S * _C, _C).astype(jnp.bfloat16))

    layers = [(Wr1_0, Wr2_0, reorder(Wmix_0), Wself_0, Wout_0),
              (Wr1_1, Wr2_1, reorder(Wmix_1), Wself_1, Wout_1)]

    zeros_nc = jnp.zeros((_N, _C), jnp.float32)
    ps = _gather_h(pos128, senders)
    pr = _gather_h(pos128, receivers)
    h = _embed_call(sp3, emb16)
    outs = []
    for (wr1, wr2, w2p, wself, wout) in layers:
        hs = _gather_h(h, senders)
        z = _edge_call(ps, pr, hs, wr1, wr2, w2p)
        a0, a1 = _scatter_add(z, receivers, zeros_nc)
        h, out = _node_call(a0, a1, h, wself, wout)
        outs.append(out)
    return jnp.concatenate(outs, axis=1)

# --- scband reference (transcript-rebuilt; emitter-appended) ---
"""Pipeline reference for scband-mace-16561393893485 (READ-ONLY COPY).

The authoritative reference and input builder live on the scoring server;
editing this copy changes nothing except your own understanding.
"""

import jax, jax.numpy as jnp
import numpy as np

N = 10000
E = 160000
C = 128
B = 8
S = 9
NUM_SPECIES = 10
R_MAX = 5.0
AVG_NEIGH = 16.0
OUT = 128
NUM_LAYERS = 2


def _sph_harm(unit):
    x = unit[:, 0]; y = unit[:, 1]; z = unit[:, 2]
    c0 = 0.28209479177387814
    c1 = 0.4886025119029199
    c2a = 1.0925484305920792
    c2b = 0.31539156525252005
    c2c = 0.5462742152960396
    return jnp.stack([
        jnp.full_like(x, c0),
        c1 * y, c1 * z, c1 * x,
        c2a * x * y, c2a * y * z,
        c2b * (3.0 * z * z - 1.0),
        c2a * x * z,
        c2c * (x * x - y * y),
    ], axis=1)


def _radial(d):
    u = d / R_MAX
    env = jnp.where(u < 1.0, (1.0 - u) ** 2 * (1.0 + 2.0 * u), 0.0)
    n = jnp.arange(1, B + 1, dtype=jnp.float32)
    bess = jnp.sqrt(2.0 / R_MAX) * jnp.sin(jnp.pi * n[None, :] * u[:, None]) / (d[:, None] + 1e-6)
    return bess * env[:, None]


def setup_inputs(seed: int = 0) -> dict:
    key = jax.random.key(seed)
    ks = jax.random.split(key, 20)
    positions = jax.random.uniform(ks[0], (N, 3), dtype=jnp.float32) * 12.0
    species = jax.random.randint(ks[1], (N,), 0, NUM_SPECIES)
    senders = jax.random.randint(ks[2], (E,), 0, N)
    receivers = jax.random.randint(ks[3], (E,), 0, N)
    embed = jax.random.normal(ks[4], (NUM_SPECIES, C), dtype=jnp.float32) * 0.5
    inp = {"positions": positions, "species": species, "senders": senders,
           "receivers": receivers, "embed": embed}
    for i in range(NUM_LAYERS):
        inp[f"Wr1_{i}"] = jax.random.normal(ks[5 + 5 * i], (B, 64), dtype=jnp.float32) * (1.0 / np.sqrt(B))
        inp[f"Wr2_{i}"] = jax.random.normal(ks[6 + 5 * i], (64, C), dtype=jnp.float32) * (1.0 / np.sqrt(64))
        inp[f"Wmix_{i}"] = jax.random.normal(ks[7 + 5 * i], (C * S, C), dtype=jnp.float32) * (1.0 / np.sqrt(C * S))
        inp[f"Wself_{i}"] = jax.random.normal(ks[8 + 5 * i], (C, C), dtype=jnp.float32) * (1.0 / np.sqrt(C))
        inp[f"Wout_{i}"] = jax.random.normal(ks[9 + 5 * i], (C, OUT), dtype=jnp.float32) * (1.0 / np.sqrt(C))
    return inp


def _forward(positions, embed, layer_weights, species, senders, receivers):
    vec = positions[receivers] - positions[senders]
    d = jnp.linalg.norm(vec, axis=1)
    unit = vec / (d[:, None] + 1e-6)
    rb = _radial(d)
    Y = _sph_harm(unit)
    h = embed[species]
    outs = []
    for (Wr1, Wr2, Wmix, Wself, Wout) in layer_weights:
        R = jax.nn.relu(rb @ Wr1) @ Wr2
        msg = h[senders] * R
        A = jnp.stack([jax.ops.segment_sum(msg * Y[:, s:s + 1], receivers, num_segments=N)
                       for s in range(S)], axis=2)
        A = A / AVG_NEIGH
        h = jnp.tanh(A.reshape(N, C * S) @ Wmix + h @ Wself)
        outs.append(h @ Wout)
    node_embeddings = jnp.stack(outs, axis=1)  # [N, num_interactions, OUT]
    return node_embeddings.reshape(N, NUM_LAYERS * OUT)  # axis_to_mul


def reference(positions, species, senders, receivers, embed,
              Wr1_0, Wr2_0, Wmix_0, Wself_0, Wout_0,
              Wr1_1, Wr2_1, Wmix_1, Wself_1, Wout_1):
    layer_weights = [
        (Wr1_0, Wr2_0, Wmix_0, Wself_0, Wout_0),
        (Wr1_1, Wr2_1, Wmix_1, Wself_1, Wout_1),
    ]
    return _forward(positions, embed, layer_weights, species, senders, receivers)

if __name__ == "__main__":
    import jax
    _d = setup_inputs()
    print(jax.jit(kernel)(*tuple(_d.values())))

</pallas_src>

<mosaic_0001>
#map = affine_map<(d0, d1) -> (0, 0)>
#map1 = affine_map<(d0, d1) -> (0)>
module attributes {stable_mosaic.version = 14 : i64} {
  func.func @_gather_h(%arg0: i32, %arg1: i32, %arg2: memref<10000x128xf32, #tpu.memory_space<hbm>>, %arg3: memref<160000xi32, #tpu.memory_space<hbm>>, %arg4: memref<160000x128xf32, #tpu.memory_space<hbm>>, %arg5: memref<128xi32, #tpu.memory_space<vmem>>, %arg6: memref<128x128xf32, #tpu.memory_space<vmem>>, %arg7: memref<8xi32, #tpu.memory_space<vmem>>, %arg8: memref<8x128xf32, #tpu.memory_space<vmem>>, %arg9: memref<!tpu.dma_semaphore, #tpu.memory_space<semaphore_mem>>) attributes {dimension_semantics = [#tpu.dimension_semantics<core_parallel>, #tpu.dimension_semantics<subcore_parallel>], iteration_bounds = array<i64: 2, 16>, scalar_prefetch = 0 : i64, scratch_operands = 5 : i64, tpu.core_type = #tpu.core_type<sc_vector_subcore>, window_params = [{transform_indices = #map}, {transform_indices = #map1}, {transform_indices = #map}]} {
    %mul3A = arith.constant 2 : i32
    %mul3A_0 = arith.muli %arg1, %mul3A : i32
    %add3A = arith.addi %mul3A_0, %arg0 : i32
    %mul3A_1 = arith.constant 5000 : i32
    %mul3A_2 = arith.muli %add3A, %mul3A_1 : i32
    %scan3A = arith.constant 0 : i32
    %scan3A_3 = arith.constant 0 : i32
    %scan3A_4 = arith.constant 39 : i32
    %scan3A_5 = arith.addi %scan3A_3, %scan3A_4 : i32
    %scan3A_6 = arith.constant 1 : i32
    scf.for %scan3A_14 = %scan3A_3 to %scan3A_5 step %scan3A_6  : i32 {
      %mul3A_15 = arith.constant 128 : i32
      %mul3A_16 = arith.muli %scan3A_14, %mul3A_15 : i32
      %add3A_17 = arith.addi %mul3A_2, %mul3A_16 : i32
      "tpu.region"() ({
        %run_scoped3A = tpu.sem_alloc : memref<!tpu.dma_semaphore, #tpu.memory_space<semaphore_mem>>
        %dma_start3A_24 = tpu.memref_slice %arg3[%add3A_17] : memref<160000xi32, #tpu.memory_space<hbm>> -> memref<128xi32, #tpu.memory_space<hbm>>
        %dma_start3A_25 = tpu.memref_slice %arg3[%add3A_17] : memref<160000xi32, #tpu.memory_space<hbm>> -> memref<128xi32, #tpu.memory_space<hbm>>
        tpu.enqueue_dma source(%dma_start3A_25 : memref<128xi32, #tpu.memory_space<hbm>>) target(%arg5 : memref<128xi32, #tpu.memory_space<vmem>>) target_semaphore(%run_scoped3A : memref<!tpu.dma_semaphore, #tpu.memory_space<semaphore_mem>>)
        %dma_wait3A_26 = tpu.memref_slice %arg3[%add3A_17] : memref<160000xi32, #tpu.memory_space<hbm>> -> memref<128xi32, #tpu.memory_space<hbm>>
        %dma_wait3A_27 = tpu.memref_slice %arg3[%add3A_17] : memref<160000xi32, #tpu.memory_space<hbm>> -> memref<128xi32, #tpu.memory_space<hbm>>
        tpu.wait_dma2 semaphore(%run_scoped3A : memref<!tpu.dma_semaphore, #tpu.memory_space<semaphore_mem>>) src(%dma_wait3A_27 : memref<128xi32, #tpu.memory_space<hbm>>) dst(%arg5 : memref<128xi32, #tpu.memory_space<vmem>>)
        tpu.yield
      }) : () -> ()
      %dma_start3A_18 = arith.constant 0 : i32
      %dma_start3A_19 = arith.constant 0 : i32
      %dma_start3A_20 = tpu.memref_slice %arg2[%dma_start3A_18, %dma_start3A_19] : memref<10000x128xf32, #tpu.memory_space<hbm>> -> memref<10000x128xf32, #tpu.memory_space<hbm>>
      tpu.enqueue_indirect_dma source(%dma_start3A_20 : memref<10000x128xf32, #tpu.memory_space<hbm>>) target(%arg6 : memref<128x128xf32, #tpu.memory_space<vmem>>) offsets(%arg5 : memref<128xi32, #tpu.memory_space<vmem>>) semaphore(%arg9 : memref<!tpu.dma_semaphore, #tpu.memory_space<semaphore_mem>>)
      %dma_wait3A_21 = arith.constant 0 : i32
      %dma_wait3A_22 = arith.constant 0 : i32
      %dma_wait3A_23 = tpu.memref_slice %arg2[%dma_wait3A_21, %dma_wait3A_22] : memref<10000x128xf32, #tpu.memory_space<hbm>> -> memref<10000x128xf32, #tpu.memory_space<hbm>>
      tpu.wait_indirect_dma semaphore(%arg9 : memref<!tpu.dma_semaphore, #tpu.memory_space<semaphore_mem>>) src(%dma_wait3A_23 : memref<10000x128xf32, #tpu.memory_space<hbm>>) dst(%arg6 : memref<128x128xf32, #tpu.memory_space<vmem>>)
      "tpu.region"() ({
        %run_scoped3A = tpu.sem_alloc : memref<!tpu.dma_semaphore, #tpu.memory_space<semaphore_mem>>
        %dma_start3A_24 = arith.constant 0 : i32
        %dma_start3A_25 = tpu.memref_slice %arg4[%add3A_17, %dma_start3A_24] : memref<160000x128xf32, #tpu.memory_space<hbm>> -> memref<128x128xf32, #tpu.memory_space<hbm>>
        %dma_start3A_26 = arith.constant 0 : i32
        %dma_start3A_27 = tpu.memref_slice %arg4[%add3A_17, %dma_start3A_26] : memref<160000x128xf32, #tpu.memory_space<hbm>> -> memref<128x128xf32, #tpu.memory_space<hbm>>
        tpu.enqueue_dma source(%arg6 : memref<128x128xf32, #tpu.memory_space<vmem>>) target(%dma_start3A_27 : memref<128x128xf32, #tpu.memory_space<hbm>>) target_semaphore(%run_scoped3A : memref<!tpu.dma_semaphore, #tpu.memory_space<semaphore_mem>>)
        %dma_wait3A_28 = arith.constant 0 : i32
        %dma_wait3A_29 = tpu.memref_slice %arg4[%add3A_17, %dma_wait3A_28] : memref<160000x128xf32, #tpu.memory_space<hbm>> -> memref<128x128xf32, #tpu.memory_space<hbm>>
        %dma_wait3A_30 = arith.constant 0 : i32
        %dma_wait3A_31 = tpu.memref_slice %arg4[%add3A_17, %dma_wait3A_30] : memref<160000x128xf32, #tpu.memory_space<hbm>> -> memref<128x128xf32, #tpu.memory_space<hbm>>
        tpu.wait_dma2 semaphore(%run_scoped3A : memref<!tpu.dma_semaphore, #tpu.memory_space<semaphore_mem>>) src(%arg6 : memref<128x128xf32, #tpu.memory_space<vmem>>) dst(%dma_wait3A_31 : memref<128x128xf32, #tpu.memory_space<hbm>>)
        tpu.yield
      }) : () -> ()
    }
    %scan3A_7 = arith.constant 39 : i32
    %add3A_8 = arith.constant 4992 : i32
    %add3A_9 = arith.addi %mul3A_2, %add3A_8 : i32
    "tpu.region"() ({
      %run_scoped3A = tpu.sem_alloc : memref<!tpu.dma_semaphore, #tpu.memory_space<semaphore_mem>>
      %dma_start3A_14 = tpu.memref_slice %arg3[%add3A_9] : memref<160000xi32, #tpu.memory_space<hbm>> -> memref<8xi32, #tpu.memory_space<hbm>>
      %dma_start3A_15 = tpu.memref_slice %arg3[%add3A_9] : memref<160000xi32, #tpu.memory_space<hbm>> -> memref<8xi32, #tpu.memory_space<hbm>>
      tpu.enqueue_dma source(%dma_start3A_15 : memref<8xi32, #tpu.memory_space<hbm>>) target(%arg7 : memref<8xi32, #tpu.memory_space<vmem>>) target_semaphore(%run_scoped3A : memref<!tpu.dma_semaphore, #tpu.memory_space<semaphore_mem>>)
      %dma_wait3A_16 = tpu.memref_slice %arg3[%add3A_9] : memref<160000xi32, #tpu.memory_space<hbm>> -> memref<8xi32, #tpu.memory_space<hbm>>
      %dma_wait3A_17 = tpu.memref_slice %arg3[%add3A_9] : memref<160000xi32, #tpu.memory_space<hbm>> -> memref<8xi32, #tpu.memory_space<hbm>>
      tpu.wait_dma2 semaphore(%run_scoped3A : memref<!tpu.dma_semaphore, #tpu.memory_space<semaphore_mem>>) src(%dma_wait3A_17 : memref<8xi32, #tpu.memory_space<hbm>>) dst(%arg7 : memref<8xi32, #tpu.memory_space<vmem>>)
      tpu.yield
    }) : () -> ()
    %dma_start3A = arith.constant 0 : i32
    %dma_start3A_10 = arith.constant 0 : i32
    %dma_start3A_11 = tpu.memref_slice %arg2[%dma_start3A, %dma_start3A_10] : memref<10000x128xf32, #tpu.memory_space<hbm>> -> memref<10000x128xf32, #tpu.memory_space<hbm>>
    tpu.enqueue_indirect_dma source(%dma_start3A_11 : memref<10000x128xf32, #tpu.memory_space<hbm>>) target(%arg8 : memref<8x128xf32, #tpu.memory_space<vmem>>) offsets(%arg7 : memref<8xi32, #tpu.memory_space<vmem>>) semaphore(%arg9 : memref<!tpu.dma_semaphore, #tpu.memory_space<semaphore_mem>>)
    %dma_wait3A = arith.constant 0 : i32
    %dma_wait3A_12 = arith.constant 0 : i32
    %dma_wait3A_13 = tpu.memref_slice %arg2[%dma_wait3A, %dma_wait3A_12] : memref<10000x128xf32, #tpu.memory_space<hbm>> -> memref<10000x128xf32, #tpu.memory_space<hbm>>
    tpu.wait_indirect_dma semaphore(%arg9 : memref<!tpu.dma_semaphore, #tpu.memory_space<semaphore_mem>>) src(%dma_wait3A_13 : memref<10000x128xf32, #tpu.memory_space<hbm>>) dst(%arg8 : memref<8x128xf32, #tpu.memory_space<vmem>>)
    "tpu.region"() ({
      %run_scoped3A = tpu.sem_alloc : memref<!tpu.dma_semaphore, #tpu.memory_space<semaphore_mem>>
      %dma_start3A_14 = arith.constant 0 : i32
      %dma_start3A_15 = tpu.memref_slice %arg4[%add3A_9, %dma_start3A_14] : memref<160000x128xf32, #tpu.memory_space<hbm>> -> memref<8x128xf32, #tpu.memory_space<hbm>>
      %dma_start3A_16 = arith.constant 0 : i32
      %dma_start3A_17 = tpu.memref_slice %arg4[%add3A_9, %dma_start3A_16] : memref<160000x128xf32, #tpu.memory_space<hbm>> -> memref<8x128xf32, #tpu.memory_space<hbm>>
      tpu.enqueue_dma source(%arg8 : memref<8x128xf32, #tpu.memory_space<vmem>>) target(%dma_start3A_17 : memref<8x128xf32, #tpu.memory_space<hbm>>) target_semaphore(%run_scoped3A : memref<!tpu.dma_semaphore, #tpu.memory_space<semaphore_mem>>)
      %dma_wait3A_18 = arith.constant 0 : i32
      %dma_wait3A_19 = tpu.memref_slice %arg4[%add3A_9, %dma_wait3A_18] : memref<160000x128xf32, #tpu.memory_space<hbm>> -> memref<8x128xf32, #tpu.memory_space<hbm>>
      %dma_wait3A_20 = arith.constant 0 : i32
      %dma_wait3A_21 = tpu.memref_slice %arg4[%add3A_9, %dma_wait3A_20] : memref<160000x128xf32, #tpu.memory_space<hbm>> -> memref<8x128xf32, #tpu.memory_space<hbm>>
      tpu.wait_dma2 semaphore(%run_scoped3A : memref<!tpu.dma_semaphore, #tpu.memory_space<semaphore_mem>>) src(%arg8 : memref<8x128xf32, #tpu.memory_space<vmem>>) dst(%dma_wait3A_21 : memref<8x128xf32, #tpu.memory_space<hbm>>)
      tpu.yield
    }) : () -> ()
    return
  }
}

#map = affine_map<(d0, d1) -> (0, 0)>
#map1 = affine_map<(d0, d1) -> (0)>
module attributes {stable_mosaic.version = 14 : i64} {
  func.func @_gather_h(%arg0: i32, %arg1: i32, %arg2: memref<10000x128xf32, #tpu.memory_space<hbm>>, %arg3: memref<160000xi32, #tpu.memory_space<hbm>>, %arg4: memref<160000x128xf32, #tpu.memory_space<hbm>>, %arg5: memref<128xi32, #tpu.memory_space<vmem>>, %arg6: memref<128x128xf32, #tpu.memory_space<vmem>>, %arg7: memref<8xi32, #tpu.memory_space<vmem>>, %arg8: memref<8x128xf32, #tpu.memory_space<vmem>>, %arg9: memref<!tpu.dma_semaphore, #tpu.memory_space<semaphore_mem>>) attributes {dimension_semantics = [#tpu.dimension_semantics<core_parallel>, #tpu.dimension_semantics<subcore_parallel>], iteration_bounds = array<i64: 2, 16>, scalar_prefetch = 0 : i64, scratch_operands = 5 : i64, tpu.core_type = #tpu.core_type<sc_vector_subcore>, window_params = [{transform_indices = #map}, {transform_indices = #map1}, {transform_indices = #map}]} {
    %mul3A = arith.constant 2 : i32
    %mul3A_0 = arith.muli %arg1, %mul3A : i32
    %add3A = arith.addi %mul3A_0, %arg0 : i32
    %mul3A_1 = arith.constant 5000 : i32
    %mul3A_2 = arith.muli %add3A, %mul3A_1 : i32
    %scan3A = arith.constant 0 : i32
    %scan3A_3 = arith.constant 0 : i32
    %scan3A_4 = arith.constant 39 : i32
    %scan3A_5 = arith.addi %scan3A_3, %scan3A_4 : i32
    %scan3A_6 = arith.constant 1 : i32
    scf.for %scan3A_14 = %scan3A_3 to %scan3A_5 step %scan3A_6  : i32 {
      %mul3A_15 = arith.constant 128 : i32
      %mul3A_16 = arith.muli %scan3A_14, %mul3A_15 : i32
      %add3A_17 = arith.addi %mul3A_2, %mul3A_16 : i32
      "tpu.region"() ({
        %run_scoped3A = tpu.sem_alloc : memref<!tpu.dma_semaphore, #tpu.memory_space<semaphore_mem>>
        %dma_start3A_24 = tpu.memref_slice %arg3[%add3A_17] : memref<160000xi32, #tpu.memory_space<hbm>> -> memref<128xi32, #tpu.memory_space<hbm>>
        %dma_start3A_25 = tpu.memref_slice %arg3[%add3A_17] : memref<160000xi32, #tpu.memory_space<hbm>> -> memref<128xi32, #tpu.memory_space<hbm>>
        tpu.enqueue_dma source(%dma_start3A_25 : memref<128xi32, #tpu.memory_space<hbm>>) target(%arg5 : memref<128xi32, #tpu.memory_space<vmem>>) target_semaphore(%run_scoped3A : memref<!tpu.dma_semaphore, #tpu.memory_space<semaphore_mem>>)
        %dma_wait3A_26 = tpu.memref_slice %arg3[%add3A_17] : memref<160000xi32, #tpu.memory_space<hbm>> -> memref<128xi32, #tpu.memory_space<hbm>>
        %dma_wait3A_27 = tpu.memref_slice %arg3[%add3A_17] : memref<160000xi32, #tpu.memory_space<hbm>> -> memref<128xi32, #tpu.memory_space<hbm>>
        tpu.wait_dma2 semaphore(%run_scoped3A : memref<!tpu.dma_semaphore, #tpu.memory_space<semaphore_mem>>) src(%dma_wait3A_27 : memref<128xi32, #tpu.memory_space<hbm>>) dst(%arg5 : memref<128xi32, #tpu.memory_space<vmem>>)
        tpu.yield
      }) : () -> ()
      %dma_start3A_18 = arith.constant 0 : i32
      %dma_start3A_19 = arith.constant 0 : i32
      %dma_start3A_20 = tpu.memref_slice %arg2[%dma_start3A_18, %dma_start3A_19] : memref<10000x128xf32, #tpu.memory_space<hbm>> -> memref<10000x128xf32, #tpu.memory_space<hbm>>
      tpu.enqueue_indirect_dma source(%dma_start3A_20 : memref<10000x128xf32, #tpu.memory_space<hbm>>) target(%arg6 : memref<128x128xf32, #tpu.memory_space<vmem>>) offsets(%arg5 : memref<128xi32, #tpu.memory_space<vmem>>) semaphore(%arg9 : memref<!tpu.dma_semaphore, #tpu.memory_space<semaphore_mem>>)
      %dma_wait3A_21 = arith.constant 0 : i32
      %dma_wait3A_22 = arith.constant 0 : i32
      %dma_wait3A_23 = tpu.memref_slice %arg2[%dma_wait3A_21, %dma_wait3A_22] : memref<10000x128xf32, #tpu.memory_space<hbm>> -> memref<10000x128xf32, #tpu.memory_space<hbm>>
      tpu.wait_indirect_dma semaphore(%arg9 : memref<!tpu.dma_semaphore, #tpu.memory_space<semaphore_mem>>) src(%dma_wait3A_23 : memref<10000x128xf32, #tpu.memory_space<hbm>>) dst(%arg6 : memref<128x128xf32, #tpu.memory_space<vmem>>)
      "tpu.region"() ({
        %run_scoped3A = tpu.sem_alloc : memref<!tpu.dma_semaphore, #tpu.memory_space<semaphore_mem>>
        %dma_start3A_24 = arith.constant 0 : i32
        %dma_start3A_25 = tpu.memref_slice %arg4[%add3A_17, %dma_start3A_24] : memref<160000x128xf32, #tpu.memory_space<hbm>> -> memref<128x128xf32, #tpu.memory_space<hbm>>
        %dma_start3A_26 = arith.constant 0 : i32
        %dma_start3A_27 = tpu.memref_slice %arg4[%add3A_17, %dma_start3A_26] : memref<160000x128xf32, #tpu.memory_space<hbm>> -> memref<128x128xf32, #tpu.memory_space<hbm>>
        tpu.enqueue_dma source(%arg6 : memref<128x128xf32, #tpu.memory_space<vmem>>) target(%dma_start3A_27 : memref<128x128xf32, #tpu.memory_space<hbm>>) target_semaphore(%run_scoped3A : memref<!tpu.dma_semaphore, #tpu.memory_space<semaphore_mem>>)
        %dma_wait3A_28 = arith.constant 0 : i32
        %dma_wait3A_29 = tpu.memref_slice %arg4[%add3A_17, %dma_wait3A_28] : memref<160000x128xf32, #tpu.memory_space<hbm>> -> memref<128x128xf32, #tpu.memory_space<hbm>>
        %dma_wait3A_30 = arith.constant 0 : i32
        %dma_wait3A_31 = tpu.memref_slice %arg4[%add3A_17, %dma_wait3A_30] : memref<160000x128xf32, #tpu.memory_space<hbm>> -> memref<128x128xf32, #tpu.memory_space<hbm>>
        tpu.wait_dma2 semaphore(%run_scoped3A : memref<!tpu.dma_semaphore, #tpu.memory_space<semaphore_mem>>) src(%arg6 : memref<128x128xf32, #tpu.memory_space<vmem>>) dst(%dma_wait3A_31 : memref<128x128xf32, #tpu.memory_space<hbm>>)
        tpu.yield
      }) : () -> ()
    }
    %scan3A_7 = arith.constant 39 : i32
    %add3A_8 = arith.constant 4992 : i32
    %add3A_9 = arith.addi %mul3A_2, %add3A_8 : i32
    "tpu.region"() ({
      %run_scoped3A = tpu.sem_alloc : memref<!tpu.dma_semaphore, #tpu.memory_space<semaphore_mem>>
      %dma_start3A_14 = tpu.memref_slice %arg3[%add3A_9] : memref<160000xi32, #tpu.memory_space<hbm>> -> memref<8xi32, #tpu.memory_space<hbm>>
      %dma_start3A_15 = tpu.memref_slice %arg3[%add3A_9] : memref<160000xi32, #tpu.memory_space<hbm>> -> memref<8xi32, #tpu.memory_space<hbm>>
      tpu.enqueue_dma source(%dma_start3A_15 : memref<8xi32, #tpu.memory_space<hbm>>) target(%arg7 : memref<8xi32, #tpu.memory_space<vmem>>) target_semaphore(%run_scoped3A : memref<!tpu.dma_semaphore, #tpu.memory_space<semaphore_mem>>)
      %dma_wait3A_16 = tpu.memref_slice %arg3[%add3A_9] : memref<160000xi32, #tpu.memory_space<hbm>> -> memref<8xi32, #tpu.memory_space<hbm>>
      %dma_wait3A_17 = tpu.memref_slice %arg3[%add3A_9] : memref<160000xi32, #tpu.memory_space<hbm>> -> memref<8xi32, #tpu.memory_space<hbm>>
      tpu.wait_dma2 semaphore(%run_scoped3A : memref<!tpu.dma_semaphore, #tpu.memory_space<semaphore_mem>>) src(%dma_wait3A_17 : memref<8xi32, #tpu.memory_space<hbm>>) dst(%arg7 : memref<8xi32, #tpu.memory_space<vmem>>)
      tpu.yield
    }) : () -> ()
    %dma_start3A = arith.constant 0 : i32
    %dma_start3A_10 = arith.constant 0 : i32
    %dma_start3A_11 = tpu.memref_slice %arg2[%dma_start3A, %dma_start3A_10] : memref<10000x128xf32, #tpu.memory_space<hbm>> -> memref<10000x128xf32, #tpu.memory_space<hbm>>
    tpu.enqueue_indirect_dma source(%dma_start3A_11 : memref<10000x128xf32, #tpu.memory_space<hbm>>) target(%arg8 : memref<8x128xf32, #tpu.memory_space<vmem>>) offsets(%arg7 : memref<8xi32, #tpu.memory_space<vmem>>) semaphore(%arg9 : memref<!tpu.dma_semaphore, #tpu.memory_space<semaphore_mem>>)
    %dma_wait3A = arith.constant 0 : i32
    %dma_wait3A_12 = arith.constant 0 : i32
    %dma_wait3A_13 = tpu.memref_slice %arg2[%dma_wait3A, %dma_wait3A_12] : memref<10000x128xf32, #tpu.memory_space<hbm>> -> memref<10000x128xf32, #tpu.memory_space<hbm>>
    tpu.wait_indirect_dma semaphore(%arg9 : memref<!tpu.dma_semaphore, #tpu.memory_space<semaphore_mem>>) src(%dma_wait3A_13 : memref<10000x128xf32, #tpu.memory_space<hbm>>) dst(%arg8 : memref<8x128xf32, #tpu.memory_space<vmem>>)
    "tpu.region"() ({
      %run_scoped3A = tpu.sem_alloc : memref<!tpu.dma_semaphore, #tpu.memory_space<semaphore_mem>>
      %dma_start3A_14 = arith.constant 0 : i32
      %dma_start3A_15 = tpu.memref_slice %arg4[%add3A_9, %dma_start3A_14] : memref<160000x128xf32, #tpu.memory_space<hbm>> -> memref<8x128xf32, #tpu.memory_space<hbm>>
      %dma_start3A_16 = arith.constant 0 : i32
      %dma_start3A_17 = tpu.memref_slice %arg4[%add3A_9, %dma_start3A_16] : memref<160000x128xf32, #tpu.memory_space<hbm>> -> memref<8x128xf32, #tpu.memory_space<hbm>>
      tpu.enqueue_dma source(%arg8 : memref<8x128xf32, #tpu.memory_space<vmem>>) target(%dma_start3A_17 : memref<8x128xf32, #tpu.memory_space<hbm>>) target_semaphore(%run_scoped3A : memref<!tpu.dma_semaphore, #tpu.memory_space<semaphore_mem>>)
      %dma_wait3A_18 = arith.constant 0 : i32
      %dma_wait3A_19 = tpu.memref_slice %arg4[%add3A_9, %dma_wait3A_18] : memref<160000x128xf32, #tpu.memory_space<hbm>> -> memref<8x128xf32, #tpu.memory_space<hbm>>
      %dma_wait3A_20 = arith.constant 0 : i32
      %dma_wait3A_21 = tpu.memref_slice %arg4[%add3A_9, %dma_wait3A_20] : memref<160000x128xf32, #tpu.memory_space<hbm>> -> memref<8x128xf32, #tpu.memory_space<hbm>>
      tpu.wait_dma2 semaphore(%run_scoped3A : memref<!tpu.dma_semaphore, #tpu.memory_space<semaphore_mem>>) src(%arg8 : memref<8x128xf32, #tpu.memory_space<vmem>>) dst(%dma_wait3A_21 : memref<8x128xf32, #tpu.memory_space<hbm>>)
      tpu.yield
    }) : () -> ()
    return
  }
}

#map = affine_map<(d0, d1) -> (0, 0)>
#map1 = affine_map<(d0, d1) -> (0)>
module attributes {stable_mosaic.version = 14 : i64} {
  func.func @_scatter_add(%arg0: i32, %arg1: i32, %arg2: memref<160000x128xf32, #tpu.memory_space<hbm>>, %arg3: memref<160000xi32, #tpu.memory_space<hbm>>, %arg4: memref<10000x128xf32, #tpu.memory_space<hbm>>, %arg5: memref<10000x128xf32, #tpu.memory_space<hbm>>, %arg6: memref<10000x128xf32, #tpu.memory_space<hbm>>, %arg7: memref<128xi32, #tpu.memory_space<vmem>>, %arg8: memref<128x128xf32, #tpu.memory_space<vmem>>, %arg9: memref<8xi32, #tpu.memory_space<vmem>>, %arg10: memref<8x128xf32, #tpu.memory_space<vmem>>, %arg11: memref<10000x128xf32, #tpu.memory_space<vmem_shared>>, %arg12: memref<!tpu.dma_semaphore, #tpu.memory_space<semaphore_mem>>) attributes {dimension_semantics = [#tpu.dimension_semantics<core_parallel>, #tpu.dimension_semantics<subcore_parallel>], iteration_bounds = array<i64: 2, 16>, scalar_prefetch = 0 : i64, scratch_operands = 6 : i64, tpu.core_type = #tpu.core_type<sc_vector_subcore>, window_params = [{transform_indices = #map}, {transform_indices = #map1}, {transform_indices = #map}, {transform_indices = #map}, {transform_indices = #map}]} {
    %mul3A = arith.constant 624 : i32
    %mul3A_0 = arith.muli %arg1, %mul3A : i32
    "tpu.region"() ({
      %run_scoped3A = tpu.sem_alloc : memref<!tpu.dma_semaphore, #tpu.memory_space<semaphore_mem>>
      %dma_start3A = arith.constant 0 : i32
      %dma_start3A_25 = tpu.memref_slice %arg11[%mul3A_0, %dma_start3A] : memref<10000x128xf32, #tpu.memory_space<vmem_shared>> -> memref<624x128xf32, #tpu.memory_space<vmem_shared>>
      %dma_start3A_26 = arith.constant 0 : i32
      %dma_start3A_27 = tpu.memref_slice %arg4[%mul3A_0, %dma_start3A_26] : memref<10000x128xf32, #tpu.memory_space<hbm>> -> memref<624x128xf32, #tpu.memory_space<hbm>>
      tpu.enqueue_dma source(%dma_start3A_27 : memref<624x128xf32, #tpu.memory_space<hbm>>) target(%dma_start3A_25 : memref<624x128xf32, #tpu.memory_space<vmem_shared>>) target_semaphore(%run_scoped3A : memref<!tpu.dma_semaphore, #tpu.memory_space<semaphore_mem>>)
      %dma_wait3A = arith.constant 0 : i32
      %dma_wait3A_28 = tpu.memref_slice %arg11[%mul3A_0, %dma_wait3A] : memref<10000x128xf32, #tpu.memory_space<vmem_shared>> -> memref<624x128xf32, #tpu.memory_space<vmem_shared>>
      %dma_wait3A_29 = arith.constant 0 : i32
      %dma_wait3A_30 = tpu.memref_slice %arg4[%mul3A_0, %dma_wait3A_29] : memref<10000x128xf32, #tpu.memory_space<hbm>> -> memref<624x128xf32, #tpu.memory_space<hbm>>
      tpu.wait_dma2 semaphore(%run_scoped3A : memref<!tpu.dma_semaphore, #tpu.memory_space<semaphore_mem>>) src(%dma_wait3A_30 : memref<624x128xf32, #tpu.memory_space<hbm>>) dst(%dma_wait3A_28 : memref<624x128xf32, #tpu.memory_space<vmem_shared>>)
      tpu.yield
    }) : () -> ()
    %eq3A = arith.constant 0 : i32
    %eq3A_1 = arith.cmpi eq, %arg1, %eq3A : i32
    %convert_element_type3A = arith.extui %eq3A_1 : i1 to i32
    %cond3A = arith.constant 0 : i32
    %cond3A_2 = arith.cmpi ne, %convert_element_type3A, %cond3A : i32
    scf.if %cond3A_2 {
      "tpu.region"() ({
        %run_scoped3A = tpu.sem_alloc : memref<!tpu.dma_semaphore, #tpu.memory_space<semaphore_mem>>
        %dma_start3A = arith.constant 9984 : i32
        %dma_start3A_25 = arith.constant 0 : i32
        %dma_start3A_26 = tpu.memref_slice %arg11[%dma_start3A, %dma_start3A_25] : memref<10000x128xf32, #tpu.memory_space<vmem_shared>> -> memref<16x128xf32, #tpu.memory_space<vmem_shared>>
        %dma_start3A_27 = arith.constant 9984 : i32
        %dma_start3A_28 = arith.constant 0 : i32
        %dma_start3A_29 = tpu.memref_slice %arg4[%dma_start3A_27, %dma_start3A_28] : memref<10000x128xf32, #tpu.memory_space<hbm>> -> memref<16x128xf32, #tpu.memory_space<hbm>>
        tpu.enqueue_dma source(%dma_start3A_29 : memref<16x128xf32, #tpu.memory_space<hbm>>) target(%dma_start3A_26 : memref<16x128xf32, #tpu.memory_space<vmem_shared>>) target_semaphore(%run_scoped3A : memref<!tpu.dma_semaphore, #tpu.memory_space<semaphore_mem>>)
        %dma_wait3A = arith.constant 9984 : i32
        %dma_wait3A_30 = arith.constant 0 : i32
        %dma_wait3A_31 = tpu.memref_slice %arg11[%dma_wait3A, %dma_wait3A_30] : memref<10000x128xf32, #tpu.memory_space<vmem_shared>> -> memref<16x128xf32, #tpu.memory_space<vmem_shared>>
        %dma_wait3A_32 = arith.constant 9984 : i32
        %dma_wait3A_33 = arith.constant 0 : i32
        %dma_wait3A_34 = tpu.memref_slice %arg4[%dma_wait3A_32, %dma_wait3A_33] : memref<10000x128xf32, #tpu.memory_space<hbm>> -> memref<16x128xf32, #tpu.memory_space<hbm>>
        tpu.wait_dma2 semaphore(%run_scoped3A : memref<!tpu.dma_semaphore, #tpu.memory_space<semaphore_mem>>) src(%dma_wait3A_34 : memref<16x128xf32, #tpu.memory_space<hbm>>) dst(%dma_wait3A_31 : memref<16x128xf32, #tpu.memory_space<vmem_shared>>)
        tpu.yield
      }) : () -> ()
    } else {
    }
    %barrier3A = arith.constant 0 : index
    tpu.barrier barrier_id(%barrier3A)
    %mul3A_3 = arith.constant 2 : i32
    %mul3A_4 = arith.muli %arg1, %mul3A_3 : i32
    %add3A = arith.addi %mul3A_4, %arg0 : i32
    %mul3A_5 = arith.constant 5000 : i32
    %mul3A_6 = arith.muli %add3A, %mul3A_5 : i32
    %scan3A = arith.constant 0 : i32
    %scan3A_7 = arith.constant 0 : i32
    %scan3A_8 = arith.constant 39 : i32
    %scan3A_9 = arith.addi %scan3A_7, %scan3A_8 : i32
    %scan3A_10 = arith.constant 1 : i32
    scf.for %scan3A_25 = %scan3A_7 to %scan3A_9 step %scan3A_10  : i32 {
      %mul3A_26 = arith.constant 128 : i32
      %mul3A_27 = arith.muli %scan3A_25, %mul3A_26 : i32
      %add3A_28 = arith.addi %mul3A_6, %mul3A_27 : i32
      "tpu.region"() ({
        %run_scoped3A = tpu.sem_alloc : memref<!tpu.dma_semaphore, #tpu.memory_space<semaphore_mem>>
        %dma_start3A = tpu.memref_slice %arg3[%add3A_28] : memref<160000xi32, #tpu.memory_space<hbm>> -> memref<128xi32, #tpu.memory_space<hbm>>
        %dma_start3A_29 = tpu.memref_slice %arg3[%add3A_28] : memref<160000xi32, #tpu.memory_space<hbm>> -> memref<128xi32, #tpu.memory_space<hbm>>
        tpu.enqueue_dma source(%dma_start3A_29 : memref<128xi32, #tpu.memory_space<hbm>>) target(%arg7 : memref<128xi32, #tpu.memory_space<vmem>>) target_semaphore(%run_scoped3A : memref<!tpu.dma_semaphore, #tpu.memory_space<semaphore_mem>>)
        %dma_wait3A = tpu.memref_slice %arg3[%add3A_28] : memref<160000xi32, #tpu.memory_space<hbm>> -> memref<128xi32, #tpu.memory_space<hbm>>
        %dma_wait3A_30 = tpu.memref_slice %arg3[%add3A_28] : memref<160000xi32, #tpu.memory_space<hbm>> -> memref<128xi32, #tpu.memory_space<hbm>>
        tpu.wait_dma2 semaphore(%run_scoped3A : memref<!tpu.dma_semaphore, #tpu.memory_space<semaphore_mem>>) src(%dma_wait3A_30 : memref<128xi32, #tpu.memory_space<hbm>>) dst(%arg7 : memref<128xi32, #tpu.memory_space<vmem>>)
        tpu.yield
      }) : () -> ()
      "tpu.region"() ({
        %run_scoped3A = tpu.sem_alloc : memref<!tpu.dma_semaphore, #tpu.memory_space<semaphore_mem>>
        %dma_start3A = arith.constant 0 : i32
        %dma_start3A_29 = tpu.memref_slice %arg2[%add3A_28, %dma_start3A] : memref<160000x128xf32, #tpu.memory_space<hbm>> -> memref<128x128xf32, #tpu.memory_space<hbm>>
        %dma_start3A_30 = arith.constant 0 : i32
        %dma_start3A_31 = tpu.memref_slice %arg2[%add3A_28, %dma_start3A_30] : memref<160000x128xf32, #tpu.memory_space<hbm>> -> memref<128x128xf32, #tpu.memory_space<hbm>>
        tpu.enqueue_dma source(%dma_start3A_31 : memref<128x128xf32, #tpu.memory_space<hbm>>) target(%arg8 : memref<128x128xf32, #tpu.memory_space<vmem>>) target_semaphore(%run_scoped3A : memref<!tpu.dma_semaphore, #tpu.memory_space<semaphore_mem>>)
        %dma_wait3A = arith.constant 0 : i32
        %dma_wait3A_32 = tpu.memref_slice %arg2[%add3A_28, %dma_wait3A] : memref<160000x128xf32, #tpu.memory_space<hbm>> -> memref<128x128xf32, #tpu.memory_space<hbm>>
        %dma_wait3A_33 = arith.constant 0 : i32
        %dma_wait3A_34 = tpu.memref_slice %arg2[%add3A_28, %dma_wait3A_33] : memref<160000x128xf32, #tpu.memory_space<hbm>> -> memref<128x128xf32, #tpu.memory_space<hbm>>
        tpu.wait_dma2 semaphore(%run_scoped3A : memref<!tpu.dma_semaphore, #tpu.memory_space<semaphore_mem>>) src(%dma_wait3A_34 : memref<128x128xf32, #tpu.memory_space<hbm>>) dst(%arg8 : memref<128x128xf32, #tpu.memory_space<vmem>>)
        tpu.yield
      }) : () -> ()
      "tpu.region"() ({
        %run_scoped3A = tpu.sem_alloc : memref<!tpu.dma_semaphore, #tpu.memory_space<semaphore_mem>>
        %dma_start3A = arith.constant 0 : i32
        %dma_start3A_29 = arith.constant 0 : i32
        %dma_start3A_30 = tpu.memref_slice %arg11[%dma_start3A, %dma_start3A_29] : memref<10000x128xf32, #tpu.memory_space<vmem_shared>> -> memref<10000x128xf32, #tpu.memory_space<vmem_shared>>
        tpu.enqueue_indirect_dma source(%arg8 : memref<128x128xf32, #tpu.memory_space<vmem>>) target(%dma_start3A_30 : memref<10000x128xf32, #tpu.memory_space<vmem_shared>>) offsets(%arg7 : memref<128xi32, #tpu.memory_space<vmem>>) semaphore(%run_scoped3A : memref<!tpu.dma_semaphore, #tpu.memory_space<semaphore_mem>>) {add = true}
        %dma_wait3A = arith.constant 0 : i32
        %dma_wait3A_31 = arith.constant 0 : i32
        %dma_wait3A_32 = tpu.memref_slice %arg11[%dma_wait3A, %dma_wait3A_31] : memref<10000x128xf32, #tpu.memory_space<vmem_shared>> -> memref<10000x128xf32, #tpu.memory_space<vmem_shared>>
        tpu.wait_indirect_dma semaphore(%run_scoped3A : memref<!tpu.dma_semaphore, #tpu.memory_space<semaphore_mem>>) src(%arg8 : memref<128x128xf32, #tpu.memory_space<vmem>>) dst(%dma_wait3A_32 : memref<10000x128xf32, #tpu.memory_space<vmem_shared>>)
        tpu.yield
      }) : () -> ()
    }
    %scan3A_11 = arith.constant 39 : i32
    %add3A_12 = arith.constant 4992 : i32
    %add3A_13 = arith.addi %mul3A_6, %add3A_12 : i32
    "tpu.region"() ({
      %run_scoped3A = tpu.sem_alloc : memref<!tpu.dma_semaphore, #tpu.memory_space<semaphore_mem>>
      %dma_start3A = tpu.memref_slice %arg3[%add3A_13] : memref<160000xi32, #tpu.memory_space<hbm>> -> memref<8xi32, #tpu.memory_space<hbm>>
      %dma_start3A_25 = tpu.memref_slice %arg3[%add3A_13] : memref<160000xi32, #tpu.memory_space<hbm>> -> memref<8xi32, #tpu.memory_space<hbm>>
      tpu.enqueue_dma source(%dma_start3A_25 : memref<8xi32, #tpu.memory_space<hbm>>) target(%arg9 : memref<8xi32, #tpu.memory_space<vmem>>) target_semaphore(%run_scoped3A : memref<!tpu.dma_semaphore, #tpu.memory_space<semaphore_mem>>)
      %dma_wait3A = tpu.memref_slice %arg3[%add3A_13] : memref<160000xi32, #tpu.memory_space<hbm>> -> memref<8xi32, #tpu.memory_space<hbm>>
      %dma_wait3A_26 = tpu.memref_slice %arg3[%add3A_13] : memref<160000xi32, #tpu.memory_space<hbm>> -> memref<8xi32, #tpu.memory_space<hbm>>
      tpu.wait_dma2 semaphore(%run_scoped3A : memref<!tpu.dma_semaphore, #tpu.memory_space<semaphore_mem>>) src(%dma_wait3A_26 : memref<8xi32, #tpu.memory_space<hbm>>) dst(%arg9 : memref<8xi32, #tpu.memory_space<vmem>>)
      tpu.yield
    }) : () -> ()
    "tpu.region"() ({
      %run_scoped3A = tpu.sem_alloc : memref<!tpu.dma_semaphore, #tpu.memory_space<semaphore_mem>>
      %dma_start3A = arith.constant 0 : i32
      %dma_start3A_25 = tpu.memref_slice %arg2[%add3A_13, %dma_start3A] : memref<160000x128xf32, #tpu.memory_space<hbm>> -> memref<8x128xf32, #tpu.memory_space<hbm>>
      %dma_start3A_26 = arith.constant 0 : i32
      %dma_start3A_27 = tpu.memref_slice %arg2[%add3A_13, %dma_start3A_26] : memref<160000x128xf32, #tpu.memory_space<hbm>> -> memref<8x128xf32, #tpu.memory_space<hbm>>
      tpu.enqueue_dma source(%dma_start3A_27 : memref<8x128xf32, #tpu.memory_space<hbm>>) target(%arg10 : memref<8x128xf32, #tpu.memory_space<vmem>>) target_semaphore(%run_scoped3A : memref<!tpu.dma_semaphore, #tpu.memory_space<semaphore_mem>>)
      %dma_wait3A = arith.constant 0 : i32
      %dma_wait3A_28 = tpu.memref_slice %arg2[%add3A_13, %dma_wait3A] : memref<160000x128xf32, #tpu.memory_space<hbm>> -> memref<8x128xf32, #tpu.memory_space<hbm>>
      %dma_wait3A_29 = arith.constant 0 : i32
      %dma_wait3A_30 = tpu.memref_slice %arg2[%add3A_13, %dma_wait3A_29] : memref<160000x128xf32, #tpu.memory_space<hbm>> -> memref<8x128xf32, #tpu.memory_space<hbm>>
      tpu.wait_dma2 semaphore(%run_scoped3A : memref<!tpu.dma_semaphore, #tpu.memory_space<semaphore_mem>>) src(%dma_wait3A_30 : memref<8x128xf32, #tpu.memory_space<hbm>>) dst(%arg10 : memref<8x128xf32, #tpu.memory_space<vmem>>)
      tpu.yield
    }) : () -> ()
    "tpu.region"() ({
      %run_scoped3A = tpu.sem_alloc : memref<!tpu.dma_semaphore, #tpu.memory_space<semaphore_mem>>
      %dma_start3A = arith.constant 0 : i32
      %dma_start3A_25 = arith.constant 0 : i32
      %dma_start3A_26 = tpu.memref_slice %arg11[%dma_start3A, %dma_start3A_25] : memref<10000x128xf32, #tpu.memory_space<vmem_shared>> -> memref<10000x128xf32, #tpu.memory_space<vmem_shared>>
      tpu.enqueue_indirect_dma source(%arg10 : memref<8x128xf32, #tpu.memory_space<vmem>>) target(%dma_start3A_26 : memref<10000x128xf32, #tpu.memory_space<vmem_shared>>) offsets(%arg9 : memref<8xi32, #tpu.memory_space<vmem>>) semaphore(%run_scoped3A : memref<!tpu.dma_semaphore, #tpu.memory_space<semaphore_mem>>) {add = true}
      %dma_wait3A = arith.constant 0 : i32
      %dma_wait3A_27 = arith.constant 0 : i32
      %dma_wait3A_28 = tpu.memref_slice %arg11[%dma_wait3A, %dma_wait3A_27] : memref<10000x128xf32, #tpu.memory_space<vmem_shared>> -> memref<10000x128xf32, #tpu.memory_space<vmem_shared>>
      tpu.wait_indirect_dma semaphore(%run_scoped3A : memref<!tpu.dma_semaphore, #tpu.memory_space<semaphore_mem>>) src(%arg10 : memref<8x128xf32, #tpu.memory_space<vmem>>) dst(%dma_wait3A_28 : memref<10000x128xf32, #tpu.memory_space<vmem_shared>>)
      tpu.yield
    }) : () -> ()
    %barrier3A_14 = arith.constant 0 : index
    tpu.barrier barrier_id(%barrier3A_14)
    %eq3A_15 = arith.constant 0 : i32
    %eq3A_16 = arith.cmpi eq, %arg0, %eq3A_15 : i32
    %convert_element_type3A_17 = arith.extui %eq3A_16 : i1 to i32
    %cond3A_18 = arith.constant 0 : i32
    %cond3A_19 = arith.cmpi ne, %convert_element_type3A_17, %cond3A_18 : i32
    scf.if %cond3A_19 {
      "tpu.region"() ({
        %run_scoped3A = tpu.sem_alloc : memref<!tpu.dma_semaphore, #tpu.memory_space<semaphore_mem>>
        %dma_start3A = arith.constant 0 : i32
        %dma_start3A_30 = tpu.memref_slice %arg5[%mul3A_0, %dma_start3A] : memref<10000x128xf32, #tpu.memory_space<hbm>> -> memref<624x128xf32, #tpu.memory_space<hbm>>
        %dma_start3A_31 = arith.constant 0 : i32
        %dma_start3A_32 = tpu.memref_slice %arg11[%mul3A_0, %dma_start3A_31] : memref<10000x128xf32, #tpu.memory_space<vmem_shared>> -> memref<624x128xf32, #tpu.memory_space<vmem_shared>>
        tpu.enqueue_dma source(%dma_start3A_32 : memref<624x128xf32, #tpu.memory_space<vmem_shared>>) target(%dma_start3A_30 : memref<624x128xf32, #tpu.memory_space<hbm>>) target_semaphore(%run_scoped3A : memref<!tpu.dma_semaphore, #tpu.memory_space<semaphore_mem>>)
        %dma_wait3A = arith.constant 0 : i32
        %dma_wait3A_33 = tpu.memref_slice %arg5[%mul3A_0, %dma_wait3A] : memref<10000x128xf32, #tpu.memory_space<hbm>> -> memref<624x128xf32, #tpu.memory_space<hbm>>
        %dma_wait3A_34 = arith.constant 0 : i32
        %dma_wait3A_35 = tpu.memref_slice %arg11[%mul3A_0, %dma_wait3A_34] : memref<10000x128xf32, #tpu.memory_space<vmem_shared>> -> memref<624x128xf32, #tpu.memory_space<vmem_shared>>
        tpu.wait_dma2 semaphore(%run_scoped3A : memref<!tpu.dma_semaphore, #tpu.memory_space<semaphore_mem>>) src(%dma_wait3A_35 : memref<624x128xf32, #tpu.memory_space<vmem_shared>>) dst(%dma_wait3A_33 : memref<624x128xf32, #tpu.memory_space<hbm>>)
        tpu.yield
      }) : () -> ()
      %eq3A_25 = arith.constant 0 : i32
      %eq3A_26 = arith.cmpi eq, %arg1, %eq3A_25 : i32
      %convert_element_type3A_27 = arith.extui %eq3A_26 : i1 to i32
      %cond3A_28 = arith.constant 0 : i32
      %cond3A_29 = arith.cmpi ne, %convert_element_type3A_27, %cond3A_28 : i32
      scf.if %cond3A_29 {
        "tpu.region"() ({
          %run_scoped3A = tpu.sem_alloc : memref<!tpu.dma_semaphore, #tpu.memory_space<semaphore_mem>>
          %dma_start3A = arith.constant 9984 : i32
          %dma_start3A_30 = arith.constant 0 : i32
          %dma_start3A_31 = tpu.memref_slice %arg5[%dma_start3A, %dma_start3A_30] : memref<10000x128xf32, #tpu.memory_space<hbm>> -> memref<16x128xf32, #tpu.memory_space<hbm>>
          %dma_start3A_32 = arith.constant 9984 : i32
          %dma_start3A_33 = arith.constant 0 : i32
          %dma_start3A_34 = tpu.memref_slice %arg11[%dma_start3A_32, %dma_start3A_33] : memref<10000x128xf32, #tpu.memory_space<vmem_shared>> -> memref<16x128xf32, #tpu.memory_space<vmem_shared>>
          tpu.enqueue_dma source(%dma_start3A_34 : memref<16x128xf32, #tpu.memory_space<vmem_shared>>) target(%dma_start3A_31 : memref<16x128xf32, #tpu.memory_space<hbm>>) target_semaphore(%run_scoped3A : memref<!tpu.dma_semaphore, #tpu.memory_space<semaphore_mem>>)
          %dma_wait3A = arith.constant 9984 : i32
          %dma_wait3A_35 = arith.constant 0 : i32
          %dma_wait3A_36 = tpu.memref_slice %arg5[%dma_wait3A, %dma_wait3A_35] : memref<10000x128xf32, #tpu.memory_space<hbm>> -> memref<16x128xf32, #tpu.memory_space<hbm>>
          %dma_wait3A_37 = arith.constant 9984 : i32
          %dma_wait3A_38 = arith.constant 0 : i32
          %dma_wait3A_39 = tpu.memref_slice %arg11[%dma_wait3A_37, %dma_wait3A_38] : memref<10000x128xf32, #tpu.memory_space<vmem_shared>> -> memref<16x128xf32, #tpu.memory_space<vmem_shared>>
          tpu.wait_dma2 semaphore(%run_scoped3A : memref<!tpu.dma_semaphore, #tpu.memory_space<semaphore_mem>>) src(%dma_wait3A_39 : memref<16x128xf32, #tpu.memory_space<vmem_shared>>) dst(%dma_wait3A_36 : memref<16x128xf32, #tpu.memory_space<hbm>>)
          tpu.yield
        }) : () -> ()
      } else {
      }
    } else {
    }
    %eq3A_20 = arith.constant 1 : i32
    %eq3A_21 = arith.cmpi eq, %arg0, %eq3A_20 : i32
    %convert_element_type3A_22 = arith.extui %eq3A_21 : i1 to i32
    %cond3A_23 = arith.constant 0 : i32
    %cond3A_24 = arith.cmpi ne, %convert_element_type3A_22, %cond3A_23 : i32
    scf.if %cond3A_24 {
      "tpu.region"() ({
        %run_scoped3A = tpu.sem_alloc : memref<!tpu.dma_semaphore, #tpu.memory_space<semaphore_mem>>
        %dma_start3A = arith.constant 0 : i32
        %dma_start3A_30 = tpu.memref_slice %arg6[%mul3A_0, %dma_start3A] : memref<10000x128xf32, #tpu.memory_space<hbm>> -> memref<624x128xf32, #tpu.memory_space<hbm>>
        %dma_start3A_31 = arith.constant 0 : i32
        %dma_start3A_32 = tpu.memref_slice %arg11[%mul3A_0, %dma_start3A_31] : memref<10000x128xf32, #tpu.memory_space<vmem_shared>> -> memref<624x128xf32, #tpu.memory_space<vmem_shared>>
        tpu.enqueue_dma source(%dma_start3A_32 : memref<624x128xf32, #tpu.memory_space<vmem_shared>>) target(%dma_start3A_30 : memref<624x128xf32, #tpu.memory_space<hbm>>) target_semaphore(%run_scoped3A : memref<!tpu.dma_semaphore, #tpu.memory_space<semaphore_mem>>)
        %dma_wait3A = arith.constant 0 : i32
        %dma_wait3A_33 = tpu.memref_slice %arg6[%mul3A_0, %dma_wait3A] : memref<10000x128xf32, #tpu.memory_space<hbm>> -> memref<624x128xf32, #tpu.memory_space<hbm>>
        %dma_wait3A_34 = arith.constant 0 : i32
        %dma_wait3A_35 = tpu.memref_slice %arg11[%mul3A_0, %dma_wait3A_34] : memref<10000x128xf32, #tpu.memory_space<vmem_shared>> -> memref<624x128xf32, #tpu.memory_space<vmem_shared>>
        tpu.wait_dma2 semaphore(%run_scoped3A : memref<!tpu.dma_semaphore, #tpu.memory_space<semaphore_mem>>) src(%dma_wait3A_35 : memref<624x128xf32, #tpu.memory_space<vmem_shared>>) dst(%dma_wait3A_33 : memref<624x128xf32, #tpu.memory_space<hbm>>)
        tpu.yield
      }) : () -> ()
      %eq3A_25 = arith.constant 0 : i32
      %eq3A_26 = arith.cmpi eq, %arg1, %eq3A_25 : i32
      %convert_element_type3A_27 = arith.extui %eq3A_26 : i1 to i32
      %cond3A_28 = arith.constant 0 : i32
      %cond3A_29 = arith.cmpi ne, %convert_element_type3A_27, %cond3A_28 : i32
      scf.if %cond3A_29 {
        "tpu.region"() ({
          %run_scoped3A = tpu.sem_alloc : memref<!tpu.dma_semaphore, #tpu.memory_space<semaphore_mem>>
          %dma_start3A = arith.constant 9984 : i32
          %dma_start3A_30 = arith.constant 0 : i32
          %dma_start3A_31 = tpu.memref_slice %arg6[%dma_start3A, %dma_start3A_30] : memref<10000x128xf32, #tpu.memory_space<hbm>> -> memref<16x128xf32, #tpu.memory_space<hbm>>
          %dma_start3A_32 = arith.constant 9984 : i32
          %dma_start3A_33 = arith.constant 0 : i32
          %dma_start3A_34 = tpu.memref_slice %arg11[%dma_start3A_32, %dma_start3A_33] : memref<10000x128xf32, #tpu.memory_space<vmem_shared>> -> memref<16x128xf32, #tpu.memory_space<vmem_shared>>
          tpu.enqueue_dma source(%dma_start3A_34 : memref<16x128xf32, #tpu.memory_space<vmem_shared>>) target(%dma_start3A_31 : memref<16x128xf32, #tpu.memory_space<hbm>>) target_semaphore(%run_scoped3A : memref<!tpu.dma_semaphore, #tpu.memory_space<semaphore_mem>>)
          %dma_wait3A = arith.constant 9984 : i32
          %dma_wait3A_35 = arith.constant 0 : i32
          %dma_wait3A_36 = tpu.memref_slice %arg6[%dma_wait3A, %dma_wait3A_35] : memref<10000x128xf32, #tpu.memory_space<hbm>> -> memref<16x128xf32, #tpu.memory_space<hbm>>
          %dma_wait3A_37 = arith.constant 9984 : i32
          %dma_wait3A_38 = arith.constant 0 : i32
          %dma_wait3A_39 = tpu.memref_slice %arg11[%dma_wait3A_37, %dma_wait3A_38] : memref<10000x128xf32, #tpu.memory_space<vmem_shared>> -> memref<16x128xf32, #tpu.memory_space<vmem_shared>>
          tpu.wait_dma2 semaphore(%run_scoped3A : memref<!tpu.dma_semaphore, #tpu.memory_space<semaphore_mem>>) src(%dma_wait3A_39 : memref<16x128xf32, #tpu.memory_space<vmem_shared>>) dst(%dma_wait3A_36 : memref<16x128xf32, #tpu.memory_space<hbm>>)
          tpu.yield
        }) : () -> ()
      } else {
      }
    } else {
    }
    return
  }
}

#map = affine_map<(d0, d1) -> (0, 0)>
#map1 = affine_map<(d0, d1) -> (0)>
module attributes {stable_mosaic.version = 14 : i64} {
  func.func @_gather_h(%arg0: i32, %arg1: i32, %arg2: memref<10000x128xf32, #tpu.memory_space<hbm>>, %arg3: memref<160000xi32, #tpu.memory_space<hbm>>, %arg4: memref<160000x128xf32, #tpu.memory_space<hbm>>, %arg5: memref<128xi32, #tpu.memory_space<vmem>>, %arg6: memref<128x128xf32, #tpu.memory_space<vmem>>, %arg7: memref<8xi32, #tpu.memory_space<vmem>>, %arg8: memref<8x128xf32, #tpu.memory_space<vmem>>, %arg9: memref<!tpu.dma_semaphore, #tpu.memory_space<semaphore_mem>>) attributes {dimension_semantics = [#tpu.dimension_semantics<core_parallel>, #tpu.dimension_semantics<subcore_parallel>], iteration_bounds = array<i64: 2, 16>, scalar_prefetch = 0 : i64, scratch_operands = 5 : i64, tpu.core_type = #tpu.core_type<sc_vector_subcore>, window_params = [{transform_indices = #map}, {transform_indices = #map1}, {transform_indices = #map}]} {
    %mul3A = arith.constant 2 : i32
    %mul3A_0 = arith.muli %arg1, %mul3A : i32
    %add3A = arith.addi %mul3A_0, %arg0 : i32
    %mul3A_1 = arith.constant 5000 : i32
    %mul3A_2 = arith.muli %add3A, %mul3A_1 : i32
    %scan3A = arith.constant 0 : i32
    %scan3A_3 = arith.constant 0 : i32
    %scan3A_4 = arith.constant 39 : i32
    %scan3A_5 = arith.addi %scan3A_3, %scan3A_4 : i32
    %scan3A_6 = arith.constant 1 : i32
    scf.for %scan3A_14 = %scan3A_3 to %scan3A_5 step %scan3A_6  : i32 {
      %mul3A_15 = arith.constant 128 : i32
      %mul3A_16 = arith.muli %scan3A_14, %mul3A_15 : i32
      %add3A_17 = arith.addi %mul3A_2, %mul3A_16 : i32
      "tpu.region"() ({
        %run_scoped3A = tpu.sem_alloc : memref<!tpu.dma_semaphore, #tpu.memory_space<semaphore_mem>>
        %dma_start3A_24 = tpu.memref_slice %arg3[%add3A_17] : memref<160000xi32, #tpu.memory_space<hbm>> -> memref<128xi32, #tpu.memory_space<hbm>>
        %dma_start3A_25 = tpu.memref_slice %arg3[%add3A_17] : memref<160000xi32, #tpu.memory_space<hbm>> -> memref<128xi32, #tpu.memory_space<hbm>>
        tpu.enqueue_dma source(%dma_start3A_25 : memref<128xi32, #tpu.memory_space<hbm>>) target(%arg5 : memref<128xi32, #tpu.memory_space<vmem>>) target_semaphore(%run_scoped3A : memref<!tpu.dma_semaphore, #tpu.memory_space<semaphore_mem>>)
        %dma_wait3A_26 = tpu.memref_slice %arg3[%add3A_17] : memref<160000xi32, #tpu.memory_space<hbm>> -> memref<128xi32, #tpu.memory_space<hbm>>
        %dma_wait3A_27 = tpu.memref_slice %arg3[%add3A_17] : memref<160000xi32, #tpu.memory_space<hbm>> -> memref<128xi32, #tpu.memory_space<hbm>>
        tpu.wait_dma2 semaphore(%run_scoped3A : memref<!tpu.dma_semaphore, #tpu.memory_space<semaphore_mem>>) src(%dma_wait3A_27 : memref<128xi32, #tpu.memory_space<hbm>>) dst(%arg5 : memref<128xi32, #tpu.memory_space<vmem>>)
        tpu.yield
      }) : () -> ()
      %dma_start3A_18 = arith.constant 0 : i32
      %dma_start3A_19 = arith.constant 0 : i32
      %dma_start3A_20 = tpu.memref_slice %arg2[%dma_start3A_18, %dma_start3A_19] : memref<10000x128xf32, #tpu.memory_space<hbm>> -> memref<10000x128xf32, #tpu.memory_space<hbm>>
      tpu.enqueue_indirect_dma source(%dma_start3A_20 : memref<10000x128xf32, #tpu.memory_space<hbm>>) target(%arg6 : memref<128x128xf32, #tpu.memory_space<vmem>>) offsets(%arg5 : memref<128xi32, #tpu.memory_space<vmem>>) semaphore(%arg9 : memref<!tpu.dma_semaphore, #tpu.memory_space<semaphore_mem>>)
      %dma_wait3A_21 = arith.constant 0 : i32
      %dma_wait3A_22 = arith.constant 0 : i32
      %dma_wait3A_23 = tpu.memref_slice %arg2[%dma_wait3A_21, %dma_wait3A_22] : memref<10000x128xf32, #tpu.memory_space<hbm>> -> memref<10000x128xf32, #tpu.memory_space<hbm>>
      tpu.wait_indirect_dma semaphore(%arg9 : memref<!tpu.dma_semaphore, #tpu.memory_space<semaphore_mem>>) src(%dma_wait3A_23 : memref<10000x128xf32, #tpu.memory_space<hbm>>) dst(%arg6 : memref<128x128xf32, #tpu.memory_space<vmem>>)
      "tpu.region"() ({
        %run_scoped3A = tpu.sem_alloc : memref<!tpu.dma_semaphore, #tpu.memory_space<semaphore_mem>>
        %dma_start3A_24 = arith.constant 0 : i32
        %dma_start3A_25 = tpu.memref_slice %arg4[%add3A_17, %dma_start3A_24] : memref<160000x128xf32, #tpu.memory_space<hbm>> -> memref<128x128xf32, #tpu.memory_space<hbm>>
        %dma_start3A_26 = arith.constant 0 : i32
        %dma_start3A_27 = tpu.memref_slice %arg4[%add3A_17, %dma_start3A_26] : memref<160000x128xf32, #tpu.memory_space<hbm>> -> memref<128x128xf32, #tpu.memory_space<hbm>>
        tpu.enqueue_dma source(%arg6 : memref<128x128xf32, #tpu.memory_space<vmem>>) target(%dma_start3A_27 : memref<128x128xf32, #tpu.memory_space<hbm>>) target_semaphore(%run_scoped3A : memref<!tpu.dma_semaphore, #tpu.memory_space<semaphore_mem>>)
        %dma_wait3A_28 = arith.constant 0 : i32
        %dma_wait3A_29 = tpu.memref_slice %arg4[%add3A_17, %dma_wait3A_28] : memref<160000x128xf32, #tpu.memory_space<hbm>> -> memref<128x128xf32, #tpu.memory_space<hbm>>
        %dma_wait3A_30 = arith.constant 0 : i32
        %dma_wait3A_31 = tpu.memref_slice %arg4[%add3A_17, %dma_wait3A_30] : memref<160000x128xf32, #tpu.memory_space<hbm>> -> memref<128x128xf32, #tpu.memory_space<hbm>>
        tpu.wait_dma2 semaphore(%run_scoped3A : memref<!tpu.dma_semaphore, #tpu.memory_space<semaphore_mem>>) src(%arg6 : memref<128x128xf32, #tpu.memory_space<vmem>>) dst(%dma_wait3A_31 : memref<128x128xf32, #tpu.memory_space<hbm>>)
        tpu.yield
      }) : () -> ()
    }
    %scan3A_7 = arith.constant 39 : i32
    %add3A_8 = arith.constant 4992 : i32
    %add3A_9 = arith.addi %mul3A_2, %add3A_8 : i32
    "tpu.region"() ({
      %run_scoped3A = tpu.sem_alloc : memref<!tpu.dma_semaphore, #tpu.memory_space<semaphore_mem>>
      %dma_start3A_14 = tpu.memref_slice %arg3[%add3A_9] : memref<160000xi32, #tpu.memory_space<hbm>> -> memref<8xi32, #tpu.memory_space<hbm>>
      %dma_start3A_15 = tpu.memref_slice %arg3[%add3A_9] : memref<160000xi32, #tpu.memory_space<hbm>> -> memref<8xi32, #tpu.memory_space<hbm>>
      tpu.enqueue_dma source(%dma_start3A_15 : memref<8xi32, #tpu.memory_space<hbm>>) target(%arg7 : memref<8xi32, #tpu.memory_space<vmem>>) target_semaphore(%run_scoped3A : memref<!tpu.dma_semaphore, #tpu.memory_space<semaphore_mem>>)
      %dma_wait3A_16 = tpu.memref_slice %arg3[%add3A_9] : memref<160000xi32, #tpu.memory_space<hbm>> -> memref<8xi32, #tpu.memory_space<hbm>>
      %dma_wait3A_17 = tpu.memref_slice %arg3[%add3A_9] : memref<160000xi32, #tpu.memory_space<hbm>> -> memref<8xi32, #tpu.memory_space<hbm>>
      tpu.wait_dma2 semaphore(%run_scoped3A : memref<!tpu.dma_semaphore, #tpu.memory_space<semaphore_mem>>) src(%dma_wait3A_17 : memref<8xi32, #tpu.memory_space<hbm>>) dst(%arg7 : memref<8xi32, #tpu.memory_space<vmem>>)
      tpu.yield
    }) : () -> ()
    %dma_start3A = arith.constant 0 : i32
    %dma_start3A_10 = arith.constant 0 : i32
    %dma_start3A_11 = tpu.memref_slice %arg2[%dma_start3A, %dma_start3A_10] : memref<10000x128xf32, #tpu.memory_space<hbm>> -> memref<10000x128xf32, #tpu.memory_space<hbm>>
    tpu.enqueue_indirect_dma source(%dma_start3A_11 : memref<10000x128xf32, #tpu.memory_space<hbm>>) target(%arg8 : memref<8x128xf32, #tpu.memory_space<vmem>>) offsets(%arg7 : memref<8xi32, #tpu.memory_space<vmem>>) semaphore(%arg9 : memref<!tpu.dma_semaphore, #tpu.memory_space<semaphore_mem>>)
    %dma_wait3A = arith.constant 0 : i32
    %dma_wait3A_12 = arith.constant 0 : i32
    %dma_wait3A_13 = tpu.memref_slice %arg2[%dma_wait3A, %dma_wait3A_12] : memref<10000x128xf32, #tpu.memory_space<hbm>> -> memref<10000x128xf32, #tpu.memory_space<hbm>>
    tpu.wait_indirect_dma semaphore(%arg9 : memref<!tpu.dma_semaphore, #tpu.memory_space<semaphore_mem>>) src(%dma_wait3A_13 : memref<10000x128xf32, #tpu.memory_space<hbm>>) dst(%arg8 : memref<8x128xf32, #tpu.memory_space<vmem>>)
    "tpu.region"() ({
      %run_scoped3A = tpu.sem_alloc : memref<!tpu.dma_semaphore, #tpu.memory_space<semaphore_mem>>
      %dma_start3A_14 = arith.constant 0 : i32
      %dma_start3A_15 = tpu.memref_slice %arg4[%add3A_9, %dma_start3A_14] : memref<160000x128xf32, #tpu.memory_space<hbm>> -> memref<8x128xf32, #tpu.memory_space<hbm>>
      %dma_start3A_16 = arith.constant 0 : i32
      %dma_start3A_17 = tpu.memref_slice %arg4[%add3A_9, %dma_start3A_16] : memref<160000x128xf32, #tpu.memory_space<hbm>> -> memref<8x128xf32, #tpu.memory_space<hbm>>
      tpu.enqueue_dma source(%arg8 : memref<8x128xf32, #tpu.memory_space<vmem>>) target(%dma_start3A_17 : memref<8x128xf32, #tpu.memory_space<hbm>>) target_semaphore(%run_scoped3A : memref<!tpu.dma_semaphore, #tpu.memory_space<semaphore_mem>>)
      %dma_wait3A_18 = arith.constant 0 : i32
      %dma_wait3A_19 = tpu.memref_slice %arg4[%add3A_9, %dma_wait3A_18] : memref<160000x128xf32, #tpu.memory_space<hbm>> -> memref<8x128xf32, #tpu.memory_space<hbm>>
      %dma_wait3A_20 = arith.constant 0 : i32
      %dma_wait3A_21 = tpu.memref_slice %arg4[%add3A_9, %dma_wait3A_20] : memref<160000x128xf32, #tpu.memory_space<hbm>> -> memref<8x128xf32, #tpu.memory_space<hbm>>
      tpu.wait_dma2 semaphore(%run_scoped3A : memref<!tpu.dma_semaphore, #tpu.memory_space<semaphore_mem>>) src(%arg8 : memref<8x128xf32, #tpu.memory_space<vmem>>) dst(%dma_wait3A_21 : memref<8x128xf32, #tpu.memory_space<hbm>>)
      tpu.yield
    }) : () -> ()
    return
  }
}

#map = affine_map<(d0, d1) -> (0, 0)>
#map1 = affine_map<(d0, d1) -> (0)>
module attributes {stable_mosaic.version = 14 : i64} {
  func.func @_gather_h(%arg0: i32, %arg1: i32, %arg2: memref<10000x128xf32, #tpu.memory_space<hbm>>, %arg3: memref<160000xi32, #tpu.memory_space<hbm>>, %arg4: memref<160000x128xf32, #tpu.memory_space<hbm>>, %arg5: memref<128xi32, #tpu.memory_space<vmem>>, %arg6: memref<128x128xf32, #tpu.memory_space<vmem>>, %arg7: memref<8xi32, #tpu.memory_space<vmem>>, %arg8: memref<8x128xf32, #tpu.memory_space<vmem>>, %arg9: memref<!tpu.dma_semaphore, #tpu.memory_space<semaphore_mem>>) attributes {dimension_semantics = [#tpu.dimension_semantics<core_parallel>, #tpu.dimension_semantics<subcore_parallel>], iteration_bounds = array<i64: 2, 16>, scalar_prefetch = 0 : i64, scratch_operands = 5 : i64, tpu.core_type = #tpu.core_type<sc_vector_subcore>, window_params = [{transform_indices = #map}, {transform_indices = #map1}, {transform_indices = #map}]} {
    %mul3A = arith.constant 2 : i32
    %mul3A_0 = arith.muli %arg1, %mul3A : i32
    %add3A = arith.addi %mul3A_0, %arg0 : i32
    %mul3A_1 = arith.constant 5000 : i32
    %mul3A_2 = arith.muli %add3A, %mul3A_1 : i32
    %scan3A = arith.constant 0 : i32
    %scan3A_3 = arith.constant 0 : i32
    %scan3A_4 = arith.constant 39 : i32
    %scan3A_5 = arith.addi %scan3A_3, %scan3A_4 : i32
    %scan3A_6 = arith.constant 1 : i32
    scf.for %scan3A_14 = %scan3A_3 to %scan3A_5 step %scan3A_6  : i32 {
      %mul3A_15 = arith.constant 128 : i32
      %mul3A_16 = arith.muli %scan3A_14, %mul3A_15 : i32
      %add3A_17 = arith.addi %mul3A_2, %mul3A_16 : i32
      "tpu.region"() ({
        %run_scoped3A = tpu.sem_alloc : memref<!tpu.dma_semaphore, #tpu.memory_space<semaphore_mem>>
        %dma_start3A_24 = tpu.memref_slice %arg3[%add3A_17] : memref<160000xi32, #tpu.memory_space<hbm>> -> memref<128xi32, #tpu.memory_space<hbm>>
        %dma_start3A_25 = tpu.memref_slice %arg3[%add3A_17] : memref<160000xi32, #tpu.memory_space<hbm>> -> memref<128xi32, #tpu.memory_space<hbm>>
        tpu.enqueue_dma source(%dma_start3A_25 : memref<128xi32, #tpu.memory_space<hbm>>) target(%arg5 : memref<128xi32, #tpu.memory_space<vmem>>) target_semaphore(%run_scoped3A : memref<!tpu.dma_semaphore, #tpu.memory_space<semaphore_mem>>)
        %dma_wait3A_26 = tpu.memref_slice %arg3[%add3A_17] : memref<160000xi32, #tpu.memory_space<hbm>> -> memref<128xi32, #tpu.memory_space<hbm>>
        %dma_wait3A_27 = tpu.memref_slice %arg3[%add3A_17] : memref<160000xi32, #tpu.memory_space<hbm>> -> memref<128xi32, #tpu.memory_space<hbm>>
        tpu.wait_dma2 semaphore(%run_scoped3A : memref<!tpu.dma_semaphore, #tpu.memory_space<semaphore_mem>>) src(%dma_wait3A_27 : memref<128xi32, #tpu.memory_space<hbm>>) dst(%arg5 : memref<128xi32, #tpu.memory_space<vmem>>)
        tpu.yield
      }) : () -> ()
      %dma_start3A_18 = arith.constant 0 : i32
      %dma_start3A_19 = arith.constant 0 : i32
      %dma_start3A_20 = tpu.memref_slice %arg2[%dma_start3A_18, %dma_start3A_19] : memref<10000x128xf32, #tpu.memory_space<hbm>> -> memref<10000x128xf32, #tpu.memory_space<hbm>>
      tpu.enqueue_indirect_dma source(%dma_start3A_20 : memref<10000x128xf32, #tpu.memory_space<hbm>>) target(%arg6 : memref<128x128xf32, #tpu.memory_space<vmem>>) offsets(%arg5 : memref<128xi32, #tpu.memory_space<vmem>>) semaphore(%arg9 : memref<!tpu.dma_semaphore, #tpu.memory_space<semaphore_mem>>)
      %dma_wait3A_21 = arith.constant 0 : i32
      %dma_wait3A_22 = arith.constant 0 : i32
      %dma_wait3A_23 = tpu.memref_slice %arg2[%dma_wait3A_21, %dma_wait3A_22] : memref<10000x128xf32, #tpu.memory_space<hbm>> -> memref<10000x128xf32, #tpu.memory_space<hbm>>
      tpu.wait_indirect_dma semaphore(%arg9 : memref<!tpu.dma_semaphore, #tpu.memory_space<semaphore_mem>>) src(%dma_wait3A_23 : memref<10000x128xf32, #tpu.memory_space<hbm>>) dst(%arg6 : memref<128x128xf32, #tpu.memory_space<vmem>>)
      "tpu.region"() ({
        %run_scoped3A = tpu.sem_alloc : memref<!tpu.dma_semaphore, #tpu.memory_space<semaphore_mem>>
        %dma_start3A_24 = arith.constant 0 : i32
        %dma_start3A_25 = tpu.memref_slice %arg4[%add3A_17, %dma_start3A_24] : memref<160000x128xf32, #tpu.memory_space<hbm>> -> memref<128x128xf32, #tpu.memory_space<hbm>>
        %dma_start3A_26 = arith.constant 0 : i32
        %dma_start3A_27 = tpu.memref_slice %arg4[%add3A_17, %dma_start3A_26] : memref<160000x128xf32, #tpu.memory_space<hbm>> -> memref<128x128xf32, #tpu.memory_space<hbm>>
        tpu.enqueue_dma source(%arg6 : memref<128x128xf32, #tpu.memory_space<vmem>>) target(%dma_start3A_27 : memref<128x128xf32, #tpu.memory_space<hbm>>) target_semaphore(%run_scoped3A : memref<!tpu.dma_semaphore, #tpu.memory_space<semaphore_mem>>)
        %dma_wait3A_28 = arith.constant 0 : i32
        %dma_wait3A_29 = tpu.memref_slice %arg4[%add3A_17, %dma_wait3A_28] : memref<160000x128xf32, #tpu.memory_space<hbm>> -> memref<128x128xf32, #tpu.memory_space<hbm>>
        %dma_wait3A_30 = arith.constant 0 : i32
        %dma_wait3A_31 = tpu.memref_slice %arg4[%add3A_17, %dma_wait3A_30] : memref<160000x128xf32, #tpu.memory_space<hbm>> -> memref<128x128xf32, #tpu.memory_space<hbm>>
        tpu.wait_dma2 semaphore(%run_scoped3A : memref<!tpu.dma_semaphore, #tpu.memory_space<semaphore_mem>>) src(%arg6 : memref<128x128xf32, #tpu.memory_space<vmem>>) dst(%dma_wait3A_31 : memref<128x128xf32, #tpu.memory_space<hbm>>)
        tpu.yield
      }) : () -> ()
    }
    %scan3A_7 = arith.constant 39 : i32
    %add3A_8 = arith.constant 4992 : i32
    %add3A_9 = arith.addi %mul3A_2, %add3A_8 : i32
    "tpu.region"() ({
      %run_scoped3A = tpu.sem_alloc : memref<!tpu.dma_semaphore, #tpu.memory_space<semaphore_mem>>
      %dma_start3A_14 = tpu.memref_slice %arg3[%add3A_9] : memref<160000xi32, #tpu.memory_space<hbm>> -> memref<8xi32, #tpu.memory_space<hbm>>
      %dma_start3A_15 = tpu.memref_slice %arg3[%add3A_9] : memref<160000xi32, #tpu.memory_space<hbm>> -> memref<8xi32, #tpu.memory_space<hbm>>
      tpu.enqueue_dma source(%dma_start3A_15 : memref<8xi32, #tpu.memory_space<hbm>>) target(%arg7 : memref<8xi32, #tpu.memory_space<vmem>>) target_semaphore(%run_scoped3A : memref<!tpu.dma_semaphore, #tpu.memory_space<semaphore_mem>>)
      %dma_wait3A_16 = tpu.memref_slice %arg3[%add3A_9] : memref<160000xi32, #tpu.memory_space<hbm>> -> memref<8xi32, #tpu.memory_space<hbm>>
      %dma_wait3A_17 = tpu.memref_slice %arg3[%add3A_9] : memref<160000xi32, #tpu.memory_space<hbm>> -> memref<8xi32, #tpu.memory_space<hbm>>
      tpu.wait_dma2 semaphore(%run_scoped3A : memref<!tpu.dma_semaphore, #tpu.memory_space<semaphore_mem>>) src(%dma_wait3A_17 : memref<8xi32, #tpu.memory_space<hbm>>) dst(%arg7 : memref<8xi32, #tpu.memory_space<vmem>>)
      tpu.yield
    }) : () -> ()
    %dma_start3A = arith.constant 0 : i32
    %dma_start3A_10 = arith.constant 0 : i32
    %dma_start3A_11 = tpu.memref_slice %arg2[%dma_start3A, %dma_start3A_10] : memref<10000x128xf32, #tpu.memory_space<hbm>> -> memref<10000x128xf32, #tpu.memory_space<hbm>>
    tpu.enqueue_indirect_dma source(%dma_start3A_11 : memref<10000x128xf32, #tpu.memory_space<hbm>>) target(%arg8 : memref<8x128xf32, #tpu.memory_space<vmem>>) offsets(%arg7 : memref<8xi32, #tpu.memory_space<vmem>>) semaphore(%arg9 : memref<!tpu.dma_semaphore, #tpu.memory_space<semaphore_mem>>)
    %dma_wait3A = arith.constant 0 : i32
    %dma_wait3A_12 = arith.constant 0 : i32
    %dma_wait3A_13 = tpu.memref_slice %arg2[%dma_wait3A, %dma_wait3A_12] : memref<10000x128xf32, #tpu.memory_space<hbm>> -> memref<10000x128xf32, #tpu.memory_space<hbm>>
    tpu.wait_indirect_dma semaphore(%arg9 : memref<!tpu.dma_semaphore, #tpu.memory_space<semaphore_mem>>) src(%dma_wait3A_13 : memref<10000x128xf32, #tpu.memory_space<hbm>>) dst(%arg8 : memref<8x128xf32, #tpu.memory_space<vmem>>)
    "tpu.region"() ({
      %run_scoped3A = tpu.sem_alloc : memref<!tpu.dma_semaphore, #tpu.memory_space<semaphore_mem>>
      %dma_start3A_14 = arith.constant 0 : i32
      %dma_start3A_15 = tpu.memref_slice %arg4[%add3A_9, %dma_start3A_14] : memref<160000x128xf32, #tpu.memory_space<hbm>> -> memref<8x128xf32, #tpu.memory_space<hbm>>
      %dma_start3A_16 = arith.constant 0 : i32
      %dma_start3A_17 = tpu.memref_slice %arg4[%add3A_9, %dma_start3A_16] : memref<160000x128xf32, #tpu.memory_space<hbm>> -> memref<8x128xf32, #tpu.memory_space<hbm>>
      tpu.enqueue_dma source(%arg8 : memref<8x128xf32, #tpu.memory_space<vmem>>) target(%dma_start3A_17 : memref<8x128xf32, #tpu.memory_space<hbm>>) target_semaphore(%run_scoped3A : memref<!tpu.dma_semaphore, #tpu.memory_space<semaphore_mem>>)
      %dma_wait3A_18 = arith.constant 0 : i32
      %dma_wait3A_19 = tpu.memref_slice %arg4[%add3A_9, %dma_wait3A_18] : memref<160000x128xf32, #tpu.memory_space<hbm>> -> memref<8x128xf32, #tpu.memory_space<hbm>>
      %dma_wait3A_20 = arith.constant 0 : i32
      %dma_wait3A_21 = tpu.memref_slice %arg4[%add3A_9, %dma_wait3A_20] : memref<160000x128xf32, #tpu.memory_space<hbm>> -> memref<8x128xf32, #tpu.memory_space<hbm>>
      tpu.wait_dma2 semaphore(%run_scoped3A : memref<!tpu.dma_semaphore, #tpu.memory_space<semaphore_mem>>) src(%arg8 : memref<8x128xf32, #tpu.memory_space<vmem>>) dst(%dma_wait3A_21 : memref<8x128xf32, #tpu.memory_space<hbm>>)
      tpu.yield
    }) : () -> ()
    return
  }
}

#map = affine_map<(d0, d1) -> (0, 0)>
#map1 = affine_map<(d0, d1) -> (0)>
module attributes {stable_mosaic.version = 14 : i64} {
  func.func @_scatter_add(%arg0: i32, %arg1: i32, %arg2: memref<160000x128xf32, #tpu.memory_space<hbm>>, %arg3: memref<160000xi32, #tpu.memory_space<hbm>>, %arg4: memref<10000x128xf32, #tpu.memory_space<hbm>>, %arg5: memref<10000x128xf32, #tpu.memory_space<hbm>>, %arg6: memref<10000x128xf32, #tpu.memory_space<hbm>>, %arg7: memref<128xi32, #tpu.memory_space<vmem>>, %arg8: memref<128x128xf32, #tpu.memory_space<vmem>>, %arg9: memref<8xi32, #tpu.memory_space<vmem>>, %arg10: memref<8x128xf32, #tpu.memory_space<vmem>>, %arg11: memref<10000x128xf32, #tpu.memory_space<vmem_shared>>, %arg12: memref<!tpu.dma_semaphore, #tpu.memory_space<semaphore_mem>>) attributes {dimension_semantics = [#tpu.dimension_semantics<core_parallel>, #tpu.dimension_semantics<subcore_parallel>], iteration_bounds = array<i64: 2, 16>, scalar_prefetch = 0 : i64, scratch_operands = 6 : i64, tpu.core_type = #tpu.core_type<sc_vector_subcore>, window_params = [{transform_indices = #map}, {transform_indices = #map1}, {transform_indices = #map}, {transform_indices = #map}, {transform_indices = #map}]} {
    %mul3A = arith.constant 624 : i32
    %mul3A_0 = arith.muli %arg1, %mul3A : i32
    "tpu.region"() ({
      %run_scoped3A = tpu.sem_alloc : memref<!tpu.dma_semaphore, #tpu.memory_space<semaphore_mem>>
      %dma_start3A = arith.constant 0 : i32
      %dma_start3A_25 = tpu.memref_slice %arg11[%mul3A_0, %dma_start3A] : memref<10000x128xf32, #tpu.memory_space<vmem_shared>> -> memref<624x128xf32, #tpu.memory_space<vmem_shared>>
      %dma_start3A_26 = arith.constant 0 : i32
      %dma_start3A_27 = tpu.memref_slice %arg4[%mul3A_0, %dma_start3A_26] : memref<10000x128xf32, #tpu.memory_space<hbm>> -> memref<624x128xf32, #tpu.memory_space<hbm>>
      tpu.enqueue_dma source(%dma_start3A_27 : memref<624x128xf32, #tpu.memory_space<hbm>>) target(%dma_start3A_25 : memref<624x128xf32, #tpu.memory_space<vmem_shared>>) target_semaphore(%run_scoped3A : memref<!tpu.dma_semaphore, #tpu.memory_space<semaphore_mem>>)
      %dma_wait3A = arith.constant 0 : i32
      %dma_wait3A_28 = tpu.memref_slice %arg11[%mul3A_0, %dma_wait3A] : memref<10000x128xf32, #tpu.memory_space<vmem_shared>> -> memref<624x128xf32, #tpu.memory_space<vmem_shared>>
      %dma_wait3A_29 = arith.constant 0 : i32
      %dma_wait3A_30 = tpu.memref_slice %arg4[%mul3A_0, %dma_wait3A_29] : memref<10000x128xf32, #tpu.memory_space<hbm>> -> memref<624x128xf32, #tpu.memory_space<hbm>>
      tpu.wait_dma2 semaphore(%run_scoped3A : memref<!tpu.dma_semaphore, #tpu.memory_space<semaphore_mem>>) src(%dma_wait3A_30 : memref<624x128xf32, #tpu.memory_space<hbm>>) dst(%dma_wait3A_28 : memref<624x128xf32, #tpu.memory_space<vmem_shared>>)
      tpu.yield
    }) : () -> ()
    %eq3A = arith.constant 0 : i32
    %eq3A_1 = arith.cmpi eq, %arg1, %eq3A : i32
    %convert_element_type3A = arith.extui %eq3A_1 : i1 to i32
    %cond3A = arith.constant 0 : i32
    %cond3A_2 = arith.cmpi ne, %convert_element_type3A, %cond3A : i32
    scf.if %cond3A_2 {
      "tpu.region"() ({
        %run_scoped3A = tpu.sem_alloc : memref<!tpu.dma_semaphore, #tpu.memory_space<semaphore_mem>>
        %dma_start3A = arith.constant 9984 : i32
        %dma_start3A_25 = arith.constant 0 : i32
        %dma_start3A_26 = tpu.memref_slice %arg11[%dma_start3A, %dma_start3A_25] : memref<10000x128xf32, #tpu.memory_space<vmem_shared>> -> memref<16x128xf32, #tpu.memory_space<vmem_shared>>
        %dma_start3A_27 = arith.constant 9984 : i32
        %dma_start3A_28 = arith.constant 0 : i32
        %dma_start3A_29 = tpu.memref_slice %arg4[%dma_start3A_27, %dma_start3A_28] : memref<10000x128xf32, #tpu.memory_space<hbm>> -> memref<16x128xf32, #tpu.memory_space<hbm>>
        tpu.enqueue_dma source(%dma_start3A_29 : memref<16x128xf32, #tpu.memory_space<hbm>>) target(%dma_start3A_26 : memref<16x128xf32, #tpu.memory_space<vmem_shared>>) target_semaphore(%run_scoped3A : memref<!tpu.dma_semaphore, #tpu.memory_space<semaphore_mem>>)
        %dma_wait3A = arith.constant 9984 : i32
        %dma_wait3A_30 = arith.constant 0 : i32
        %dma_wait3A_31 = tpu.memref_slice %arg11[%dma_wait3A, %dma_wait3A_30] : memref<10000x128xf32, #tpu.memory_space<vmem_shared>> -> memref<16x128xf32, #tpu.memory_space<vmem_shared>>
        %dma_wait3A_32 = arith.constant 9984 : i32
        %dma_wait3A_33 = arith.constant 0 : i32
        %dma_wait3A_34 = tpu.memref_slice %arg4[%dma_wait3A_32, %dma_wait3A_33] : memref<10000x128xf32, #tpu.memory_space<hbm>> -> memref<16x128xf32, #tpu.memory_space<hbm>>
        tpu.wait_dma2 semaphore(%run_scoped3A : memref<!tpu.dma_semaphore, #tpu.memory_space<semaphore_mem>>) src(%dma_wait3A_34 : memref<16x128xf32, #tpu.memory_space<hbm>>) dst(%dma_wait3A_31 : memref<16x128xf32, #tpu.memory_space<vmem_shared>>)
        tpu.yield
      }) : () -> ()
    } else {
    }
    %barrier3A = arith.constant 0 : index
    tpu.barrier barrier_id(%barrier3A)
    %mul3A_3 = arith.constant 2 : i32
    %mul3A_4 = arith.muli %arg1, %mul3A_3 : i32
    %add3A = arith.addi %mul3A_4, %arg0 : i32
    %mul3A_5 = arith.constant 5000 : i32
    %mul3A_6 = arith.muli %add3A, %mul3A_5 : i32
    %scan3A = arith.constant 0 : i32
    %scan3A_7 = arith.constant 0 : i32
    %scan3A_8 = arith.constant 39 : i32
    %scan3A_9 = arith.addi %scan3A_7, %scan3A_8 : i32
    %scan3A_10 = arith.constant 1 : i32
    scf.for %scan3A_25 = %scan3A_7 to %scan3A_9 step %scan3A_10  : i32 {
      %mul3A_26 = arith.constant 128 : i32
      %mul3A_27 = arith.muli %scan3A_25, %mul3A_26 : i32
      %add3A_28 = arith.addi %mul3A_6, %mul3A_27 : i32
      "tpu.region"() ({
        %run_scoped3A = tpu.sem_alloc : memref<!tpu.dma_semaphore, #tpu.memory_space<semaphore_mem>>
        %dma_start3A = tpu.memref_slice %arg3[%add3A_28] : memref<160000xi32, #tpu.memory_space<hbm>> -> memref<128xi32, #tpu.memory_space<hbm>>
        %dma_start3A_29 = tpu.memref_slice %arg3[%add3A_28] : memref<160000xi32, #tpu.memory_space<hbm>> -> memref<128xi32, #tpu.memory_space<hbm>>
        tpu.enqueue_dma source(%dma_start3A_29 : memref<128xi32, #tpu.memory_space<hbm>>) target(%arg7 : memref<128xi32, #tpu.memory_space<vmem>>) target_semaphore(%run_scoped3A : memref<!tpu.dma_semaphore, #tpu.memory_space<semaphore_mem>>)
        %dma_wait3A = tpu.memref_slice %arg3[%add3A_28] : memref<160000xi32, #tpu.memory_space<hbm>> -> memref<128xi32, #tpu.memory_space<hbm>>
        %dma_wait3A_30 = tpu.memref_slice %arg3[%add3A_28] : memref<160000xi32, #tpu.memory_space<hbm>> -> memref<128xi32, #tpu.memory_space<hbm>>
        tpu.wait_dma2 semaphore(%run_scoped3A : memref<!tpu.dma_semaphore, #tpu.memory_space<semaphore_mem>>) src(%dma_wait3A_30 : memref<128xi32, #tpu.memory_space<hbm>>) dst(%arg7 : memref<128xi32, #tpu.memory_space<vmem>>)
        tpu.yield
      }) : () -> ()
      "tpu.region"() ({
        %run_scoped3A = tpu.sem_alloc : memref<!tpu.dma_semaphore, #tpu.memory_space<semaphore_mem>>
        %dma_start3A = arith.constant 0 : i32
        %dma_start3A_29 = tpu.memref_slice %arg2[%add3A_28, %dma_start3A] : memref<160000x128xf32, #tpu.memory_space<hbm>> -> memref<128x128xf32, #tpu.memory_space<hbm>>
        %dma_start3A_30 = arith.constant 0 : i32
        %dma_start3A_31 = tpu.memref_slice %arg2[%add3A_28, %dma_start3A_30] : memref<160000x128xf32, #tpu.memory_space<hbm>> -> memref<128x128xf32, #tpu.memory_space<hbm>>
        tpu.enqueue_dma source(%dma_start3A_31 : memref<128x128xf32, #tpu.memory_space<hbm>>) target(%arg8 : memref<128x128xf32, #tpu.memory_space<vmem>>) target_semaphore(%run_scoped3A : memref<!tpu.dma_semaphore, #tpu.memory_space<semaphore_mem>>)
        %dma_wait3A = arith.constant 0 : i32
        %dma_wait3A_32 = tpu.memref_slice %arg2[%add3A_28, %dma_wait3A] : memref<160000x128xf32, #tpu.memory_space<hbm>> -> memref<128x128xf32, #tpu.memory_space<hbm>>
        %dma_wait3A_33 = arith.constant 0 : i32
        %dma_wait3A_34 = tpu.memref_slice %arg2[%add3A_28, %dma_wait3A_33] : memref<160000x128xf32, #tpu.memory_space<hbm>> -> memref<128x128xf32, #tpu.memory_space<hbm>>
        tpu.wait_dma2 semaphore(%run_scoped3A : memref<!tpu.dma_semaphore, #tpu.memory_space<semaphore_mem>>) src(%dma_wait3A_34 : memref<128x128xf32, #tpu.memory_space<hbm>>) dst(%arg8 : memref<128x128xf32, #tpu.memory_space<vmem>>)
        tpu.yield
      }) : () -> ()
      "tpu.region"() ({
        %run_scoped3A = tpu.sem_alloc : memref<!tpu.dma_semaphore, #tpu.memory_space<semaphore_mem>>
        %dma_start3A = arith.constant 0 : i32
        %dma_start3A_29 = arith.constant 0 : i32
        %dma_start3A_30 = tpu.memref_slice %arg11[%dma_start3A, %dma_start3A_29] : memref<10000x128xf32, #tpu.memory_space<vmem_shared>> -> memref<10000x128xf32, #tpu.memory_space<vmem_shared>>
        tpu.enqueue_indirect_dma source(%arg8 : memref<128x128xf32, #tpu.memory_space<vmem>>) target(%dma_start3A_30 : memref<10000x128xf32, #tpu.memory_space<vmem_shared>>) offsets(%arg7 : memref<128xi32, #tpu.memory_space<vmem>>) semaphore(%run_scoped3A : memref<!tpu.dma_semaphore, #tpu.memory_space<semaphore_mem>>) {add = true}
        %dma_wait3A = arith.constant 0 : i32
        %dma_wait3A_31 = arith.constant 0 : i32
        %dma_wait3A_32 = tpu.memref_slice %arg11[%dma_wait3A, %dma_wait3A_31] : memref<10000x128xf32, #tpu.memory_space<vmem_shared>> -> memref<10000x128xf32, #tpu.memory_space<vmem_shared>>
        tpu.wait_indirect_dma semaphore(%run_scoped3A : memref<!tpu.dma_semaphore, #tpu.memory_space<semaphore_mem>>) src(%arg8 : memref<128x128xf32, #tpu.memory_space<vmem>>) dst(%dma_wait3A_32 : memref<10000x128xf32, #tpu.memory_space<vmem_shared>>)
        tpu.yield
      }) : () -> ()
    }
    %scan3A_11 = arith.constant 39 : i32
    %add3A_12 = arith.constant 4992 : i32
    %add3A_13 = arith.addi %mul3A_6, %add3A_12 : i32
    "tpu.region"() ({
      %run_scoped3A = tpu.sem_alloc : memref<!tpu.dma_semaphore, #tpu.memory_space<semaphore_mem>>
      %dma_start3A = tpu.memref_slice %arg3[%add3A_13] : memref<160000xi32, #tpu.memory_space<hbm>> -> memref<8xi32, #tpu.memory_space<hbm>>
      %dma_start3A_25 = tpu.memref_slice %arg3[%add3A_13] : memref<160000xi32, #tpu.memory_space<hbm>> -> memref<8xi32, #tpu.memory_space<hbm>>
      tpu.enqueue_dma source(%dma_start3A_25 : memref<8xi32, #tpu.memory_space<hbm>>) target(%arg9 : memref<8xi32, #tpu.memory_space<vmem>>) target_semaphore(%run_scoped3A : memref<!tpu.dma_semaphore, #tpu.memory_space<semaphore_mem>>)
      %dma_wait3A = tpu.memref_slice %arg3[%add3A_13] : memref<160000xi32, #tpu.memory_space<hbm>> -> memref<8xi32, #tpu.memory_space<hbm>>
      %dma_wait3A_26 = tpu.memref_slice %arg3[%add3A_13] : memref<160000xi32, #tpu.memory_space<hbm>> -> memref<8xi32, #tpu.memory_space<hbm>>
      tpu.wait_dma2 semaphore(%run_scoped3A : memref<!tpu.dma_semaphore, #tpu.memory_space<semaphore_mem>>) src(%dma_wait3A_26 : memref<8xi32, #tpu.memory_space<hbm>>) dst(%arg9 : memref<8xi32, #tpu.memory_space<vmem>>)
      tpu.yield
    }) : () -> ()
    "tpu.region"() ({
      %run_scoped3A = tpu.sem_alloc : memref<!tpu.dma_semaphore, #tpu.memory_space<semaphore_mem>>
      %dma_start3A = arith.constant 0 : i32
      %dma_start3A_25 = tpu.memref_slice %arg2[%add3A_13, %dma_start3A] : memref<160000x128xf32, #tpu.memory_space<hbm>> -> memref<8x128xf32, #tpu.memory_space<hbm>>
      %dma_start3A_26 = arith.constant 0 : i32
      %dma_start3A_27 = tpu.memref_slice %arg2[%add3A_13, %dma_start3A_26] : memref<160000x128xf32, #tpu.memory_space<hbm>> -> memref<8x128xf32, #tpu.memory_space<hbm>>
      tpu.enqueue_dma source(%dma_start3A_27 : memref<8x128xf32, #tpu.memory_space<hbm>>) target(%arg10 : memref<8x128xf32, #tpu.memory_space<vmem>>) target_semaphore(%run_scoped3A : memref<!tpu.dma_semaphore, #tpu.memory_space<semaphore_mem>>)
      %dma_wait3A = arith.constant 0 : i32
      %dma_wait3A_28 = tpu.memref_slice %arg2[%add3A_13, %dma_wait3A] : memref<160000x128xf32, #tpu.memory_space<hbm>> -> memref<8x128xf32, #tpu.memory_space<hbm>>
      %dma_wait3A_29 = arith.constant 0 : i32
      %dma_wait3A_30 = tpu.memref_slice %arg2[%add3A_13, %dma_wait3A_29] : memref<160000x128xf32, #tpu.memory_space<hbm>> -> memref<8x128xf32, #tpu.memory_space<hbm>>
      tpu.wait_dma2 semaphore(%run_scoped3A : memref<!tpu.dma_semaphore, #tpu.memory_space<semaphore_mem>>) src(%dma_wait3A_30 : memref<8x128xf32, #tpu.memory_space<hbm>>) dst(%arg10 : memref<8x128xf32, #tpu.memory_space<vmem>>)
      tpu.yield
    }) : () -> ()
    "tpu.region"() ({
      %run_scoped3A = tpu.sem_alloc : memref<!tpu.dma_semaphore, #tpu.memory_space<semaphore_mem>>
      %dma_start3A = arith.constant 0 : i32
      %dma_start3A_25 = arith.constant 0 : i32
      %dma_start3A_26 = tpu.memref_slice %arg11[%dma_start3A, %dma_start3A_25] : memref<10000x128xf32, #tpu.memory_space<vmem_shared>> -> memref<10000x128xf32, #tpu.memory_space<vmem_shared>>
      tpu.enqueue_indirect_dma source(%arg10 : memref<8x128xf32, #tpu.memory_space<vmem>>) target(%dma_start3A_26 : memref<10000x128xf32, #tpu.memory_space<vmem_shared>>) offsets(%arg9 : memref<8xi32, #tpu.memory_space<vmem>>) semaphore(%run_scoped3A : memref<!tpu.dma_semaphore, #tpu.memory_space<semaphore_mem>>) {add = true}
      %dma_wait3A = arith.constant 0 : i32
      %dma_wait3A_27 = arith.constant 0 : i32
      %dma_wait3A_28 = tpu.memref_slice %arg11[%dma_wait3A, %dma_wait3A_27] : memref<10000x128xf32, #tpu.memory_space<vmem_shared>> -> memref<10000x128xf32, #tpu.memory_space<vmem_shared>>
      tpu.wait_indirect_dma semaphore(%run_scoped3A : memref<!tpu.dma_semaphore, #tpu.memory_space<semaphore_mem>>) src(%arg10 : memref<8x128xf32, #tpu.memory_space<vmem>>) dst(%dma_wait3A_28 : memref<10000x128xf32, #tpu.memory_space<vmem_shared>>)
      tpu.yield
    }) : () -> ()
    %barrier3A_14 = arith.constant 0 : index
    tpu.barrier barrier_id(%barrier3A_14)
    %eq3A_15 = arith.constant 0 : i32
    %eq3A_16 = arith.cmpi eq, %arg0, %eq3A_15 : i32
    %convert_element_type3A_17 = arith.extui %eq3A_16 : i1 to i32
    %cond3A_18 = arith.constant 0 : i32
    %cond3A_19 = arith.cmpi ne, %convert_element_type3A_17, %cond3A_18 : i32
    scf.if %cond3A_19 {
      "tpu.region"() ({
        %run_scoped3A = tpu.sem_alloc : memref<!tpu.dma_semaphore, #tpu.memory_space<semaphore_mem>>
        %dma_start3A = arith.constant 0 : i32
        %dma_start3A_30 = tpu.memref_slice %arg5[%mul3A_0, %dma_start3A] : memref<10000x128xf32, #tpu.memory_space<hbm>> -> memref<624x128xf32, #tpu.memory_space<hbm>>
        %dma_start3A_31 = arith.constant 0 : i32
        %dma_start3A_32 = tpu.memref_slice %arg11[%mul3A_0, %dma_start3A_31] : memref<10000x128xf32, #tpu.memory_space<vmem_shared>> -> memref<624x128xf32, #tpu.memory_space<vmem_shared>>
        tpu.enqueue_dma source(%dma_start3A_32 : memref<624x128xf32, #tpu.memory_space<vmem_shared>>) target(%dma_start3A_30 : memref<624x128xf32, #tpu.memory_space<hbm>>) target_semaphore(%run_scoped3A : memref<!tpu.dma_semaphore, #tpu.memory_space<semaphore_mem>>)
        %dma_wait3A = arith.constant 0 : i32
        %dma_wait3A_33 = tpu.memref_slice %arg5[%mul3A_0, %dma_wait3A] : memref<10000x128xf32, #tpu.memory_space<hbm>> -> memref<624x128xf32, #tpu.memory_space<hbm>>
        %dma_wait3A_34 = arith.constant 0 : i32
        %dma_wait3A_35 = tpu.memref_slice %arg11[%mul3A_0, %dma_wait3A_34] : memref<10000x128xf32, #tpu.memory_space<vmem_shared>> -> memref<624x128xf32, #tpu.memory_space<vmem_shared>>
        tpu.wait_dma2 semaphore(%run_scoped3A : memref<!tpu.dma_semaphore, #tpu.memory_space<semaphore_mem>>) src(%dma_wait3A_35 : memref<624x128xf32, #tpu.memory_space<vmem_shared>>) dst(%dma_wait3A_33 : memref<624x128xf32, #tpu.memory_space<hbm>>)
        tpu.yield
      }) : () -> ()
      %eq3A_25 = arith.constant 0 : i32
      %eq3A_26 = arith.cmpi eq, %arg1, %eq3A_25 : i32
      %convert_element_type3A_27 = arith.extui %eq3A_26 : i1 to i32
      %cond3A_28 = arith.constant 0 : i32
      %cond3A_29 = arith.cmpi ne, %convert_element_type3A_27, %cond3A_28 : i32
      scf.if %cond3A_29 {
        "tpu.region"() ({
          %run_scoped3A = tpu.sem_alloc : memref<!tpu.dma_semaphore, #tpu.memory_space<semaphore_mem>>
          %dma_start3A = arith.constant 9984 : i32
          %dma_start3A_30 = arith.constant 0 : i32
          %dma_start3A_31 = tpu.memref_slice %arg5[%dma_start3A, %dma_start3A_30] : memref<10000x128xf32, #tpu.memory_space<hbm>> -> memref<16x128xf32, #tpu.memory_space<hbm>>
          %dma_start3A_32 = arith.constant 9984 : i32
          %dma_start3A_33 = arith.constant 0 : i32
          %dma_start3A_34 = tpu.memref_slice %arg11[%dma_start3A_32, %dma_start3A_33] : memref<10000x128xf32, #tpu.memory_space<vmem_shared>> -> memref<16x128xf32, #tpu.memory_space<vmem_shared>>
          tpu.enqueue_dma source(%dma_start3A_34 : memref<16x128xf32, #tpu.memory_space<vmem_shared>>) target(%dma_start3A_31 : memref<16x128xf32, #tpu.memory_space<hbm>>) target_semaphore(%run_scoped3A : memref<!tpu.dma_semaphore, #tpu.memory_space<semaphore_mem>>)
          %dma_wait3A = arith.constant 9984 : i32
          %dma_wait3A_35 = arith.constant 0 : i32
          %dma_wait3A_36 = tpu.memref_slice %arg5[%dma_wait3A, %dma_wait3A_35] : memref<10000x128xf32, #tpu.memory_space<hbm>> -> memref<16x128xf32, #tpu.memory_space<hbm>>
          %dma_wait3A_37 = arith.constant 9984 : i32
          %dma_wait3A_38 = arith.constant 0 : i32
          %dma_wait3A_39 = tpu.memref_slice %arg11[%dma_wait3A_37, %dma_wait3A_38] : memref<10000x128xf32, #tpu.memory_space<vmem_shared>> -> memref<16x128xf32, #tpu.memory_space<vmem_shared>>
          tpu.wait_dma2 semaphore(%run_scoped3A : memref<!tpu.dma_semaphore, #tpu.memory_space<semaphore_mem>>) src(%dma_wait3A_39 : memref<16x128xf32, #tpu.memory_space<vmem_shared>>) dst(%dma_wait3A_36 : memref<16x128xf32, #tpu.memory_space<hbm>>)
          tpu.yield
        }) : () -> ()
      } else {
      }
    } else {
    }
    %eq3A_20 = arith.constant 1 : i32
    %eq3A_21 = arith.cmpi eq, %arg0, %eq3A_20 : i32
    %convert_element_type3A_22 = arith.extui %eq3A_21 : i1 to i32
    %cond3A_23 = arith.constant 0 : i32
    %cond3A_24 = arith.cmpi ne, %convert_element_type3A_22, %cond3A_23 : i32
    scf.if %cond3A_24 {
      "tpu.region"() ({
        %run_scoped3A = tpu.sem_alloc : memref<!tpu.dma_semaphore, #tpu.memory_space<semaphore_mem>>
        %dma_start3A = arith.constant 0 : i32
        %dma_start3A_30 = tpu.memref_slice %arg6[%mul3A_0, %dma_start3A] : memref<10000x128xf32, #tpu.memory_space<hbm>> -> memref<624x128xf32, #tpu.memory_space<hbm>>
        %dma_start3A_31 = arith.constant 0 : i32
        %dma_start3A_32 = tpu.memref_slice %arg11[%mul3A_0, %dma_start3A_31] : memref<10000x128xf32, #tpu.memory_space<vmem_shared>> -> memref<624x128xf32, #tpu.memory_space<vmem_shared>>
        tpu.enqueue_dma source(%dma_start3A_32 : memref<624x128xf32, #tpu.memory_space<vmem_shared>>) target(%dma_start3A_30 : memref<624x128xf32, #tpu.memory_space<hbm>>) target_semaphore(%run_scoped3A : memref<!tpu.dma_semaphore, #tpu.memory_space<semaphore_mem>>)
        %dma_wait3A = arith.constant 0 : i32
        %dma_wait3A_33 = tpu.memref_slice %arg6[%mul3A_0, %dma_wait3A] : memref<10000x128xf32, #tpu.memory_space<hbm>> -> memref<624x128xf32, #tpu.memory_space<hbm>>
        %dma_wait3A_34 = arith.constant 0 : i32
        %dma_wait3A_35 = tpu.memref_slice %arg11[%mul3A_0, %dma_wait3A_34] : memref<10000x128xf32, #tpu.memory_space<vmem_shared>> -> memref<624x128xf32, #tpu.memory_space<vmem_shared>>
        tpu.wait_dma2 semaphore(%run_scoped3A : memref<!tpu.dma_semaphore, #tpu.memory_space<semaphore_mem>>) src(%dma_wait3A_35 : memref<624x128xf32, #tpu.memory_space<vmem_shared>>) dst(%dma_wait3A_33 : memref<624x128xf32, #tpu.memory_space<hbm>>)
        tpu.yield
      }) : () -> ()
      %eq3A_25 = arith.constant 0 : i32
      %eq3A_26 = arith.cmpi eq, %arg1, %eq3A_25 : i32
      %convert_element_type3A_27 = arith.extui %eq3A_26 : i1 to i32
      %cond3A_28 = arith.constant 0 : i32
      %cond3A_29 = arith.cmpi ne, %convert_element_type3A_27, %cond3A_28 : i32
      scf.if %cond3A_29 {
        "tpu.region"() ({
          %run_scoped3A = tpu.sem_alloc : memref<!tpu.dma_semaphore, #tpu.memory_space<semaphore_mem>>
          %dma_start3A = arith.constant 9984 : i32
          %dma_start3A_30 = arith.constant 0 : i32
          %dma_start3A_31 = tpu.memref_slice %arg6[%dma_start3A, %dma_start3A_30] : memref<10000x128xf32, #tpu.memory_space<hbm>> -> memref<16x128xf32, #tpu.memory_space<hbm>>
          %dma_start3A_32 = arith.constant 9984 : i32
          %dma_start3A_33 = arith.constant 0 : i32
          %dma_start3A_34 = tpu.memref_slice %arg11[%dma_start3A_32, %dma_start3A_33] : memref<10000x128xf32, #tpu.memory_space<vmem_shared>> -> memref<16x128xf32, #tpu.memory_space<vmem_shared>>
          tpu.enqueue_dma source(%dma_start3A_34 : memref<16x128xf32, #tpu.memory_space<vmem_shared>>) target(%dma_start3A_31 : memref<16x128xf32, #tpu.memory_space<hbm>>) target_semaphore(%run_scoped3A : memref<!tpu.dma_semaphore, #tpu.memory_space<semaphore_mem>>)
          %dma_wait3A = arith.constant 9984 : i32
          %dma_wait3A_35 = arith.constant 0 : i32
          %dma_wait3A_36 = tpu.memref_slice %arg6[%dma_wait3A, %dma_wait3A_35] : memref<10000x128xf32, #tpu.memory_space<hbm>> -> memref<16x128xf32, #tpu.memory_space<hbm>>
          %dma_wait3A_37 = arith.constant 9984 : i32
          %dma_wait3A_38 = arith.constant 0 : i32
          %dma_wait3A_39 = tpu.memref_slice %arg11[%dma_wait3A_37, %dma_wait3A_38] : memref<10000x128xf32, #tpu.memory_space<vmem_shared>> -> memref<16x128xf32, #tpu.memory_space<vmem_shared>>
          tpu.wait_dma2 semaphore(%run_scoped3A : memref<!tpu.dma_semaphore, #tpu.memory_space<semaphore_mem>>) src(%dma_wait3A_39 : memref<16x128xf32, #tpu.memory_space<vmem_shared>>) dst(%dma_wait3A_36 : memref<16x128xf32, #tpu.memory_space<hbm>>)
          tpu.yield
        }) : () -> ()
      } else {
      }
    } else {
    }
    return
  }
}

module attributes {stable_mosaic.version = 14 : i64} {
  func.func @_embed_body(%arg0: i32, %arg1: memref<1x1x1000xi32, #tpu.memory_space<vmem>>, %arg2: memref<16x128xf32, #tpu.memory_space<vmem>>, %arg3: memref<1000x128xf32, #tpu.memory_space<vmem>>) attributes {dimension_semantics = [#tpu.dimension_semantics<arbitrary>], iteration_bounds = array<i64: 10>, scalar_prefetch = 0 : i64, scratch_operands = 0 : i64, tpu.core_type = #tpu.core_type<tc>, window_params = [{transform_indices = @transform_0, window_bounds = array<i64: 1, 1, 1000>}, {pipeline_mode = #tpu.pipeline_mode<synchronous>, transform_indices = @transform_1, window_bounds = array<i64: 16, 128>}, {transform_indices = @transform_2, window_bounds = array<i64: 1000, 128>}]} {
    %get3A = arith.constant 0 : index
    %get3A_0 = arith.constant 0 : index
    %get3A_1 = arith.constant 0 : index
    %get3A_2 = vector.load %arg1[%get3A, %get3A_0, %get3A_1] : memref<1x1x1000xi32, #tpu.memory_space<vmem>>, vector<1x1x1000xi32>
    %get3A_3 = vector.shape_cast %get3A_2 : vector<1x1x1000xi32> to vector<1000xi32>
    %broadcast_in_dim3A = vector.shape_cast %get3A_3 : vector<1000xi32> to vector<1000x1xi32>
    %iota3A = tpu.iota {dimensions = array<i32: 1>} : vector<1000x16xi32>
    %eq3A = vector.broadcast %broadcast_in_dim3A : vector<1000x1xi32> to vector<1000x16xi32>
    %eq3A_4 = arith.cmpi eq, %eq3A, %iota3A : vector<1000x16xi32>
    %convert_element_type3A = arith.extui %eq3A_4 : vector<1000x16xi1> to vector<1000x16xi32>
    %convert_element_type3A_5 = arith.sitofp %convert_element_type3A : vector<1000x16xi32> to vector<1000x16xf32>
    %get3A_6 = arith.constant 0 : index
    %get3A_7 = arith.constant 0 : index
    %get3A_8 = vector.load %arg2[%get3A_6, %get3A_7] : memref<16x128xf32, #tpu.memory_space<vmem>>, vector<16x128xf32>
    %dot_general3A = arith.constant dense<0.000000e+00> : vector<1000x128xf32>
    %dot_general3A_9 = tpu.matmul %convert_element_type3A_5, %get3A_8, %dot_general3A {dimension_numbers = #tpu.dot_dimension_numbers<[1], [0], [0], [1], [0, 0, 1, 1], [], []>, transpose_lhs_hint = false} : vector<1000x16xf32>, vector<16x128xf32>, vector<1000x128xf32> -> vector<1000x128xf32>
    %swap3A = arith.constant 0 : index
    %swap3A_10 = arith.constant 0 : index
    %swap3A_11 = vector.load %arg3[%swap3A, %swap3A_10] : memref<1000x128xf32, #tpu.memory_space<vmem>>, vector<1000x128xf32>
    tpu.vector_store %arg3[%swap3A, %swap3A_10], %dot_general3A_9 {strides = array<i32>} : memref<1000x128xf32, #tpu.memory_space<vmem>>, vector<1000x128xf32>,
    return
  }
  func.func @transform_0(%arg0: i32) -> (i32, i32, i32) {
    %c0_i32 = arith.constant 0 : i32
    %c0_i32_0 = arith.constant 0 : i32
    %c0_i32_1 = arith.constant 0 : i32
    return %arg0, %c0_i32, %c0_i32_0 : i32, i32, i32
  }
  func.func @transform_1(%arg0: i32) -> (i32, i32) {
    %c0_i32 = arith.constant 0 : i32
    %c0_i32_0 = arith.constant 0 : i32
    %c0_i32_1 = arith.constant 0 : i32
    return %c0_i32, %c0_i32_0 : i32, i32
  }
  func.func @transform_2(%arg0: i32) -> (i32, i32) {
    %c0_i32 = arith.constant 0 : i32
    %c0_i32_0 = arith.constant 0 : i32
    return %arg0, %c0_i32 : i32, i32
  }
}

module attributes {stable_mosaic.version = 14 : i64} {
  func.func @_edge_body(%arg0: i32, %arg1: memref<2000x128xf32, #tpu.memory_space<vmem>>, %arg2: memref<2000x128xf32, #tpu.memory_space<vmem>>, %arg3: memref<2000x128xf32, #tpu.memory_space<vmem>>, %arg4: memref<8x64xf32, #tpu.memory_space<vmem>>, %arg5: memref<64x128xf32, #tpu.memory_space<vmem>>, %arg6: memref<1152x128xbf16, #tpu.memory_space<vmem>>, %arg7: memref<2000x128xf32, #tpu.memory_space<vmem>>) attributes {dimension_semantics = [#tpu.dimension_semantics<arbitrary>], iteration_bounds = array<i64: 80>, scalar_prefetch = 0 : i64, scratch_operands = 0 : i64, tpu.core_type = #tpu.core_type<tc>, window_params = [{transform_indices = @transform_0, window_bounds = array<i64: 2000, 128>}, {transform_indices = @transform_1, window_bounds = array<i64: 2000, 128>}, {transform_indices = @transform_2, window_bounds = array<i64: 2000, 128>}, {pipeline_mode = #tpu.pipeline_mode<synchronous>, transform_indices = @transform_3, window_bounds = array<i64: 8, 64>}, {pipeline_mode = #tpu.pipeline_mode<synchronous>, transform_indices = @transform_4, window_bounds = array<i64: 64, 128>}, {pipeline_mode = #tpu.pipeline_mode<synchronous>, transform_indices = @transform_5, window_bounds = array<i64: 1152, 128>}, {transform_indices = @transform_6, window_bounds = array<i64: 2000, 128>}]} {
    %get3A = arith.constant 0 : index
    %get3A_0 = arith.constant 0 : index
    %get3A_1 = vector.load %arg1[%get3A, %get3A_0] : memref<2000x128xf32, #tpu.memory_space<vmem>>, vector<2000x128xf32>
    %get3A_2 = arith.constant 0 : index
    %get3A_3 = arith.constant 0 : index
    %get3A_4 = vector.load %arg2[%get3A_2, %get3A_3] : memref<2000x128xf32, #tpu.memory_space<vmem>>, vector<2000x128xf32>
    %slice3A = vector.extract_strided_slice %get3A_4 {offsets = [0, 0], sizes = [2000, 1], strides = [1, 1]} : vector<2000x128xf32> to vector<2000x1xf32>
    %slice3A_5 = vector.extract_strided_slice %get3A_1 {offsets = [0, 0], sizes = [2000, 1], strides = [1, 1]} : vector<2000x128xf32> to vector<2000x1xf32>
    %sub3A = arith.subf %slice3A, %slice3A_5 : vector<2000x1xf32>
    %slice3A_6 = vector.extract_strided_slice %get3A_4 {offsets = [0, 1], sizes = [2000, 1], strides = [1, 1]} : vector<2000x128xf32> to vector<2000x1xf32>
    %slice3A_7 = vector.extract_strided_slice %get3A_1 {offsets = [0, 1], sizes = [2000, 1], strides = [1, 1]} : vector<2000x128xf32> to vector<2000x1xf32>
    %sub3A_8 = arith.subf %slice3A_6, %slice3A_7 : vector<2000x1xf32>
    %slice3A_9 = vector.extract_strided_slice %get3A_4 {offsets = [0, 2], sizes = [2000, 1], strides = [1, 1]} : vector<2000x128xf32> to vector<2000x1xf32>
    %slice3A_10 = vector.extract_strided_slice %get3A_1 {offsets = [0, 2], sizes = [2000, 1], strides = [1, 1]} : vector<2000x128xf32> to vector<2000x1xf32>
    %sub3A_11 = arith.subf %slice3A_9, %slice3A_10 : vector<2000x1xf32>
    %mul3A = arith.mulf %sub3A, %sub3A : vector<2000x1xf32>
    %mul3A_12 = arith.mulf %sub3A_8, %sub3A_8 : vector<2000x1xf32>
    %add3A = arith.addf %mul3A, %mul3A_12 : vector<2000x1xf32>
    %mul3A_13 = arith.mulf %sub3A_11, %sub3A_11 : vector<2000x1xf32>
    %add3A_14 = arith.addf %add3A, %mul3A_13 : vector<2000x1xf32>
    %sqrt3A = math.sqrt %add3A_14 : vector<2000x1xf32>
    %add3A_15 = arith.constant 9.99999997E-7 : f32
    %add3A_16 = vector.broadcast %add3A_15 : f32 to vector<2000x1xf32>
    %add3A_17 = arith.addf %sqrt3A, %add3A_16 : vector<2000x1xf32>
    %div3A = arith.constant 1.000000e+00 : f32
    %div3A_18 = vector.broadcast %div3A : f32 to vector<2000x1xf32>
    %div3A_19 = arith.divf %div3A_18, %add3A_17 : vector<2000x1xf32>
    %mul3A_20 = arith.mulf %sub3A, %div3A_19 : vector<2000x1xf32>
    %mul3A_21 = arith.mulf %sub3A_8, %div3A_19 : vector<2000x1xf32>
    %mul3A_22 = arith.mulf %sub3A_11, %div3A_19 : vector<2000x1xf32>
    %mul3A_23 = arith.constant 2.000000e-01 : f32
    %mul3A_24 = vector.broadcast %mul3A_23 : f32 to vector<2000x1xf32>
    %mul3A_25 = arith.mulf %sqrt3A, %mul3A_24 : vector<2000x1xf32>
    %lt3A = arith.constant 1.000000e+00 : f32
    %lt3A_26 = vector.broadcast %lt3A : f32 to vector<2000x1xf32>
    %lt3A_27 = arith.cmpf olt, %mul3A_25, %lt3A_26 : vector<2000x1xf32>
    %sub3A_28 = arith.constant 1.000000e+00 : f32
    %sub3A_29 = vector.broadcast %sub3A_28 : f32 to vector<2000x1xf32>
    %sub3A_30 = arith.subf %sub3A_29, %mul3A_25 : vector<2000x1xf32>
    %sub3A_31 = arith.constant 1.000000e+00 : f32
    %sub3A_32 = vector.broadcast %sub3A_31 : f32 to vector<2000x1xf32>
    %sub3A_33 = arith.subf %sub3A_32, %mul3A_25 : vector<2000x1xf32>
    %mul3A_34 = arith.mulf %sub3A_30, %sub3A_33 : vector<2000x1xf32>
    %mul3A_35 = arith.constant 2.000000e+00 : f32
    %mul3A_36 = vector.broadcast %mul3A_35 : f32 to vector<2000x1xf32>
    %mul3A_37 = arith.mulf %mul3A_36, %mul3A_25 : vector<2000x1xf32>
    %add3A_38 = arith.constant 1.000000e+00 : f32
    %add3A_39 = vector.broadcast %add3A_38 : f32 to vector<2000x1xf32>
    %add3A_40 = arith.addf %add3A_39, %mul3A_37 : vector<2000x1xf32>
    %mul3A_41 = arith.mulf %mul3A_34, %add3A_40 : vector<2000x1xf32>
    %jit3A = arith.constant 0.000000e+00 : f32
    %broadcast_in_dim3A = vector.broadcast %jit3A : f32 to vector<2000x1xf32>
    %select_n3A = arith.select %lt3A_27, %mul3A_41, %broadcast_in_dim3A : vector<2000x1xi1>, vector<2000x1xf32>
    %mul3A_42 = arith.mulf %select_n3A, %div3A_19 : vector<2000x1xf32>
    %mul3A_43 = arith.constant 0.632455527 : f32
    %mul3A_44 = vector.broadcast %mul3A_43 : f32 to vector<2000x1xf32>
    %mul3A_45 = arith.mulf %mul3A_42, %mul3A_44 : vector<2000x1xf32>
    %mul3A_46 = arith.constant 3.14159274 : f32
    %mul3A_47 = vector.broadcast %mul3A_46 : f32 to vector<2000x1xf32>
    %mul3A_48 = arith.mulf %mul3A_47, %mul3A_25 : vector<2000x1xf32>
    %sin3A = math.sin %mul3A_48 : vector<2000x1xf32>
    %mul3A_49 = arith.constant 6.28318548 : f32
    %mul3A_50 = vector.broadcast %mul3A_49 : f32 to vector<2000x1xf32>
    %mul3A_51 = arith.mulf %mul3A_50, %mul3A_25 : vector<2000x1xf32>
    %sin3A_52 = math.sin %mul3A_51 : vector<2000x1xf32>
    %mul3A_53 = arith.constant 9.42477798 : f32
    %mul3A_54 = vector.broadcast %mul3A_53 : f32 to vector<2000x1xf32>
    %mul3A_55 = arith.mulf %mul3A_54, %mul3A_25 : vector<2000x1xf32>
    %sin3A_56 = math.sin %mul3A_55 : vector<2000x1xf32>
    %mul3A_57 = arith.constant 12.566371 : f32
    %mul3A_58 = vector.broadcast %mul3A_57 : f32 to vector<2000x1xf32>
    %mul3A_59 = arith.mulf %mul3A_58, %mul3A_25 : vector<2000x1xf32>
    %sin3A_60 = math.sin %mul3A_59 : vector<2000x1xf32>
    %mul3A_61 = arith.constant 15.707963 : f32
    %mul3A_62 = vector.broadcast %mul3A_61 : f32 to vector<2000x1xf32>
    %mul3A_63 = arith.mulf %mul3A_62, %mul3A_25 : vector<2000x1xf32>
    %sin3A_64 = math.sin %mul3A_63 : vector<2000x1xf32>
    %mul3A_65 = arith.constant 18.849556 : f32
    %mul3A_66 = vector.broadcast %mul3A_65 : f32 to vector<2000x1xf32>
    %mul3A_67 = arith.mulf %mul3A_66, %mul3A_25 : vector<2000x1xf32>
    %sin3A_68 = math.sin %mul3A_67 : vector<2000x1xf32>
    %mul3A_69 = arith.constant 21.991148 : f32
    %mul3A_70 = vector.broadcast %mul3A_69 : f32 to vector<2000x1xf32>
    %mul3A_71 = arith.mulf %mul3A_70, %mul3A_25 : vector<2000x1xf32>
    %sin3A_72 = math.sin %mul3A_71 : vector<2000x1xf32>
    %mul3A_73 = arith.constant 25.1327419 : f32
    %mul3A_74 = vector.broadcast %mul3A_73 : f32 to vector<2000x1xf32>
    %mul3A_75 = arith.mulf %mul3A_74, %mul3A_25 : vector<2000x1xf32>
    %sin3A_76 = math.sin %mul3A_75 : vector<2000x1xf32>
    %concatenate3A = tpu.concatenate %sin3A, %sin3A_52, %sin3A_56, %sin3A_60, %sin3A_64, %sin3A_68, %sin3A_72, %sin3A_76 in 1 : vector<2000x1xf32>, vector<2000x1xf32>, vector<2000x1xf32>, vector<2000x1xf32>, vector<2000x1xf32>, vector<2000x1xf32>, vector<2000x1xf32>, vector<2000x1xf32> -> vector<2000x8xf32>
    %mul3A_77 = vector.broadcast %mul3A_45 : vector<2000x1xf32> to vector<2000x8xf32>
    %mul3A_78 = arith.mulf %concatenate3A, %mul3A_77 : vector<2000x8xf32>
    %get3A_79 = arith.constant 0 : index
    %get3A_80 = arith.constant 0 : index
    %get3A_81 = vector.load %arg4[%get3A_79, %get3A_80] : memref<8x64xf32, #tpu.memory_space<vmem>>, vector<8x64xf32>
    %dot_general3A = arith.constant dense<0.000000e+00> : vector<2000x64xf32>
    %dot_general3A_82 = tpu.matmul %mul3A_78, %get3A_81, %dot_general3A {dimension_numbers = #tpu.dot_dimension_numbers<[1], [0], [0], [1], [0, 0, 1, 1], [], []>, transpose_lhs_hint = false} : vector<2000x8xf32>, vector<8x64xf32>, vector<2000x64xf32> -> vector<2000x64xf32>
    %max3A = arith.constant 0.000000e+00 : f32
    %max3A_83 = vector.broadcast %max3A : f32 to vector<2000x64xf32>
    %max3A_84 = arith.maximumf %dot_general3A_82, %max3A_83 : vector<2000x64xf32>
    %get3A_85 = arith.constant 0 : index
    %get3A_86 = arith.constant 0 : index
    %get3A_87 = vector.load %arg5[%get3A_85, %get3A_86] : memref<64x128xf32, #tpu.memory_space<vmem>>, vector<64x128xf32>
    %dot_general3A_88 = arith.constant dense<0.000000e+00> : vector<2000x128xf32>
    %dot_general3A_89 = tpu.matmul %max3A_84, %get3A_87, %dot_general3A_88 {dimension_numbers = #tpu.dot_dimension_numbers<[1], [0], [0], [1], [0, 0, 1, 1], [], []>, transpose_lhs_hint = false} : vector<2000x64xf32>, vector<64x128xf32>, vector<2000x128xf32> -> vector<2000x128xf32>
    %get3A_90 = arith.constant 0 : index
    %get3A_91 = arith.constant 0 : index
    %get3A_92 = vector.load %arg3[%get3A_90, %get3A_91] : memref<2000x128xf32, #tpu.memory_space<vmem>>, vector<2000x128xf32>
    %mul3A_93 = arith.mulf %get3A_92, %dot_general3A_89 : vector<2000x128xf32>
    %broadcast_in_dim3A_94 = arith.constant 1.000000e+00 : f32
    %broadcast_in_dim3A_95 = vector.broadcast %broadcast_in_dim3A_94 : f32 to vector<2000x1xf32>
    %mul3A_96 = arith.constant 0.282094806 : f32
    %mul3A_97 = vector.broadcast %mul3A_96 : f32 to vector<2000x1xf32>
    %mul3A_98 = arith.mulf %mul3A_97, %broadcast_in_dim3A_95 : vector<2000x1xf32>
    %mul3A_99 = arith.constant 0.488602519 : f32
    %mul3A_100 = vector.broadcast %mul3A_99 : f32 to vector<2000x1xf32>
    %mul3A_101 = arith.mulf %mul3A_100, %mul3A_21 : vector<2000x1xf32>
    %mul3A_102 = arith.constant 0.488602519 : f32
    %mul3A_103 = vector.broadcast %mul3A_102 : f32 to vector<2000x1xf32>
    %mul3A_104 = arith.mulf %mul3A_103, %mul3A_22 : vector<2000x1xf32>
    %mul3A_105 = arith.constant 0.488602519 : f32
    %mul3A_106 = vector.broadcast %mul3A_105 : f32 to vector<2000x1xf32>
    %mul3A_107 = arith.mulf %mul3A_106, %mul3A_20 : vector<2000x1xf32>
    %mul3A_108 = arith.constant 1.09254849 : f32
    %mul3A_109 = vector.broadcast %mul3A_108 : f32 to vector<2000x1xf32>
    %mul3A_110 = arith.mulf %mul3A_109, %mul3A_20 : vector<2000x1xf32>
    %mul3A_111 = arith.mulf %mul3A_110, %mul3A_21 : vector<2000x1xf32>
    %mul3A_112 = arith.constant 1.09254849 : f32
    %mul3A_113 = vector.broadcast %mul3A_112 : f32 to vector<2000x1xf32>
    %mul3A_114 = arith.mulf %mul3A_113, %mul3A_21 : vector<2000x1xf32>
    %mul3A_115 = arith.mulf %mul3A_114, %mul3A_22 : vector<2000x1xf32>
    %mul3A_116 = arith.constant 3.000000e+00 : f32
    %mul3A_117 = vector.broadcast %mul3A_116 : f32 to vector<2000x1xf32>
    %mul3A_118 = arith.mulf %mul3A_117, %mul3A_22 : vector<2000x1xf32>
    %mul3A_119 = arith.mulf %mul3A_118, %mul3A_22 : vector<2000x1xf32>
    %sub3A_120 = arith.constant 1.000000e+00 : f32
    %sub3A_121 = vector.broadcast %sub3A_120 : f32 to vector<2000x1xf32>
    %sub3A_122 = arith.subf %mul3A_119, %sub3A_121 : vector<2000x1xf32>
    %mul3A_123 = arith.constant 0.31539157 : f32
    %mul3A_124 = vector.broadcast %mul3A_123 : f32 to vector<2000x1xf32>
    %mul3A_125 = arith.mulf %mul3A_124, %sub3A_122 : vector<2000x1xf32>
    %mul3A_126 = arith.constant 1.09254849 : f32
    %mul3A_127 = vector.broadcast %mul3A_126 : f32 to vector<2000x1xf32>
    %mul3A_128 = arith.mulf %mul3A_127, %mul3A_20 : vector<2000x1xf32>
    %mul3A_129 = arith.mulf %mul3A_128, %mul3A_22 : vector<2000x1xf32>
    %mul3A_130 = arith.mulf %mul3A_20, %mul3A_20 : vector<2000x1xf32>
    %mul3A_131 = arith.mulf %mul3A_21, %mul3A_21 : vector<2000x1xf32>
    %sub3A_132 = arith.subf %mul3A_130, %mul3A_131 : vector<2000x1xf32>
    %mul3A_133 = arith.constant 0.546274245 : f32
    %mul3A_134 = vector.broadcast %mul3A_133 : f32 to vector<2000x1xf32>
    %mul3A_135 = arith.mulf %mul3A_134, %sub3A_132 : vector<2000x1xf32>
    %mul3A_136 = vector.broadcast %mul3A_98 : vector<2000x1xf32> to vector<2000x128xf32>
    %mul3A_137 = arith.mulf %mul3A_93, %mul3A_136 : vector<2000x128xf32>
    %convert_element_type3A = arith.truncf %mul3A_137 : vector<2000x128xf32> to vector<2000x128xbf16>
    %mul3A_138 = vector.broadcast %mul3A_101 : vector<2000x1xf32> to vector<2000x128xf32>
    %mul3A_139 = arith.mulf %mul3A_93, %mul3A_138 : vector<2000x128xf32>
    %convert_element_type3A_140 = arith.truncf %mul3A_139 : vector<2000x128xf32> to vector<2000x128xbf16>
    %mul3A_141 = vector.broadcast %mul3A_104 : vector<2000x1xf32> to vector<2000x128xf32>
    %mul3A_142 = arith.mulf %mul3A_93, %mul3A_141 : vector<2000x128xf32>
    %convert_element_type3A_143 = arith.truncf %mul3A_142 : vector<2000x128xf32> to vector<2000x128xbf16>
    %mul3A_144 = vector.broadcast %mul3A_107 : vector<2000x1xf32> to vector<2000x128xf32>
    %mul3A_145 = arith.mulf %mul3A_93, %mul3A_144 : vector<2000x128xf32>
    %convert_element_type3A_146 = arith.truncf %mul3A_145 : vector<2000x128xf32> to vector<2000x128xbf16>
    %mul3A_147 = vector.broadcast %mul3A_111 : vector<2000x1xf32> to vector<2000x128xf32>
    %mul3A_148 = arith.mulf %mul3A_93, %mul3A_147 : vector<2000x128xf32>
    %convert_element_type3A_149 = arith.truncf %mul3A_148 : vector<2000x128xf32> to vector<2000x128xbf16>
    %mul3A_150 = vector.broadcast %mul3A_115 : vector<2000x1xf32> to vector<2000x128xf32>
    %mul3A_151 = arith.mulf %mul3A_93, %mul3A_150 : vector<2000x128xf32>
    %convert_element_type3A_152 = arith.truncf %mul3A_151 : vector<2000x128xf32> to vector<2000x128xbf16>
    %mul3A_153 = vector.broadcast %mul3A_125 : vector<2000x1xf32> to vector<2000x128xf32>
    %mul3A_154 = arith.mulf %mul3A_93, %mul3A_153 : vector<2000x128xf32>
    %convert_element_type3A_155 = arith.truncf %mul3A_154 : vector<2000x128xf32> to vector<2000x128xbf16>
    %mul3A_156 = vector.broadcast %mul3A_129 : vector<2000x1xf32> to vector<2000x128xf32>
    %mul3A_157 = arith.mulf %mul3A_93, %mul3A_156 : vector<2000x128xf32>
    %convert_element_type3A_158 = arith.truncf %mul3A_157 : vector<2000x128xf32> to vector<2000x128xbf16>
    %mul3A_159 = vector.broadcast %mul3A_135 : vector<2000x1xf32> to vector<2000x128xf32>
    %mul3A_160 = arith.mulf %mul3A_93, %mul3A_159 : vector<2000x128xf32>
    %convert_element_type3A_161 = arith.truncf %mul3A_160 : vector<2000x128xf32> to vector<2000x128xbf16>
    %concatenate3A_162 = tpu.concatenate %convert_element_type3A, %convert_element_type3A_140, %convert_element_type3A_143, %convert_element_type3A_146, %convert_element_type3A_149, %convert_element_type3A_152, %convert_element_type3A_155, %convert_element_type3A_158, %convert_element_type3A_161 in 1 : vector<2000x128xbf16>, vector<2000x128xbf16>, vector<2000x128xbf16>, vector<2000x128xbf16>, vector<2000x128xbf16>, vector<2000x128xbf16>, vector<2000x128xbf16>, vector<2000x128xbf16>, vector<2000x128xbf16> -> vector<2000x1152xbf16>
    %get3A_163 = arith.constant 0 : index
    %get3A_164 = arith.constant 0 : index
    %get3A_165 = vector.load %arg6[%get3A_163, %get3A_164] : memref<1152x128xbf16, #tpu.memory_space<vmem>>, vector<1152x128xbf16>
    %dot_general3A_166 = arith.constant dense<0.000000e+00> : vector<2000x128xf32>
    %dot_general3A_167 = tpu.matmul %concatenate3A_162, %get3A_165, %dot_general3A_166 {dimension_numbers = #tpu.dot_dimension_numbers<[1], [0], [0], [1], [0, 0, 1, 1], [], []>, transpose_lhs_hint = false} : vector<2000x1152xbf16>, vector<1152x128xbf16>, vector<2000x128xf32> -> vector<2000x128xf32>
    %swap3A = arith.constant 0 : index
    %swap3A_168 = arith.constant 0 : index
    %swap3A_169 = vector.load %arg7[%swap3A, %swap3A_168] : memref<2000x128xf32, #tpu.memory_space<vmem>>, vector<2000x128xf32>
    tpu.vector_store %arg7[%swap3A, %swap3A_168], %dot_general3A_167 {strides = array<i32>} : memref<2000x128xf32, #tpu.memory_space<vmem>>, vector<2000x128xf32>,
    return
  }
  func.func @transform_0(%arg0: i32) -> (i32, i32) {
    %c0_i32 = arith.constant 0 : i32
    %c0_i32_0 = arith.constant 0 : i32
    return %arg0, %c0_i32 : i32, i32
  }
  func.func @transform_1(%arg0: i32) -> (i32, i32) {
    %c0_i32 = arith.constant 0 : i32
    %c0_i32_0 = arith.constant 0 : i32
    return %arg0, %c0_i32 : i32, i32
  }
  func.func @transform_2(%arg0: i32) -> (i32, i32) {
    %c0_i32 = arith.constant 0 : i32
    %c0_i32_0 = arith.constant 0 : i32
    return %arg0, %c0_i32 : i32, i32
  }
  func.func @transform_3(%arg0: i32) -> (i32, i32) {
    %c0_i32 = arith.constant 0 : i32
    %c0_i32_0 = arith.constant 0 : i32
    %c0_i32_1 = arith.constant 0 : i32
    return %c0_i32, %c0_i32_0 : i32, i32
  }
  func.func @transform_4(%arg0: i32) -> (i32, i32) {
    %c0_i32 = arith.constant 0 : i32
    %c0_i32_0 = arith.constant 0 : i32
    %c0_i32_1 = arith.constant 0 : i32
    return %c0_i32, %c0_i32_0 : i32, i32
  }
  func.func @transform_5(%arg0: i32) -> (i32, i32) {
    %c0_i32 = arith.constant 0 : i32
    %c0_i32_0 = arith.constant 0 : i32
    %c0_i32_1 = arith.constant 0 : i32
    return %c0_i32, %c0_i32_0 : i32, i32
  }
  func.func @transform_6(%arg0: i32) -> (i32, i32) {
    %c0_i32 = arith.constant 0 : i32
    %c0_i32_0 = arith.constant 0 : i32
    return %arg0, %c0_i32 : i32, i32
  }
}

module attributes {stable_mosaic.version = 14 : i64} {
  func.func @_node_body(%arg0: i32, %arg1: memref<2000x128xf32, #tpu.memory_space<vmem>>, %arg2: memref<2000x128xf32, #tpu.memory_space<vmem>>, %arg3: memref<2000x128xf32, #tpu.memory_space<vmem>>, %arg4: memref<128x128xf32, #tpu.memory_space<vmem>>, %arg5: memref<128x128xf32, #tpu.memory_space<vmem>>, %arg6: memref<2000x128xf32, #tpu.memory_space<vmem>>, %arg7: memref<2000x128xf32, #tpu.memory_space<vmem>>) attributes {dimension_semantics = [#tpu.dimension_semantics<arbitrary>], iteration_bounds = array<i64: 5>, scalar_prefetch = 0 : i64, scratch_operands = 0 : i64, tpu.core_type = #tpu.core_type<tc>, window_params = [{transform_indices = @transform_0, window_bounds = array<i64: 2000, 128>}, {transform_indices = @transform_1, window_bounds = array<i64: 2000, 128>}, {transform_indices = @transform_2, window_bounds = array<i64: 2000, 128>}, {pipeline_mode = #tpu.pipeline_mode<synchronous>, transform_indices = @transform_3, window_bounds = array<i64: 128, 128>}, {pipeline_mode = #tpu.pipeline_mode<synchronous>, transform_indices = @transform_4, window_bounds = array<i64: 128, 128>}, {transform_indices = @transform_5, window_bounds = array<i64: 2000, 128>}, {transform_indices = @transform_6, window_bounds = array<i64: 2000, 128>}]} {
    %get3A = arith.constant 0 : index
    %get3A_0 = arith.constant 0 : index
    %get3A_1 = vector.load %arg1[%get3A, %get3A_0] : memref<2000x128xf32, #tpu.memory_space<vmem>>, vector<2000x128xf32>
    %get3A_2 = arith.constant 0 : index
    %get3A_3 = arith.constant 0 : index
    %get3A_4 = vector.load %arg2[%get3A_2, %get3A_3] : memref<2000x128xf32, #tpu.memory_space<vmem>>, vector<2000x128xf32>
    %add3A = arith.addf %get3A_1, %get3A_4 : vector<2000x128xf32>
    %mul3A = arith.constant 6.250000e-02 : f32
    %mul3A_5 = vector.broadcast %mul3A : f32 to vector<2000x128xf32>
    %mul3A_6 = arith.mulf %add3A, %mul3A_5 : vector<2000x128xf32>
    %get3A_7 = arith.constant 0 : index
    %get3A_8 = arith.constant 0 : index
    %get3A_9 = vector.load %arg3[%get3A_7, %get3A_8] : memref<2000x128xf32, #tpu.memory_space<vmem>>, vector<2000x128xf32>
    %get3A_10 = arith.constant 0 : index
    %get3A_11 = arith.constant 0 : index
    %get3A_12 = vector.load %arg4[%get3A_10, %get3A_11] : memref<128x128xf32, #tpu.memory_space<vmem>>, vector<128x128xf32>
    %dot_general3A = arith.constant dense<0.000000e+00> : vector<2000x128xf32>
    %dot_general3A_13 = tpu.matmul %get3A_9, %get3A_12, %dot_general3A {dimension_numbers = #tpu.dot_dimension_numbers<[1], [0], [0], [1], [0, 0, 1, 1], [], []>, transpose_lhs_hint = false} : vector<2000x128xf32>, vector<128x128xf32>, vector<2000x128xf32> -> vector<2000x128xf32>
    %add3A_14 = arith.addf %mul3A_6, %dot_general3A_13 : vector<2000x128xf32>
    %tanh3A = math.tanh %add3A_14 : vector<2000x128xf32>
    %swap3A = arith.constant 0 : index
    %swap3A_15 = arith.constant 0 : index
    %swap3A_16 = vector.load %arg6[%swap3A, %swap3A_15] : memref<2000x128xf32, #tpu.memory_space<vmem>>, vector<2000x128xf32>
    tpu.vector_store %arg6[%swap3A, %swap3A_15], %tanh3A {strides = array<i32>} : memref<2000x128xf32, #tpu.memory_space<vmem>>, vector<2000x128xf32>,
    %get3A_17 = arith.constant 0 : index
    %get3A_18 = arith.constant 0 : index
    %get3A_19 = vector.load %arg5[%get3A_17, %get3A_18] : memref<128x128xf32, #tpu.memory_space<vmem>>, vector<128x128xf32>
    %dot_general3A_20 = arith.constant dense<0.000000e+00> : vector<2000x128xf32>
    %dot_general3A_21 = tpu.matmul %tanh3A, %get3A_19, %dot_general3A_20 {dimension_numbers = #tpu.dot_dimension_numbers<[1], [0], [0], [1], [0, 0, 1, 1], [], []>, transpose_lhs_hint = false} : vector<2000x128xf32>, vector<128x128xf32>, vector<2000x128xf32> -> vector<2000x128xf32>
    %swap3A_22 = arith.constant 0 : index
    %swap3A_23 = arith.constant 0 : index
    %swap3A_24 = vector.load %arg7[%swap3A_22, %swap3A_23] : memref<2000x128xf32, #tpu.memory_space<vmem>>, vector<2000x128xf32>
    tpu.vector_store %arg7[%swap3A_22, %swap3A_23], %dot_general3A_21 {strides = array<i32>} : memref<2000x128xf32, #tpu.memory_space<vmem>>, vector<2000x128xf32>,
    return
  }
  func.func @transform_0(%arg0: i32) -> (i32, i32) {
    %c0_i32 = arith.constant 0 : i32
    %c0_i32_0 = arith.constant 0 : i32
    return %arg0, %c0_i32 : i32, i32
  }
  func.func @transform_1(%arg0: i32) -> (i32, i32) {
    %c0_i32 = arith.constant 0 : i32
    %c0_i32_0 = arith.constant 0 : i32
    return %arg0, %c0_i32 : i32, i32
  }
  func.func @transform_2(%arg0: i32) -> (i32, i32) {
    %c0_i32 = arith.constant 0 : i32
    %c0_i32_0 = arith.constant 0 : i32
    return %arg0, %c0_i32 : i32, i32
  }
  func.func @transform_3(%arg0: i32) -> (i32, i32) {
    %c0_i32 = arith.constant 0 : i32
    %c0_i32_0 = arith.constant 0 : i32
    %c0_i32_1 = arith.constant 0 : i32
    return %c0_i32, %c0_i32_0 : i32, i32
  }
  func.func @transform_4(%arg0: i32) -> (i32, i32) {
    %c0_i32 = arith.constant 0 : i32
    %c0_i32_0 = arith.constant 0 : i32
    %c0_i32_1 = arith.constant 0 : i32
    return %c0_i32, %c0_i32_0 : i32, i32
  }
  func.func @transform_5(%arg0: i32) -> (i32, i32) {
    %c0_i32 = arith.constant 0 : i32
    %c0_i32_0 = arith.constant 0 : i32
    return %arg0, %c0_i32 : i32, i32
  }
  func.func @transform_6(%arg0: i32) -> (i32, i32) {
    %c0_i32 = arith.constant 0 : i32
    %c0_i32_0 = arith.constant 0 : i32
    return %arg0, %c0_i32 : i32, i32
  }
}

module attributes {stable_mosaic.version = 14 : i64} {
  func.func @_node_body(%arg0: i32, %arg1: memref<2000x128xf32, #tpu.memory_space<vmem>>, %arg2: memref<2000x128xf32, #tpu.memory_space<vmem>>, %arg3: memref<2000x128xf32, #tpu.memory_space<vmem>>, %arg4: memref<128x128xf32, #tpu.memory_space<vmem>>, %arg5: memref<128x128xf32, #tpu.memory_space<vmem>>, %arg6: memref<2000x128xf32, #tpu.memory_space<vmem>>, %arg7: memref<2000x128xf32, #tpu.memory_space<vmem>>) attributes {dimension_semantics = [#tpu.dimension_semantics<arbitrary>], iteration_bounds = array<i64: 5>, scalar_prefetch = 0 : i64, scratch_operands = 0 : i64, tpu.core_type = #tpu.core_type<tc>, window_params = [{transform_indices = @transform_0, window_bounds = array<i64: 2000, 128>}, {transform_indices = @transform_1, window_bounds = array<i64: 2000, 128>}, {transform_indices = @transform_2, window_bounds = array<i64: 2000, 128>}, {pipeline_mode = #tpu.pipeline_mode<synchronous>, transform_indices = @transform_3, window_bounds = array<i64: 128, 128>}, {pipeline_mode = #tpu.pipeline_mode<synchronous>, transform_indices = @transform_4, window_bounds = array<i64: 128, 128>}, {transform_indices = @transform_5, window_bounds = array<i64: 2000, 128>}, {transform_indices = @transform_6, window_bounds = array<i64: 2000, 128>}]} {
    %get3A = arith.constant 0 : index
    %get3A_0 = arith.constant 0 : index
    %get3A_1 = vector.load %arg1[%get3A, %get3A_0] : memref<2000x128xf32, #tpu.memory_space<vmem>>, vector<2000x128xf32>
    %get3A_2 = arith.constant 0 : index
    %get3A_3 = arith.constant 0 : index
    %get3A_4 = vector.load %arg2[%get3A_2, %get3A_3] : memref<2000x128xf32, #tpu.memory_space<vmem>>, vector<2000x128xf32>
    %add3A = arith.addf %get3A_1, %get3A_4 : vector<2000x128xf32>
    %mul3A = arith.constant 6.250000e-02 : f32
    %mul3A_5 = vector.broadcast %mul3A : f32 to vector<2000x128xf32>
    %mul3A_6 = arith.mulf %add3A, %mul3A_5 : vector<2000x128xf32>
    %get3A_7 = arith.constant 0 : index
    %get3A_8 = arith.constant 0 : index
    %get3A_9 = vector.load %arg3[%get3A_7, %get3A_8] : memref<2000x128xf32, #tpu.memory_space<vmem>>, vector<2000x128xf32>
    %get3A_10 = arith.constant 0 : index
    %get3A_11 = arith.constant 0 : index
    %get3A_12 = vector.load %arg4[%get3A_10, %get3A_11] : memref<128x128xf32, #tpu.memory_space<vmem>>, vector<128x128xf32>
    %dot_general3A = arith.constant dense<0.000000e+00> : vector<2000x128xf32>
    %dot_general3A_13 = tpu.matmul %get3A_9, %get3A_12, %dot_general3A {dimension_numbers = #tpu.dot_dimension_numbers<[1], [0], [0], [1], [0, 0, 1, 1], [], []>, transpose_lhs_hint = false} : vector<2000x128xf32>, vector<128x128xf32>, vector<2000x128xf32> -> vector<2000x128xf32>
    %add3A_14 = arith.addf %mul3A_6, %dot_general3A_13 : vector<2000x128xf32>
    %tanh3A = math.tanh %add3A_14 : vector<2000x128xf32>
    %swap3A = arith.constant 0 : index
    %swap3A_15 = arith.constant 0 : index
    %swap3A_16 = vector.load %arg6[%swap3A, %swap3A_15] : memref<2000x128xf32, #tpu.memory_space<vmem>>, vector<2000x128xf32>
    tpu.vector_store %arg6[%swap3A, %swap3A_15], %tanh3A {strides = array<i32>} : memref<2000x128xf32, #tpu.memory_space<vmem>>, vector<2000x128xf32>,
    %get3A_17 = arith.constant 0 : index
    %get3A_18 = arith.constant 0 : index
    %get3A_19 = vector.load %arg5[%get3A_17, %get3A_18] : memref<128x128xf32, #tpu.memory_space<vmem>>, vector<128x128xf32>
    %dot_general3A_20 = arith.constant dense<0.000000e+00> : vector<2000x128xf32>
    %dot_general3A_21 = tpu.matmul %tanh3A, %get3A_19, %dot_general3A_20 {dimension_numbers = #tpu.dot_dimension_numbers<[1], [0], [0], [1], [0, 0, 1, 1], [], []>, transpose_lhs_hint = false} : vector<2000x128xf32>, vector<128x128xf32>, vector<2000x128xf32> -> vector<2000x128xf32>
    %swap3A_22 = arith.constant 0 : index
    %swap3A_23 = arith.constant 0 : index
    %swap3A_24 = vector.load %arg7[%swap3A_22, %swap3A_23] : memref<2000x128xf32, #tpu.memory_space<vmem>>, vector<2000x128xf32>
    tpu.vector_store %arg7[%swap3A_22, %swap3A_23], %dot_general3A_21 {strides = array<i32>} : memref<2000x128xf32, #tpu.memory_space<vmem>>, vector<2000x128xf32>,
    return
  }
  func.func @transform_0(%arg0: i32) -> (i32, i32) {
    %c0_i32 = arith.constant 0 : i32
    %c0_i32_0 = arith.constant 0 : i32
    return %arg0, %c0_i32 : i32, i32
  }
  func.func @transform_1(%arg0: i32) -> (i32, i32) {
    %c0_i32 = arith.constant 0 : i32
    %c0_i32_0 = arith.constant 0 : i32
    return %arg0, %c0_i32 : i32, i32
  }
  func.func @transform_2(%arg0: i32) -> (i32, i32) {
    %c0_i32 = arith.constant 0 : i32
    %c0_i32_0 = arith.constant 0 : i32
    return %arg0, %c0_i32 : i32, i32
  }
  func.func @transform_3(%arg0: i32) -> (i32, i32) {
    %c0_i32 = arith.constant 0 : i32
    %c0_i32_0 = arith.constant 0 : i32
    %c0_i32_1 = arith.constant 0 : i32
    return %c0_i32, %c0_i32_0 : i32, i32
  }
  func.func @transform_4(%arg0: i32) -> (i32, i32) {
    %c0_i32 = arith.constant 0 : i32
    %c0_i32_0 = arith.constant 0 : i32
    %c0_i32_1 = arith.constant 0 : i32
    return %c0_i32, %c0_i32_0 : i32, i32
  }
  func.func @transform_5(%arg0: i32) -> (i32, i32) {
    %c0_i32 = arith.constant 0 : i32
    %c0_i32_0 = arith.constant 0 : i32
    return %arg0, %c0_i32 : i32, i32
  }
  func.func @transform_6(%arg0: i32) -> (i32, i32) {
    %c0_i32 = arith.constant 0 : i32
    %c0_i32_0 = arith.constant 0 : i32
    return %arg0, %c0_i32 : i32, i32
  }
}

</mosaic_0001>

<sc_bundles>
// kernel: kernel.13.cloned.1.call-start
scs
__scs_entry_jumppad:
0x0: {  	(pc) =	sbr.rel $0x88, $3  }
0x1: {  	(tag) =	ssettag $0x0;
	lr =	simm.s32 $0x1  }
0x2: {  	[smem:$0x3F92] =	sst lr;
	_ =	strace $0xD0000000  }
0x3: {  	_ = 	snop  }
0x4: {  	_ = 	snop  }
0x5: {  	_ = 	snop  }
0x6: {  	_ = 	snop  }
0x7: {  	_ = 	snop  }
__scs_overlays_trampoline_lowered:
0x8: {  	[smem:$0x3FA1] =	sst s0  }
0x9: {  	[smem:$0x3FA2] =	sst s1  }
0xa: {  	[smem:$0x3FA3] =	sst s2  }
0xb: {  	[smem:$0x3FA4] =	sst s3  }
0xc: {  	[smem:$0x3FA5] =	sst s4  }
0xd: {  	[smem:$0x3FA6] =	sst s5  }
0xe: {  	[smem:$0x3FA7] =	sst s6  }
0xf: {  	[smem:$0x3FA8] =	sst s7  }
0x10: {  	[smem:$0x3FA9] =	sst s8  }
0x11: {  	[smem:$0x3FAA] =	sst s9;
	s0 =	simm.s32 @!p0 $0x0  }
0x12: {  	s1 =	sld [smem:$0x3F90];
	s0 =	simm.s32 @p0 $0x1  }
0x13: {  	[smem:$0x3FAB] =	sst s0;
	s0 =	simm.s32 @!p1 $0x0  }
0x14: {  	s2 =	sld [smem:$0x3F8F];
	s0 =	simm.s32 @p1 $0x1  }
0x15: {  	[smem:$0x3FAC] =	sst s0;
	s0 =	simm.s32 @!p2 $0x0  }
0x16: {  	s3 =	sld [smem:$0x3FDB];
	s0 =	simm.s32 @p2 $0x1  }
0x17: {  	s4 =	simm.s32 $0x1BF5;
	[smem:$0x3FAE] =	sst s0  }
0x18: {  	s0 =	sld [smem:$0x3F91];
	_ =	swait.ge [sflag:s4], $0x0  }
0x19: {  	s7 =	sld [smem:$0x3F92]  }
0x1a: {  	s8 =	sadd.s32 $0xFFFFE003, lr  }
0x1b: {  	s9 =	sadd.s32 $0xFFFFFEF7, lr;
	s5 =	simm.s32 $0xFFFFFFFF;
	p2 =	slt.u32 s8, $0xFFFFF086  }
0x1c: {  	p1 =	slt.u32 s9, $0xF7A;
	s5 =	simm.s32 @!p2 $0x0  }
0x1d: {  	s5 =	simm.s32 @p1 $0x1;
	p0 =	seq.s32 s7, s2  }
0x1e: {  	s7 =	smul.u32 @!p0 $0xF7A, s2;
	p2 =	seq.s32 @!p0 s5, $0x0  }
0x1f: {  	s9 =	smul.u32 $0xF7A, s1;
	s8 =	simm.s32 @!p0 $0x1BF5;
	p2 =	por !p2, p0  }
0x20: {  	[sflag:s8] =	ssyncset.s32 @!p0 $0xFFFFF086;
	s6 =	sadd.s32 @!p0 s3, s7;
	s7 =	simm.s32 @!p0 $0x108  }
0x21: {  	s3 =	sadd.s32 s3, s9;
	s6 =	sadd.s32 @!p0 $0x88, s6;
	s7 =	simm.s32 @p2 $0x1082  }
0x22: {  	[simem:s7], [sflag:s8] =	dma.local @!p0 [hbm:s6], $0xF7A  }
0x23: {  	s9 =	sor.u32 $0xD0000000, s2;
	s6 =	simm.s32 $0x108;
	_ =	swait.ge @!p0 [sflag:s8], $0x0  }
0x24: {  	s3 =	sadd.s32 $0x88, s3;
	s6 =	simm.s32 @!p1 $0x1082;
	[sflag:s4] =	ssyncset.s32 $0xFFFFF086  }
0x25: {  	[simem:s6], [sflag:s4] =	dma.local [hbm:s3], $0xF7A  }
0x26: {  	[smem:$0x3F92] =	sst s1;
	(tag) =	ssettag s2;
	_ =	strace s9  }
0x27: {  	s1 =	sld [smem:$0x3FA2]  }
0x28: {  	s2 =	sld [smem:$0x3FA3]  }
0x29: {  	s4 =	sld [smem:$0x3FA5]  }
0x2a: {  	p0 =	seq.s32 s5, $0x0;
	s5 =	sld [smem:$0x3FA6]  }
0x2b: {  	s6 =	sld [smem:$0x3FA7]  }
0x2c: {  	s7 =	sld [smem:$0x3FA8]  }
0x2d: {  	s3 =	simm.s32 $0x108;
	s8 =	sld [smem:$0x3FA9]  }
0x2e: {  	s3 =	simm.s32 @!p0 $0x1082;
	s9 =	sld [smem:$0x3FAA]  }
0x2f: {  	lr =	sadd.s32 s0, s3;
	s0 =	sld [smem:$0x3FA1]  }
0x30: {  	s3 =	sld [smem:$0x3FA4]  }
0x31: {  	[smem:$0x3FAD] =	sst s10  }
0x32: {  	s10 =	sld [smem:$0x3FAB];
	_ =	sdelay $0x3  }
0x33: {  	p0 =	seq.s32 s10, $0x1;
	s10 =	sld [smem:$0x3FAD];
	_ =	sdelay $0x3  }
0x34: {  	[smem:$0x3FAD] =	sst s10  }
0x35: {  	s10 =	sld [smem:$0x3FAC];
	_ =	sdelay $0x3  }
0x36: {  	p1 =	seq.s32 s10, $0x1;
	s10 =	sld [smem:$0x3FAD];
	_ =	sdelay $0x3  }
0x37: {  	[smem:$0x3FAD] =	sst s10  }
0x38: {  	s10 =	sld [smem:$0x3FAE]  }
0x39: {  	_ = 	snop;
	(pc) =	sbr.ind lr, $3  }
0x3a: {  	_ = 	snop  }
0x3b: {  	_ = 	snop  }
0x3c: {  	p2 =	seq.s32 s10, $0x1;
	s10 =	sld [smem:$0x3FAD]  }
0x3d: {  	_ =	shalt  }
0x3e: {  	_ =	shalt  }
0x3f: {  	_ =	shalt  }
0x40: {  	_ =	shalt  }
0x41: {  	_ =	shalt  }
0x42: {  	_ =	shalt  }
0x43: {  	_ =	shalt  }
0x44: {  	_ =	shalt  }
0x45: {  	_ =	shalt  }
0x46: {  	_ =	shalt  }
0x47: {  	_ =	shalt  }
0x48: {  	_ =	shalt  }
0x49: {  	_ =	shalt  }
0x4a: {  	_ =	shalt  }
0x4b: {  	_ =	shalt  }
0x4c: {  	_ =	shalt  }
0x4d: {  	_ =	shalt  }
0x4e: {  	_ =	shalt  }
0x4f: {  	_ =	shalt  }
0x50: {  	_ =	shalt  }
0x51: {  	_ =	shalt  }
0x52: {  	_ =	shalt  }
0x53: {  	_ =	shalt  }
0x54: {  	_ =	shalt  }
0x55: {  	_ =	shalt  }
0x56: {  	_ =	shalt  }
0x57: {  	_ =	shalt  }
0x58: {  	_ =	shalt  }
0x59: {  	_ =	shalt  }
0x5a: {  	_ =	shalt  }
0x5b: {  	_ =	shalt  }
0x5c: {  	_ =	shalt  }
0x5d: {  	_ =	shalt  }
0x5e: {  	_ =	shalt  }
0x5f: {  	_ =	shalt  }
0x60: {  	_ =	shalt  }
0x61: {  	_ =	shalt  }
0x62: {  	_ =	shalt  }
0x63: {  	_ =	shalt  }
0x64: {  	_ =	shalt  }
0x65: {  	_ =	shalt  }
0x66: {  	_ =	shalt  }
0x67: {  	_ =	shalt  }
0x68: {  	_ =	shalt  }
0x69: {  	_ =	shalt  }
0x6a: {  	_ =	shalt  }
0x6b: {  	_ =	shalt  }
0x6c: {  	_ =	shalt  }
0x6d: {  	_ =	shalt  }
0x6e: {  	_ =	shalt  }
0x6f: {  	_ =	shalt  }
0x70: {  	_ =	shalt  }
0x71: {  	_ =	shalt  }
0x72: {  	_ =	shalt  }
0x73: {  	_ =	shalt  }
0x74: {  	_ =	shalt  }
0x75: {  	_ =	shalt  }
0x76: {  	_ =	shalt  }
0x77: {  	_ =	shalt  }
0x78: {  	_ =	shalt  }
0x79: {  	_ =	shalt  }
0x7a: {  	_ =	shalt  }
0x7b: {  	_ =	shalt  }
0x7c: {  	_ =	shalt  }
0x7d: {  	_ =	shalt  }
0x7e: {  	_ =	shalt  }
0x7f: {  	_ =	shalt  }
0x80: {  	_ =	shalt  }
0x81: {  	_ =	shalt  }
0x82: {  	_ =	shalt  }
0x83: {  	_ =	shalt  }
0x84: {  	_ =	shalt  }
0x85: {  	_ =	shalt  }
0x86: {  	_ =	shalt  }
0x87: {  	_ =	shalt  }
.Lfunc_end0:
.L_simem_size_0:
called_computation_lowered:
.L_overlay_start_0:
0x88: {  	s2 =	sld [smem:$0x3FD9]  }
0x89: {  	s3 =	sld [smem:$0x3FFE];
	_ =	sdelay $0x1  }
0x8a: {  	s1 =	srdreg.scid  }
0x8b: {  	s0 =	sand.u32 $0x1, s1  }
0x8c: {  	s17 =	sshll.u32 s0, $0xA;
	s2 =	sadd.s32 s3, s2  }
0x8d: {  	s2 =	sadd.s32 s2, s17  }
0x8e: {  	[smem:$0x3FB9] =	sst s2  }
0x8f: {  	_ = 	snop  }
0x90: {  	s18 =	sld [smem:$0x3FC7]  }
0x91: {  	s4 =	sld [smem:$0x3FD0];
	(tm) =	ssettm $0x1  }
0x92: {  	s19 =	sld [smem:$0x3FFB];
	_ =	sdelay $0x3  }
0x93: {  	_ =	strace s19  }
0x94: {  	s2 =	sld [smem:$0x3FFC];
	_ =	sdelay $0x3  }
0x95: {  	_ =	strace s2  }
0x96: {  	s2 =	sld [smem:$0x3FFD];
	_ =	sdelay $0x3  }
0x97: {  	_ =	strace s2  }
0x98: {  	_ =	strace $0x8FFFFFFF  }
0x99: {  	s20 =	sld [smem:$0x3FDB];
	_ =	sdelay $0x1  }
0x9a: {  	s5 =	simm.s32 $_scs_section_size  }
0x9b: {  	s6 =	simm.s32 $_size__tile_overlayer_lowered;
	s7 =	simm.s32 $_tile_overlayer_lowered  }
0x9c: {  	s8 =	simm.s32 $0x1BFF;
	s21 =	sshll.u32 s7, $0x1;
	s5 =	sadd.s32 s5, s20  }
0x9d: {  	s22 =	simm.s32 $0x0;
	s6 =	sshll.u32 s6, $0x1;
	s7 =	sadd.s32 s21, s5  }
0x9e: {  	[timem:s22], [sflag:s8] =	dma.local [hbm:s7], s6  }
0x9f: {  	_ =	swait.ge [sflag:s8], s6  }
0xa0: {  	s6 =	ssub.s32 $0x0, s6;
	[sflag:s8] =	ssyncset.done $0x0  }
0xa1: {  	[sflag:s8] =	ssyncadd.s32 s6;
	_ =	sdelay $0x1  }
0xa2: {  	s23 =	simm.s32 $0x1B8B  }
0xa3: {  	_ =	swait.ge [sflag:s23], $0x1  }
0xa4: {  	[sflag:s23] =	ssyncset.done $0x0  }
0xa5: {  	[sflag:s23] =	ssyncadd.s32 $0xFFFFFFFF  }
0xa6: {  	s6 =	sld [smem:$0x0]  }
0xa7: {  	s7 =	sand.u32 $0xFFFFFFFE, s1  }
0xa8: {  	p0 =	sne.s32 s1, s7  }
0xa9: {  	s7 =	sshll.u32 @p0 s7, $0xE  }
0xaa: {  	s7 =	sadd.s32 @p0 $0x11B8D, s7;
	s8 =	sshll.u32 @p0 s6, $0x11  }
0xab: {  	s7 =	sor.u32 @p0 s8, s7  }
0xac: {  	[sflag:s7] =	ssyncadd.remote.s32 @p0 $0x1;
	_ =	sdelay $0x1  }
0xad: {  	s7 =	simm.s32 @p0 $0x1B8D  }
0xae: {  	_ =	swait.eq @p0 [sflag:s7], $0x1  }
0xaf: {  	[sflag:s7] =	ssyncadd.s32 @p0 $0xFFFFFFFF  }
0xb0: {  	s8 =	sshll.u32 @!p0 s1, $0xE  }
0xb1: {  	s8 =	sor.u32 @!p0 $0x4000, s8;
	s7 =	simm.s32 @!p0 $0x1B8D  }
0xb2: {  	s6 =	sshll.u32 @!p0 s6, $0x11;
	s8 =	sadd.s32 @!p0 $0x11B8D, s8;
	_ =	swait.eq @!p0 [sflag:s7], $0x1  }
0xb3: {  	s6 =	sor.u32 @!p0 s6, s8;
	[sflag:s7] =	ssyncadd.s32 @!p0 $0xFFFFFFFF  }
0xb4: {  	s25 =	simm.s32 $0x1B8E;
	s24 =	sld [smem:$0x3FFE];
	[sflag:s6] =	ssyncadd.remote.s32 @!p0 $0x1  }
0xb5: {  	s26 =	simm.s32 $execute0_lowered;
	[smem:$0x3FD2] =	sst s25  }
0xb6: {  	s7 =	sshll.u32 s26, $0x1;
	_ =	strace $0x80000049;
	[dreg:$0x1] =	wrdreg $0xFFFFFFFF  }
0xb7: {  	s28 =	simm.s32 $_size_execute0_lowered;
	s5 =	sadd.s32 s5, s7;
	[dreg:$0x0] =	wrdreg $0x0  }
0xb8: {  	s7 =	sshll.u32 s28, $0x1;
	[dreg:$0x2] =	wrdreg s5  }
0xb9: {  	[dreg:$0x3] =	wrdreg s7  }
0xba: {  	[dreg:$0x4] =	wrdreg $0xC0  }
0xbb: {  	_ =	task [dreg:s22], $0x5FFFF  }
0xbc: {  	[dreg:$0x1] =	wrdreg $0xFFFFFFFF  }
0xbd: {  	[dreg:$0x0] =	wrdreg $0x60  }
0xbe: {  	[dreg:$0x2] =	wrdreg s4  }
0xbf: {  	[dreg:$0x3] =	wrdreg s18  }
0xc0: {  	[dreg:$0x4] =	wrdreg s24  }
0xc1: {  	[dreg:$0x5] =	wrdreg $0x9  }
0xc2: {  	_ =	task.clear_ibuf [dreg:s22], $0x6FFFF;
	_ =	strace $0x90000049  }
0xc3: {  	s29 =	simm.s32 $0x9;
	_ =	strace $0x8000004B  }
0xc4: {  	_ =	swait.ge [sflag:s29], $0x1  }
0xc5: {  	[sflag:s29] =	ssyncadd.s32 $0xFFFFFFFF  }
0xc6: {  	_ =	strace $0x9000004B  }
0xc7: {  	_ =	sfence  }
0xc8: {  	s30 =	sld [smem:$0x0];
	_ =	sdelay $0x2  }
0xc9: {  	s31 =	sshll.u32 s1, $0xD;
	s1 =	sshrl.u32 s1, $0x2  }
0xca: {  	s4 =	sand.u32 $0x4000, s31;
	s1 =	sadd.s32 s1, s30  }
0xcb: {  	s0 =	sor.u32 s4, s0;
	s1 =	sshll.u32 s1, $0x11  }
0xcc: {  	s0 =	sor.u32 s1, s0  }
0xcd: {  	s0 =	sadd.s32 $0x8F2B, s0  }
0xce: {  	[sflag:s0] =	ssyncadd.remote.s32 $0x1  }
0xcf: {  	_ =	sfence.sel $0xFFFF  }
0xd0: {  	[dreg:$0x0] =	wrdreg $0xFFFFFFFF;
	(pc) =	sbr.abs _section_cstart, $3  }
0xd1: {  	[dreg:$0x1] =	wrdreg $0xFFFFFFFF  }
0xd2: {  	_ =	task.clear_ibuf [dreg:s22], $0x2FFFF;
	_ =	strace $0x9FFFFFFF  }
0xd3: {  	(tm) =	ssettm $0x7FFFFFFF  }
tec
execute0_lowered:
.L_overlay_start_1:
0x0: {  	(tag) =	ssettag $0x1  }
0x1: {  	s1 =	rddreg [dreg:$0x0]  }
0x2: {  	s8 =	rddreg [dreg:$0x1];
	s2 =	srdreg.scid  }
0x3: {  	s0 =	stileid.u32;
	s4 =	rddreg [dreg:$0x2];
	s3 =	simm.s32 $0x0  }
0x4: {  	s14 =	simm.s32 $0x4100;
	s15 =	simm.s32 $0x0;
	s6 =	sand.u32 $0x1, s2  }
0x5: {  	s5 =	sshll.u32 s0, $0x1;
	s2 =	rddreg [dreg:$0x3];
	s10 =	smul.u32 $0x2710, s0  }
0x6: {  	[smem:$0x7FF] =	sst s3;
	s7 =	sadd.s32 $0x275C00, s4;
	s12 =	smul.u32 $0x27100, s0  }
0x7: {  	s5 =	sor.u32 s6, s5;
	s29 =	ssub.s32 $0x2, s6;
	s11 =	smul.u32 $0x1388, s6  }
0x8: {  	_ =	strace $0x8000004A;
	s5 =	smul.u32 $0x1388, s5;
	s9 =	sshrl.u32 s29, $0x1  }
0x9: {  	s13 =	smul.u32 $0x13880, s6;
	s9 =	ssub.s32 s29, s9;
	s10 =	sadd.s32 s11, s10  }
0xa: {  	s11 =	simm.s32 $0x1;
	s5 =	sadd.s32 $0x1380, s5;
	s6 =	smax.u32 s9, $0x1  }
0xb: {  	s31 =	sshrl.u32 s10, $0x3;
	s9 =	simm.s32 $0x2;
	s30 =	sshrl.u32 s5, $0x3  }
0xc: {  	s10 =	simm.s32 $0x80;
	s5 =	sshll.u32 s5, $0x4;
	s4 =	sadd.s32 s8, s30  }
0xd: {  	s5 =	sadd.s32 s7, s5;
	s7 =	sadd.s32 s12, s7;
	s8 =	sadd.s32 s31, s8  }
0xe: {  	s12 =	simm.s32 $0x4080;
	s7 =	sadd.s32 s13, s7;
	s13 =	simm.s32 $0x8  }
.LBB2_1:
0xf: {  	s16 =	sadd.s32 $0x0, s8  }
0x10: {  	[tilespmem:s3], [sflag:$0x2] =	stream.linear.gather [hbm4b:s16+s3], $0x80, $0x38;
	[tilespmem:$0x4500] =	vst v63  }
0x11: {  	_ =	swait.ge [sflag:s9], $0x80  }
0x12: {  	[sflag:s9] =	ssyncset.done $0x0  }
0x13: {  	[sflag:s9] =	ssyncadd.s32 $0xFFFFFF80  }
0x14: {  	[tilespmem:s10], [sflag:$0x1] =	stream.indirect.gather [hbm4b:s1+s10], $0x80, s3, s10, $0xb8;
	[tilespmem:$0x4500] =	vst v63  }
0x15: {  	_ =	swait.ge [sflag:s11], $0x4000  }
0x16: {  	[sflag:s11] =	ssyncset.done $0x0  }
0x17: {  	[sflag:s11] =	ssyncadd.s32 $0xFFFFC000  }
0x18: {  	[hbm4b:s7+s3] =	stream.linear.scatter [tilespmem:s10], [sflag:$0x2], $0x4000, $0x38;
	[tilespmem:$0x4500] =	vst v63  }
0x19: {  	s17 =	simm.s32 $0x10;
	_ =	swait.ge [sflag:s9], $0x4000  }
0x1a: {  	s18 =	simm.s32 $0x20;
	s16 =	sadd.s32 $0x800, s7;
	[sflag:s9] =	ssyncset.done $0x0  }
.LBB2_2:
0x1b: {  	s19 =	sadd.s32 s17, s8  }
0x1c: {  	[sflag:s9] =	ssyncadd.s32 $0xFFFFC000;
	s17 =	smov.u32 s18;
	s20 =	sadd.s32 $0x10, s18  }
0x1d: {  	[tilespmem:s3], [sflag:$0x2] =	stream.linear.gather [hbm4b:s19+s3], $0x80, $0x38;
	[tilespmem:$0x4500] =	vst v63  }
0x1e: {  	p0 =	sne.s32 s18, $0x260;
	_ =	swait.ge [sflag:s9], $0x80  }
0x1f: {  	[sflag:s9] =	ssyncset.done $0x0  }
0x20: {  	[sflag:s9] =	ssyncadd.s32 $0xFFFFFF80  }
0x21: {  	[tilespmem:s10], [sflag:$0x1] =	stream.indirect.gather [hbm4b:s1+s10], $0x80, s3, s10, $0xb8;
	[tilespmem:$0x4500] =	vst v63  }
0x22: {  	_ =	swait.ge [sflag:s11], $0x4000  }
.Ltmp0:
0x23: {  	[sflag:s11] =	ssyncset.done $0x0;
	(pc) =	sbr.rel @p0 .LBB2_2-.Ltmp0, $4  }
0x24: {  	[sflag:s11] =	ssyncadd.s32 $0xFFFFC000  }
0x25: {  	[hbm4b:s16+s3] =	stream.linear.scatter [tilespmem:s10], [sflag:$0x2], $0x4000, $0x38;
	[tilespmem:$0x4500] =	vst v63  }
0x26: {  	_ =	swait.ge [sflag:s9], $0x4000  }
0x27: {  	s18 =	smov.u32 s20;
	s16 =	sadd.s32 $0x800, s16;
	[sflag:s9] =	ssyncset.done $0x0  }
0x28: {  	s17 =	sadd.s32 s17, s8;
	[sflag:s9] =	ssyncadd.s32 $0xFFFFC000  }
0x29: {  	[tilespmem:s3], [sflag:$0x2] =	stream.linear.gather [hbm4b:s17+s3], $0x80, $0x38;
	[tilespmem:$0x4500] =	vst v63  }
0x2a: {  	_ =	swait.ge [sflag:s9], $0x80  }
0x2b: {  	[sflag:s9] =	ssyncset.done $0x0  }
0x2c: {  	[sflag:s9] =	ssyncadd.s32 $0xFFFFFF80  }
0x2d: {  	[tilespmem:s10], [sflag:$0x1] =	stream.indirect.gather [hbm4b:s1+s10], $0x80, s3, s10, $0xb8;
	[tilespmem:$0x4500] =	vst v63  }
0x2e: {  	_ =	swait.ge [sflag:s11], $0x4000  }
0x2f: {  	[sflag:s11] =	ssyncset.done $0x0  }
0x30: {  	[sflag:s11] =	ssyncadd.s32 $0xFFFFC000  }
0x31: {  	[hbm4b:s16+s3] =	stream.linear.scatter [tilespmem:s10], [sflag:$0x2], $0x4000, $0x38;
	[tilespmem:$0x4500] =	vst v63  }
0x32: {  	_ =	swait.ge [sflag:s9], $0x4000  }
0x33: {  	[sflag:s9] =	ssyncset.done $0x0  }
0x34: {  	[sflag:s9] =	ssyncadd.s32 $0xFFFFC000  }
0x35: {  	[tilespmem:s12], [sflag:$0x2] =	stream.linear.gather [hbm4b:s4+s3], $0x8, $0x38;
	[tilespmem:$0x4500] =	vst v63  }
0x36: {  	_ =	swait.ge [sflag:s9], $0x8  }
0x37: {  	[sflag:s9] =	ssyncset.done $0x0  }
0x38: {  	[sflag:s9] =	ssyncadd.s32 $0xFFFFFFF8  }
0x39: {  	[tilespmem:s14], [sflag:$0x1] =	stream.indirect.gather [hbm4b:s1+s13], $0x80, s12, s13, $0xb8;
	[tilespmem:$0x4500] =	vst v63  }
0x3a: {  	s15 =	sadd.s32 $0x1, s15;
	_ =	swait.ge [sflag:s11], $0x400  }
0x3b: {  	p0 =	sne.s32 s15, s6;
	[sflag:s11] =	ssyncset.done $0x0  }
.Ltmp1:
0x3c: {  	[sflag:s11] =	ssyncadd.s32 $0xFFFFFC00;
	(pc) =	sbr.rel @p0 .LBB2_1-.Ltmp1, $4  }
0x3d: {  	[hbm4b:s5+s3] =	stream.linear.scatter [tilespmem:s14], [sflag:$0x2], $0x400, $0x38;
	[tilespmem:$0x4500] =	vst v63  }
0x3e: {  	_ =	swait.ge [sflag:s9], $0x400  }
0x3f: {  	[sflag:s9] =	ssyncset.done $0x0  }
0x40: {  	[sflag:s9] =	ssyncadd.s32 $0xFFFFFC00  }
0x41: {  	_ =	sfence.sel $0x180000  }
0x42: {  	[bflag:$0x0] =	sbarrier.arrive $0xFFFF  }
0x43: {  	p0 =	sne.s32 s0, $0x0;
	_ =	strace $0x9000004A  }
0x44: {  	s0 =	sadd.s32 @!p0 $0x100000, s2;
	[bflag:$0x2] =	sbarrier.arrive $0xFFFF  }
0x45: {  	[sflag:s0] =	ssyncadd.tile.s32 @!p0 $0x1;
	_ =	shalt  }
.Lfunc_end2:
_tile_overlayer_lowered:
.L_overlay_start_2:
0x46: {  	(tag) =	ssettag $0x2  }
0x47: {  	s0 =	rddreg [dreg:$0x0];
	s2 =	stileid.u32  }
0x48: {  	s1 =	rddreg [dreg:$0x1];
	p0 =	sne.s32 s2, $0x0  }
0x49: {  	s3 =	rddreg [dreg:$0x2];
	[bflag:$0x3] =	sbarrier.arrive $0xFFFF;
	s2 =	simm.s32 @!p0 $0x1C02  }
0x4a: {  	[timem:s3], [sflag:s2] =	dma.local @!p0 [hbm:s0], s1  }
0x4b: {  	s0 =	simm.s32 @!p0 $0x2  }
0x4c: {  	_ =	swait.ge @!p0 [sflag:s0], s1  }
0x4d: {  	s1 =	ssub.s32 @!p0 $0x0, s1;
	[sflag:s0] =	ssyncset.done @!p0 $0x0  }
0x4e: {  	[sflag:s0] =	ssyncadd.s32 @!p0 s1  }
0x4f: {  	[bflag:$0x3] =	sbarrier.arrive $0xFFFF  }
0x50: {  	_ =	shalt  }

// kernel: kernel.16.cloned.1.call-start
scs
__scs_entry_jumppad:
0x0: {  	(pc) =	sbr.rel $0x88, $3  }
0x1: {  	(tag) =	ssettag $0x0;
	lr =	simm.s32 $0x1  }
0x2: {  	[smem:$0x3F92] =	sst lr;
	_ =	strace $0xD0000000  }
0x3: {  	_ = 	snop  }
0x4: {  	_ = 	snop  }
0x5: {  	_ = 	snop  }
0x6: {  	_ = 	snop  }
0x7: {  	_ = 	snop  }
__scs_overlays_trampoline_lowered:
0x8: {  	[smem:$0x3FA1] =	sst s0  }
0x9: {  	[smem:$0x3FA2] =	sst s1  }
0xa: {  	[smem:$0x3FA3] =	sst s2  }
0xb: {  	[smem:$0x3FA4] =	sst s3  }
0xc: {  	[smem:$0x3FA5] =	sst s4  }
0xd: {  	[smem:$0x3FA6] =	sst s5  }
0xe: {  	[smem:$0x3FA7] =	sst s6  }
0xf: {  	[smem:$0x3FA8] =	sst s7  }
0x10: {  	[smem:$0x3FA9] =	sst s8  }
0x11: {  	[smem:$0x3FAA] =	sst s9;
	s0 =	simm.s32 @!p0 $0x0  }
0x12: {  	s1 =	sld [smem:$0x3F90];
	s0 =	simm.s32 @p0 $0x1  }
0x13: {  	[smem:$0x3FAB] =	sst s0;
	s0 =	simm.s32 @!p1 $0x0  }
0x14: {  	s2 =	sld [smem:$0x3F8F];
	s0 =	simm.s32 @p1 $0x1  }
0x15: {  	[smem:$0x3FAC] =	sst s0;
	s0 =	simm.s32 @!p2 $0x0  }
0x16: {  	s3 =	sld [smem:$0x3FDB];
	s0 =	simm.s32 @p2 $0x1  }
0x17: {  	s4 =	simm.s32 $0x1BF5;
	[smem:$0x3FAE] =	sst s0  }
0x18: {  	s0 =	sld [smem:$0x3F91];
	_ =	swait.ge [sflag:s4], $0x0  }
0x19: {  	s7 =	sld [smem:$0x3F92]  }
0x1a: {  	s8 =	sadd.s32 $0xFFFFE003, lr  }
0x1b: {  	s9 =	sadd.s32 $0xFFFFFEF7, lr;
	s5 =	simm.s32 $0xFFFFFFFF;
	p2 =	slt.u32 s8, $0xFFFFF086  }
0x1c: {  	p1 =	slt.u32 s9, $0xF7A;
	s5 =	simm.s32 @!p2 $0x0  }
0x1d: {  	s5 =	simm.s32 @p1 $0x1;
	p0 =	seq.s32 s7, s2  }
0x1e: {  	s7 =	smul.u32 @!p0 $0xF7A, s2;
	p2 =	seq.s32 @!p0 s5, $0x0  }
0x1f: {  	s9 =	smul.u32 $0xF7A, s1;
	s8 =	simm.s32 @!p0 $0x1BF5;
	p2 =	por !p2, p0  }
0x20: {  	[sflag:s8] =	ssyncset.s32 @!p0 $0xFFFFF086;
	s6 =	sadd.s32 @!p0 s3, s7;
	s7 =	simm.s32 @!p0 $0x108  }
0x21: {  	s3 =	sadd.s32 s3, s9;
	s6 =	sadd.s32 @!p0 $0x88, s6;
	s7 =	simm.s32 @p2 $0x1082  }
0x22: {  	[simem:s7], [sflag:s8] =	dma.local @!p0 [hbm:s6], $0xF7A  }
0x23: {  	s9 =	sor.u32 $0xD0000000, s2;
	s6 =	simm.s32 $0x108;
	_ =	swait.ge @!p0 [sflag:s8], $0x0  }
0x24: {  	s3 =	sadd.s32 $0x88, s3;
	s6 =	simm.s32 @!p1 $0x1082;
	[sflag:s4] =	ssyncset.s32 $0xFFFFF086  }
0x25: {  	[simem:s6], [sflag:s4] =	dma.local [hbm:s3], $0xF7A  }
0x26: {  	[smem:$0x3F92] =	sst s1;
	(tag) =	ssettag s2;
	_ =	strace s9  }
0x27: {  	s1 =	sld [smem:$0x3FA2]  }
0x28: {  	s2 =	sld [smem:$0x3FA3]  }
0x29: {  	s4 =	sld [smem:$0x3FA5]  }
0x2a: {  	p0 =	seq.s32 s5, $0x0;
	s5 =	sld [smem:$0x3FA6]  }
0x2b: {  	s6 =	sld [smem:$0x3FA7]  }
0x2c: {  	s7 =	sld [smem:$0x3FA8]  }
0x2d: {  	s3 =	simm.s32 $0x108;
	s8 =	sld [smem:$0x3FA9]  }
0x2e: {  	s3 =	simm.s32 @!p0 $0x1082;
	s9 =	sld [smem:$0x3FAA]  }
0x2f: {  	lr =	sadd.s32 s0, s3;
	s0 =	sld [smem:$0x3FA1]  }
0x30: {  	s3 =	sld [smem:$0x3FA4]  }
0x31: {  	[smem:$0x3FAD] =	sst s10  }
0x32: {  	s10 =	sld [smem:$0x3FAB];
	_ =	sdelay $0x3  }
0x33: {  	p0 =	seq.s32 s10, $0x1;
	s10 =	sld [smem:$0x3FAD];
	_ =	sdelay $0x3  }
0x34: {  	[smem:$0x3FAD] =	sst s10  }
0x35: {  	s10 =	sld [smem:$0x3FAC];
	_ =	sdelay $0x3  }
0x36: {  	p1 =	seq.s32 s10, $0x1;
	s10 =	sld [smem:$0x3FAD];
	_ =	sdelay $0x3  }
0x37: {  	[smem:$0x3FAD] =	sst s10  }
0x38: {  	s10 =	sld [smem:$0x3FAE]  }
0x39: {  	_ = 	snop;
	(pc) =	sbr.ind lr, $3  }
0x3a: {  	_ = 	snop  }
0x3b: {  	_ = 	snop  }
0x3c: {  	p2 =	seq.s32 s10, $0x1;
	s10 =	sld [smem:$0x3FAD]  }
0x3d: {  	_ =	shalt  }
0x3e: {  	_ =	shalt  }
0x3f: {  	_ =	shalt  }
0x40: {  	_ =	shalt  }
0x41: {  	_ =	shalt  }
0x42: {  	_ =	shalt  }
0x43: {  	_ =	shalt  }
0x44: {  	_ =	shalt  }
0x45: {  	_ =	shalt  }
0x46: {  	_ =	shalt  }
0x47: {  	_ =	shalt  }
0x48: {  	_ =	shalt  }
0x49: {  	_ =	shalt  }
0x4a: {  	_ =	shalt  }
0x4b: {  	_ =	shalt  }
0x4c: {  	_ =	shalt  }
0x4d: {  	_ =	shalt  }
0x4e: {  	_ =	shalt  }
0x4f: {  	_ =	shalt  }
0x50: {  	_ =	shalt  }
0x51: {  	_ =	shalt  }
0x52: {  	_ =	shalt  }
0x53: {  	_ =	shalt  }
0x54: {  	_ =	shalt  }
0x55: {  	_ =	shalt  }
0x56: {  	_ =	shalt  }
0x57: {  	_ =	shalt  }
0x58: {  	_ =	shalt  }
0x59: {  	_ =	shalt  }
0x5a: {  	_ =	shalt  }
0x5b: {  	_ =	shalt  }
0x5c: {  	_ =	shalt  }
0x5d: {  	_ =	shalt  }
0x5e: {  	_ =	shalt  }
0x5f: {  	_ =	shalt  }
0x60: {  	_ =	shalt  }
0x61: {  	_ =	shalt  }
0x62: {  	_ =	shalt  }
0x63: {  	_ =	shalt  }
0x64: {  	_ =	shalt  }
0x65: {  	_ =	shalt  }
0x66: {  	_ =	shalt  }
0x67: {  	_ =	shalt  }
0x68: {  	_ =	shalt  }
0x69: {  	_ =	shalt  }
0x6a: {  	_ =	shalt  }
0x6b: {  	_ =	shalt  }
0x6c: {  	_ =	shalt  }
0x6d: {  	_ =	shalt  }
0x6e: {  	_ =	shalt  }
0x6f: {  	_ =	shalt  }
0x70: {  	_ =	shalt  }
0x71: {  	_ =	shalt  }
0x72: {  	_ =	shalt  }
0x73: {  	_ =	shalt  }
0x74: {  	_ =	shalt  }
0x75: {  	_ =	shalt  }
0x76: {  	_ =	shalt  }
0x77: {  	_ =	shalt  }
0x78: {  	_ =	shalt  }
0x79: {  	_ =	shalt  }
0x7a: {  	_ =	shalt  }
0x7b: {  	_ =	shalt  }
0x7c: {  	_ =	shalt  }
0x7d: {  	_ =	shalt  }
0x7e: {  	_ =	shalt  }
0x7f: {  	_ =	shalt  }
0x80: {  	_ =	shalt  }
0x81: {  	_ =	shalt  }
0x82: {  	_ =	shalt  }
0x83: {  	_ =	shalt  }
0x84: {  	_ =	shalt  }
0x85: {  	_ =	shalt  }
0x86: {  	_ =	shalt  }
0x87: {  	_ =	shalt  }
.Lfunc_end0:
.L_simem_size_0:
called_computation.1_lowered:
.L_overlay_start_0:
0x88: {  	s2 =	sld [smem:$0x3FD9]  }
0x89: {  	s3 =	sld [smem:$0x3FFE];
	_ =	sdelay $0x1  }
0x8a: {  	s1 =	srdreg.scid  }
0x8b: {  	s0 =	sand.u32 $0x1, s1  }
0x8c: {  	s17 =	sshll.u32 s0, $0xA;
	s2 =	sadd.s32 s3, s2  }
0x8d: {  	s2 =	sadd.s32 s2, s17  }
0x8e: {  	[smem:$0x3FB9] =	sst s2  }
0x8f: {  	_ = 	snop  }
0x90: {  	s2 =	sld [smem:$0x3FC6]  }
0x91: {  	s18 =	sld [smem:$0x3FD0];
	(tm) =	ssettm $0x1  }
0x92: {  	s4 =	sld [smem:$0x3FFB];
	_ =	sdelay $0x3  }
0x93: {  	_ =	strace s4  }
0x94: {  	s4 =	sld [smem:$0x3FFC];
	_ =	sdelay $0x3  }
0x95: {  	_ =	strace s4  }
0x96: {  	s4 =	sld [smem:$0x3FFD];
	_ =	sdelay $0x3  }
0x97: {  	_ =	strace s4  }
0x98: {  	_ =	strace $0x8FFFFFFF  }
0x99: {  	s19 =	sld [smem:$0x3FDB];
	_ =	sdelay $0x1  }
0x9a: {  	s5 =	simm.s32 $_scs_section_size  }
0x9b: {  	s6 =	simm.s32 $_size__tile_overlayer_lowered;
	s7 =	simm.s32 $_tile_overlayer_lowered  }
0x9c: {  	s22 =	simm.s32 $0x1BFF;
	s21 =	sshll.u32 s7, $0x1;
	s4 =	sadd.s32 s5, s19  }
0x9d: {  	s8 =	simm.s32 $0x0;
	s20 =	sshll.u32 s6, $0x1;
	s6 =	sadd.s32 s21, s4  }
0x9e: {  	[timem:s8], [sflag:s22] =	dma.local [hbm:s6], s20  }
0x9f: {  	_ =	swait.ge [sflag:s22], s20  }
0xa0: {  	s5 =	ssub.s32 $0x0, s20;
	[sflag:s22] =	ssyncset.done $0x0  }
0xa1: {  	[sflag:s22] =	ssyncadd.s32 s5;
	_ =	sdelay $0x1  }
0xa2: {  	s23 =	simm.s32 $0x1B8B  }
0xa3: {  	_ =	swait.ge [sflag:s23], $0x1  }
0xa4: {  	[sflag:s23] =	ssyncset.done $0x0  }
0xa5: {  	s25 =	simm.s32 $0x1B8E;
	s24 =	sld [smem:$0x3FFE];
	[sflag:s23] =	ssyncadd.s32 $0xFFFFFFFF  }
0xa6: {  	s26 =	simm.s32 $execute0_lowered;
	[smem:$0x3FD2] =	sst s25  }
0xa7: {  	s6 =	sshll.u32 s26, $0x1;
	_ =	strace $0x80000046;
	[dreg:$0x1] =	wrdreg $0xFFFFFFFF  }
0xa8: {  	s28 =	simm.s32 $_size_execute0_lowered;
	s4 =	sadd.s32 s4, s6;
	[dreg:$0x0] =	wrdreg $0x0  }
0xa9: {  	s6 =	sshll.u32 s28, $0x1;
	[dreg:$0x2] =	wrdreg s4  }
0xaa: {  	[dreg:$0x3] =	wrdreg s6  }
0xab: {  	[dreg:$0x4] =	wrdreg $0xC0  }
0xac: {  	_ =	task [dreg:s8], $0x5FFFF  }
0xad: {  	[dreg:$0x1] =	wrdreg $0xFFFFFFFF  }
0xae: {  	[dreg:$0x0] =	wrdreg $0x60  }
0xaf: {  	[dreg:$0x2] =	wrdreg s18  }
0xb0: {  	[dreg:$0x3] =	wrdreg s2  }
0xb1: {  	[dreg:$0x4] =	wrdreg s24  }
0xb2: {  	[dreg:$0x5] =	wrdreg $0xA  }
0xb3: {  	_ =	task.clear_ibuf [dreg:s8], $0x6FFFF;
	_ =	strace $0x90000046  }
0xb4: {  	s29 =	simm.s32 $0xA;
	_ =	strace $0x80000048  }
0xb5: {  	_ =	swait.ge [sflag:s29], $0x1  }
0xb6: {  	[sflag:s29] =	ssyncadd.s32 $0xFFFFFFFF  }
0xb7: {  	_ =	strace $0x90000048  }
0xb8: {  	_ =	sfence  }
0xb9: {  	s30 =	sld [smem:$0x0];
	_ =	sdelay $0x2  }
0xba: {  	s31 =	sshll.u32 s1, $0xD;
	s1 =	sshrl.u32 s1, $0x2  }
0xbb: {  	s3 =	sand.u32 $0x4000, s31;
	s1 =	sadd.s32 s1, s30  }
0xbc: {  	s0 =	sor.u32 s3, s0;
	s1 =	sshll.u32 s1, $0x11  }
0xbd: {  	s0 =	sor.u32 s1, s0  }
0xbe: {  	s0 =	sadd.s32 $0x8F2B, s0  }
0xbf: {  	[sflag:s0] =	ssyncadd.remote.s32 $0x1  }
0xc0: {  	_ =	sfence.sel $0xFFFF  }
0xc1: {  	[dreg:$0x0] =	wrdreg $0xFFFFFFFF;
	(pc) =	sbr.abs _section_cstart, $3  }
0xc2: {  	[dreg:$0x1] =	wrdreg $0xFFFFFFFF  }
0xc3: {  	_ =	task.clear_ibuf [dreg:s8], $0x2FFFF;
	_ =	strace $0x9FFFFFFF  }
0xc4: {  	(tm) =	ssettm $0x7FFFFFFF  }
0xc5: {  	_ =	shalt  }
tec
execute0_lowered:
.L_overlay_start_1:
0x0: {  	(tag) =	ssettag $0x1  }
0x1: {  	s1 =	rddreg [dreg:$0x0]  }
0x2: {  	s8 =	rddreg [dreg:$0x1];
	s2 =	srdreg.scid  }
0x3: {  	s0 =	stileid.u32;
	s4 =	rddreg [dreg:$0x2];
	s3 =	simm.s32 $0x0  }
0x4: {  	s14 =	simm.s32 $0x4100;
	s15 =	simm.s32 $0x0;
	s6 =	sand.u32 $0x1, s2  }
0x5: {  	s5 =	sshll.u32 s0, $0x1;
	s2 =	rddreg [dreg:$0x3];
	s10 =	smul.u32 $0x2710, s0  }
0x6: {  	[smem:$0x7FF] =	sst s3;
	s7 =	sadd.s32 $0x4C00, s4;
	s12 =	smul.u32 $0x27100, s0  }
0x7: {  	s5 =	sor.u32 s6, s5;
	s29 =	ssub.s32 $0x2, s6;
	s11 =	smul.u32 $0x1388, s6  }
0x8: {  	_ =	strace $0x80000047;
	s5 =	smul.u32 $0x1388, s5;
	s9 =	sshrl.u32 s29, $0x1  }
0x9: {  	s13 =	smul.u32 $0x13880, s6;
	s9 =	ssub.s32 s29, s9;
	s10 =	sadd.s32 s11, s10  }
0xa: {  	s11 =	simm.s32 $0x1;
	s5 =	sadd.s32 $0x1380, s5;
	s6 =	smax.u32 s9, $0x1  }
0xb: {  	s31 =	sshrl.u32 s10, $0x3;
	s9 =	simm.s32 $0x2;
	s30 =	sshrl.u32 s5, $0x3  }
0xc: {  	s10 =	simm.s32 $0x80;
	s5 =	sshll.u32 s5, $0x4;
	s4 =	sadd.s32 s8, s30  }
0xd: {  	s5 =	sadd.s32 s7, s5;
	s7 =	sadd.s32 s12, s7;
	s8 =	sadd.s32 s31, s8  }
0xe: {  	s12 =	simm.s32 $0x4080;
	s7 =	sadd.s32 s13, s7;
	s13 =	simm.s32 $0x8  }
.LBB2_1:
0xf: {  	s16 =	sadd.s32 $0x0, s8  }
0x10: {  	[tilespmem:s3], [sflag:$0x2] =	stream.linear.gather [hbm4b:s16+s3], $0x80, $0x38;
	[tilespmem:$0x4500] =	vst v63  }
0x11: {  	_ =	swait.ge [sflag:s9], $0x80  }
0x12: {  	[sflag:s9] =	ssyncset.done $0x0  }
0x13: {  	[sflag:s9] =	ssyncadd.s32 $0xFFFFFF80  }
0x14: {  	[tilespmem:s10], [sflag:$0x1] =	stream.indirect.gather [hbm4b:s1+s10], $0x80, s3, s10, $0xb8;
	[tilespmem:$0x4500] =	vst v63  }
0x15: {  	_ =	swait.ge [sflag:s11], $0x4000  }
0x16: {  	[sflag:s11] =	ssyncset.done $0x0  }
0x17: {  	[sflag:s11] =	ssyncadd.s32 $0xFFFFC000  }
0x18: {  	[hbm4b:s7+s3] =	stream.linear.scatter [tilespmem:s10], [sflag:$0x2], $0x4000, $0x38;
	[tilespmem:$0x4500] =	vst v63  }
0x19: {  	s17 =	simm.s32 $0x10;
	_ =	swait.ge [sflag:s9], $0x4000  }
0x1a: {  	s18 =	simm.s32 $0x20;
	s16 =	sadd.s32 $0x800, s7;
	[sflag:s9] =	ssyncset.done $0x0  }
.LBB2_2:
0x1b: {  	s19 =	sadd.s32 s17, s8  }
0x1c: {  	[sflag:s9] =	ssyncadd.s32 $0xFFFFC000;
	s17 =	smov.u32 s18;
	s20 =	sadd.s32 $0x10, s18  }
0x1d: {  	[tilespmem:s3], [sflag:$0x2] =	stream.linear.gather [hbm4b:s19+s3], $0x80, $0x38;
	[tilespmem:$0x4500] =	vst v63  }
0x1e: {  	p0 =	sne.s32 s18, $0x260;
	_ =	swait.ge [sflag:s9], $0x80  }
0x1f: {  	[sflag:s9] =	ssyncset.done $0x0  }
0x20: {  	[sflag:s9] =	ssyncadd.s32 $0xFFFFFF80  }
0x21: {  	[tilespmem:s10], [sflag:$0x1] =	stream.indirect.gather [hbm4b:s1+s10], $0x80, s3, s10, $0xb8;
	[tilespmem:$0x4500] =	vst v63  }
0x22: {  	_ =	swait.ge [sflag:s11], $0x4000  }
.Ltmp0:
0x23: {  	[sflag:s11] =	ssyncset.done $0x0;
	(pc) =	sbr.rel @p0 .LBB2_2-.Ltmp0, $4  }
0x24: {  	[sflag:s11] =	ssyncadd.s32 $0xFFFFC000  }
0x25: {  	[hbm4b:s16+s3] =	stream.linear.scatter [tilespmem:s10], [sflag:$0x2], $0x4000, $0x38;
	[tilespmem:$0x4500] =	vst v63  }
0x26: {  	_ =	swait.ge [sflag:s9], $0x4000  }
0x27: {  	s18 =	smov.u32 s20;
	s16 =	sadd.s32 $0x800, s16;
	[sflag:s9] =	ssyncset.done $0x0  }
0x28: {  	s17 =	sadd.s32 s17, s8;
	[sflag:s9] =	ssyncadd.s32 $0xFFFFC000  }
0x29: {  	[tilespmem:s3], [sflag:$0x2] =	stream.linear.gather [hbm4b:s17+s3], $0x80, $0x38;
	[tilespmem:$0x4500] =	vst v63  }
0x2a: {  	_ =	swait.ge [sflag:s9], $0x80  }
0x2b: {  	[sflag:s9] =	ssyncset.done $0x0  }
0x2c: {  	[sflag:s9] =	ssyncadd.s32 $0xFFFFFF80  }
0x2d: {  	[tilespmem:s10], [sflag:$0x1] =	stream.indirect.gather [hbm4b:s1+s10], $0x80, s3, s10, $0xb8;
	[tilespmem:$0x4500] =	vst v63  }
0x2e: {  	_ =	swait.ge [sflag:s11], $0x4000  }
0x2f: {  	[sflag:s11] =	ssyncset.done $0x0  }
0x30: {  	[sflag:s11] =	ssyncadd.s32 $0xFFFFC000  }
0x31: {  	[hbm4b:s16+s3] =	stream.linear.scatter [tilespmem:s10], [sflag:$0x2], $0x4000, $0x38;
	[tilespmem:$0x4500] =	vst v63  }
0x32: {  	_ =	swait.ge [sflag:s9], $0x4000  }
0x33: {  	[sflag:s9] =	ssyncset.done $0x0  }
0x34: {  	[sflag:s9] =	ssyncadd.s32 $0xFFFFC000  }
0x35: {  	[tilespmem:s12], [sflag:$0x2] =	stream.linear.gather [hbm4b:s4+s3], $0x8, $0x38;
	[tilespmem:$0x4500] =	vst v63  }
0x36: {  	_ =	swait.ge [sflag:s9], $0x8  }
0x37: {  	[sflag:s9] =	ssyncset.done $0x0  }
0x38: {  	[sflag:s9] =	ssyncadd.s32 $0xFFFFFFF8  }
0x39: {  	[tilespmem:s14], [sflag:$0x1] =	stream.indirect.gather [hbm4b:s1+s13], $0x80, s12, s13, $0xb8;
	[tilespmem:$0x4500] =	vst v63  }
0x3a: {  	s15 =	sadd.s32 $0x1, s15;
	_ =	swait.ge [sflag:s11], $0x400  }
0x3b: {  	p0 =	sne.s32 s15, s6;
	[sflag:s11] =	ssyncset.done $0x0  }
.Ltmp1:
0x3c: {  	[sflag:s11] =	ssyncadd.s32 $0xFFFFFC00;
	(pc) =	sbr.rel @p0 .LBB2_1-.Ltmp1, $4  }
0x3d: {  	[hbm4b:s5+s3] =	stream.linear.scatter [tilespmem:s14], [sflag:$0x2], $0x400, $0x38;
	[tilespmem:$0x4500] =	vst v63  }
0x3e: {  	_ =	swait.ge [sflag:s9], $0x400  }
0x3f: {  	[sflag:s9] =	ssyncset.done $0x0  }
0x40: {  	[sflag:s9] =	ssyncadd.s32 $0xFFFFFC00  }
0x41: {  	_ =	sfence.sel $0x180000  }
0x42: {  	[bflag:$0x0] =	sbarrier.arrive $0xFFFF  }
0x43: {  	p0 =	sne.s32 s0, $0x0;
	_ =	strace $0x90000047  }
0x44: {  	s0 =	sadd.s32 @!p0 $0x100000, s2;
	[bflag:$0x2] =	sbarrier.arrive $0xFFFF  }
0x45: {  	[sflag:s0] =	ssyncadd.tile.s32 @!p0 $0x1;
	_ =	shalt  }
.Lfunc_end2:
_tile_overlayer_lowered:
.L_overlay_start_2:
0x46: {  	(tag) =	ssettag $0x2  }
0x47: {  	s0 =	rddreg [dreg:$0x0];
	s2 =	stileid.u32  }
0x48: {  	s1 =	rddreg [dreg:$0x1];
	p0 =	sne.s32 s2, $0x0  }
0x49: {  	s3 =	rddreg [dreg:$0x2];
	[bflag:$0x3] =	sbarrier.arrive $0xFFFF;
	s2 =	simm.s32 @!p0 $0x1C02  }
0x4a: {  	[timem:s3], [sflag:s2] =	dma.local @!p0 [hbm:s0], s1  }
0x4b: {  	s0 =	simm.s32 @!p0 $0x2  }
0x4c: {  	_ =	swait.ge @!p0 [sflag:s0], s1  }
0x4d: {  	s1 =	ssub.s32 @!p0 $0x0, s1;
	[sflag:s0] =	ssyncset.done @!p0 $0x0  }
0x4e: {  	[sflag:s0] =	ssyncadd.s32 @!p0 s1  }
0x4f: {  	[bflag:$0x3] =	sbarrier.arrive $0xFFFF  }
0x50: {  	_ =	shalt  }

// kernel: kernel.19.cloned.1.call-start
scs
__scs_entry_jumppad:
0x0: {  	(pc) =	sbr.rel $0x88, $3  }
0x1: {  	(tag) =	ssettag $0x0;
	lr =	simm.s32 $0x1  }
0x2: {  	[smem:$0x3F92] =	sst lr;
	_ =	strace $0xD0000000  }
0x3: {  	_ = 	snop  }
0x4: {  	_ = 	snop  }
0x5: {  	_ = 	snop  }
0x6: {  	_ = 	snop  }
0x7: {  	_ = 	snop  }
__scs_overlays_trampoline_lowered:
0x8: {  	[smem:$0x3FA1] =	sst s0  }
0x9: {  	[smem:$0x3FA2] =	sst s1  }
0xa: {  	[smem:$0x3FA3] =	sst s2  }
0xb: {  	[smem:$0x3FA4] =	sst s3  }
0xc: {  	[smem:$0x3FA5] =	sst s4  }
0xd: {  	[smem:$0x3FA6] =	sst s5  }
0xe: {  	[smem:$0x3FA7] =	sst s6  }
0xf: {  	[smem:$0x3FA8] =	sst s7  }
0x10: {  	[smem:$0x3FA9] =	sst s8  }
0x11: {  	[smem:$0x3FAA] =	sst s9;
	s0 =	simm.s32 @!p0 $0x0  }
0x12: {  	s1 =	sld [smem:$0x3F90];
	s0 =	simm.s32 @p0 $0x1  }
0x13: {  	[smem:$0x3FAB] =	sst s0;
	s0 =	simm.s32 @!p1 $0x0  }
0x14: {  	s2 =	sld [smem:$0x3F8F];
	s0 =	simm.s32 @p1 $0x1  }
0x15: {  	[smem:$0x3FAC] =	sst s0;
	s0 =	simm.s32 @!p2 $0x0  }
0x16: {  	s3 =	sld [smem:$0x3FDB];
	s0 =	simm.s32 @p2 $0x1  }
0x17: {  	s4 =	simm.s32 $0x1BF5;
	[smem:$0x3FAE] =	sst s0  }
0x18: {  	s0 =	sld [smem:$0x3F91];
	_ =	swait.ge [sflag:s4], $0x0  }
0x19: {  	s7 =	sld [smem:$0x3F92]  }
0x1a: {  	s8 =	sadd.s32 $0xFFFFE003, lr  }
0x1b: {  	s9 =	sadd.s32 $0xFFFFFEF7, lr;
	s5 =	simm.s32 $0xFFFFFFFF;
	p2 =	slt.u32 s8, $0xFFFFF086  }
0x1c: {  	p1 =	slt.u32 s9, $0xF7A;
	s5 =	simm.s32 @!p2 $0x0  }
0x1d: {  	s5 =	simm.s32 @p1 $0x1;
	p0 =	seq.s32 s7, s2  }
0x1e: {  	s7 =	smul.u32 @!p0 $0xF7A, s2;
	p2 =	seq.s32 @!p0 s5, $0x0  }
0x1f: {  	s9 =	smul.u32 $0xF7A, s1;
	s8 =	simm.s32 @!p0 $0x1BF5;
	p2 =	por !p2, p0  }
0x20: {  	[sflag:s8] =	ssyncset.s32 @!p0 $0xFFFFF086;
	s6 =	sadd.s32 @!p0 s3, s7;
	s7 =	simm.s32 @!p0 $0x108  }
0x21: {  	s3 =	sadd.s32 s3, s9;
	s6 =	sadd.s32 @!p0 $0x88, s6;
	s7 =	simm.s32 @p2 $0x1082  }
0x22: {  	[simem:s7], [sflag:s8] =	dma.local @!p0 [hbm:s6], $0xF7A  }
0x23: {  	s9 =	sor.u32 $0xD0000000, s2;
	s6 =	simm.s32 $0x108;
	_ =	swait.ge @!p0 [sflag:s8], $0x0  }
0x24: {  	s3 =	sadd.s32 $0x88, s3;
	s6 =	simm.s32 @!p1 $0x1082;
	[sflag:s4] =	ssyncset.s32 $0xFFFFF086  }
0x25: {  	[simem:s6], [sflag:s4] =	dma.local [hbm:s3], $0xF7A  }
0x26: {  	[smem:$0x3F92] =	sst s1;
	(tag) =	ssettag s2;
	_ =	strace s9  }
0x27: {  	s1 =	sld [smem:$0x3FA2]  }
0x28: {  	s2 =	sld [smem:$0x3FA3]  }
0x29: {  	s4 =	sld [smem:$0x3FA5]  }
0x2a: {  	p0 =	seq.s32 s5, $0x0;
	s5 =	sld [smem:$0x3FA6]  }
0x2b: {  	s6 =	sld [smem:$0x3FA7]  }
0x2c: {  	s7 =	sld [smem:$0x3FA8]  }
0x2d: {  	s3 =	simm.s32 $0x108;
	s8 =	sld [smem:$0x3FA9]  }
0x2e: {  	s3 =	simm.s32 @!p0 $0x1082;
	s9 =	sld [smem:$0x3FAA]  }
0x2f: {  	lr =	sadd.s32 s0, s3;
	s0 =	sld [smem:$0x3FA1]  }
0x30: {  	s3 =	sld [smem:$0x3FA4]  }
0x31: {  	[smem:$0x3FAD] =	sst s10  }
0x32: {  	s10 =	sld [smem:$0x3FAB];
	_ =	sdelay $0x3  }
0x33: {  	p0 =	seq.s32 s10, $0x1;
	s10 =	sld [smem:$0x3FAD];
	_ =	sdelay $0x3  }
0x34: {  	[smem:$0x3FAD] =	sst s10  }
0x35: {  	s10 =	sld [smem:$0x3FAC];
	_ =	sdelay $0x3  }
0x36: {  	p1 =	seq.s32 s10, $0x1;
	s10 =	sld [smem:$0x3FAD];
	_ =	sdelay $0x3  }
0x37: {  	[smem:$0x3FAD] =	sst s10  }
0x38: {  	s10 =	sld [smem:$0x3FAE]  }
0x39: {  	_ = 	snop;
	(pc) =	sbr.ind lr, $3  }
0x3a: {  	_ = 	snop  }
0x3b: {  	_ = 	snop  }
0x3c: {  	p2 =	seq.s32 s10, $0x1;
	s10 =	sld [smem:$0x3FAD]  }
0x3d: {  	_ =	shalt  }
0x3e: {  	_ =	shalt  }
0x3f: {  	_ =	shalt  }
0x40: {  	_ =	shalt  }
0x41: {  	_ =	shalt  }
0x42: {  	_ =	shalt  }
0x43: {  	_ =	shalt  }
0x44: {  	_ =	shalt  }
0x45: {  	_ =	shalt  }
0x46: {  	_ =	shalt  }
0x47: {  	_ =	shalt  }
0x48: {  	_ =	shalt  }
0x49: {  	_ =	shalt  }
0x4a: {  	_ =	shalt  }
0x4b: {  	_ =	shalt  }
0x4c: {  	_ =	shalt  }
0x4d: {  	_ =	shalt  }
0x4e: {  	_ =	shalt  }
0x4f: {  	_ =	shalt  }
0x50: {  	_ =	shalt  }
0x51: {  	_ =	shalt  }
0x52: {  	_ =	shalt  }
0x53: {  	_ =	shalt  }
0x54: {  	_ =	shalt  }
0x55: {  	_ =	shalt  }
0x56: {  	_ =	shalt  }
0x57: {  	_ =	shalt  }
0x58: {  	_ =	shalt  }
0x59: {  	_ =	shalt  }
0x5a: {  	_ =	shalt  }
0x5b: {  	_ =	shalt  }
0x5c: {  	_ =	shalt  }
0x5d: {  	_ =	shalt  }
0x5e: {  	_ =	shalt  }
0x5f: {  	_ =	shalt  }
0x60: {  	_ =	shalt  }
0x61: {  	_ =	shalt  }
0x62: {  	_ =	shalt  }
0x63: {  	_ =	shalt  }
0x64: {  	_ =	shalt  }
0x65: {  	_ =	shalt  }
0x66: {  	_ =	shalt  }
0x67: {  	_ =	shalt  }
0x68: {  	_ =	shalt  }
0x69: {  	_ =	shalt  }
0x6a: {  	_ =	shalt  }
0x6b: {  	_ =	shalt  }
0x6c: {  	_ =	shalt  }
0x6d: {  	_ =	shalt  }
0x6e: {  	_ =	shalt  }
0x6f: {  	_ =	shalt  }
0x70: {  	_ =	shalt  }
0x71: {  	_ =	shalt  }
0x72: {  	_ =	shalt  }
0x73: {  	_ =	shalt  }
0x74: {  	_ =	shalt  }
0x75: {  	_ =	shalt  }
0x76: {  	_ =	shalt  }
0x77: {  	_ =	shalt  }
0x78: {  	_ =	shalt  }
0x79: {  	_ =	shalt  }
0x7a: {  	_ =	shalt  }
0x7b: {  	_ =	shalt  }
0x7c: {  	_ =	shalt  }
0x7d: {  	_ =	shalt  }
0x7e: {  	_ =	shalt  }
0x7f: {  	_ =	shalt  }
0x80: {  	_ =	shalt  }
0x81: {  	_ =	shalt  }
0x82: {  	_ =	shalt  }
0x83: {  	_ =	shalt  }
0x84: {  	_ =	shalt  }
0x85: {  	_ =	shalt  }
0x86: {  	_ =	shalt  }
0x87: {  	_ =	shalt  }
.Lfunc_end0:
.L_simem_size_0:
called_computation.2_lowered:
.L_overlay_start_0:
0x88: {  	s2 =	sld [smem:$0x3FD9]  }
0x89: {  	s3 =	sld [smem:$0x3FFE];
	_ =	sdelay $0x1  }
0x8a: {  	s1 =	srdreg.scid  }
0x8b: {  	s0 =	sand.u32 $0x1, s1  }
0x8c: {  	s17 =	sshll.u32 s0, $0xA;
	s2 =	sadd.s32 s3, s2  }
0x8d: {  	s2 =	sadd.s32 s2, s17  }
0x8e: {  	[smem:$0x3FB9] =	sst s2  }
0x8f: {  	_ = 	snop  }
0x90: {  	s18 =	sld [smem:$0x3FC7];
	(tm) =	ssettm $0x1  }
0x91: {  	s19 =	sld [smem:$0x3FFB];
	_ =	sdelay $0x3  }
0x92: {  	_ =	strace s19  }
0x93: {  	s2 =	sld [smem:$0x3FFC];
	_ =	sdelay $0x3  }
0x94: {  	_ =	strace s2  }
0x95: {  	s2 =	sld [smem:$0x3FFD];
	_ =	sdelay $0x3  }
0x96: {  	_ =	strace s2  }
0x97: {  	_ =	strace $0x8FFFFFFF  }
0x98: {  	s20 =	sld [smem:$0x3FDB];
	_ =	sdelay $0x1  }
0x99: {  	s4 =	simm.s32 $_scs_section_size  }
0x9a: {  	s5 =	simm.s32 $_size__tile_overlayer_lowered;
	s6 =	simm.s32 $_tile_overlayer_lowered  }
0x9b: {  	s7 =	simm.s32 $0x1BFF;
	s21 =	sshll.u32 s6, $0x1;
	s4 =	sadd.s32 s4, s20  }
0x9c: {  	s22 =	simm.s32 $0x0;
	s5 =	sshll.u32 s5, $0x1;
	s6 =	sadd.s32 s21, s4  }
0x9d: {  	[timem:s22], [sflag:s7] =	dma.local [hbm:s6], s5  }
0x9e: {  	_ =	swait.ge [sflag:s7], s5  }
0x9f: {  	s5 =	ssub.s32 $0x0, s5;
	[sflag:s7] =	ssyncset.done $0x0  }
0xa0: {  	[sflag:s7] =	ssyncadd.s32 s5;
	_ =	sdelay $0x1  }
0xa1: {  	s23 =	simm.s32 $0x1B8B  }
0xa2: {  	_ =	swait.ge [sflag:s23], $0x1  }
0xa3: {  	[sflag:s23] =	ssyncset.done $0x0  }
0xa4: {  	[sflag:s23] =	ssyncadd.s32 $0xFFFFFFFF  }
0xa5: {  	s5 =	sld [smem:$0x0]  }
0xa6: {  	s6 =	sand.u32 $0xFFFFFFFE, s1  }
0xa7: {  	p0 =	sne.s32 s1, s6  }
0xa8: {  	s6 =	sshll.u32 @p0 s6, $0xE  }
0xa9: {  	s6 =	sadd.s32 @p0 $0x11B8D, s6;
	s7 =	sshll.u32 @p0 s5, $0x11  }
0xaa: {  	s6 =	sor.u32 @p0 s7, s6  }
0xab: {  	[sflag:s6] =	ssyncadd.remote.s32 @p0 $0x1;
	_ =	sdelay $0x1  }
0xac: {  	s6 =	simm.s32 @p0 $0x1B8D  }
0xad: {  	_ =	swait.eq @p0 [sflag:s6], $0x1  }
0xae: {  	[sflag:s6] =	ssyncadd.s32 @p0 $0xFFFFFFFF  }
0xaf: {  	s7 =	sshll.u32 @!p0 s1, $0xE  }
0xb0: {  	s7 =	sor.u32 @!p0 $0x4000, s7;
	s6 =	simm.s32 @!p0 $0x1B8D  }
0xb1: {  	s5 =	sshll.u32 @!p0 s5, $0x11;
	s7 =	sadd.s32 @!p0 $0x11B8D, s7;
	_ =	swait.eq @!p0 [sflag:s6], $0x1  }
0xb2: {  	s5 =	sor.u32 @!p0 s5, s7;
	[sflag:s6] =	ssyncadd.s32 @!p0 $0xFFFFFFFF  }
0xb3: {  	s25 =	simm.s32 $0x1B8E;
	s24 =	sld [smem:$0x3FFE];
	[sflag:s5] =	ssyncadd.remote.s32 @!p0 $0x1  }
0xb4: {  	s26 =	simm.s32 $execute0_lowered;
	[smem:$0x3FD2] =	sst s25  }
0xb5: {  	s6 =	sshll.u32 s26, $0x1;
	_ =	strace $0x8000004C;
	[dreg:$0x1] =	wrdreg $0xFFFFFFFF  }
0xb6: {  	s28 =	simm.s32 $_size_execute0_lowered;
	s4 =	sadd.s32 s4, s6;
	[dreg:$0x0] =	wrdreg $0x0  }
0xb7: {  	s6 =	sshll.u32 s28, $0x1;
	[dreg:$0x2] =	wrdreg s4  }
0xb8: {  	[dreg:$0x3] =	wrdreg s6  }
0xb9: {  	[dreg:$0x4] =	wrdreg $0xC0  }
0xba: {  	_ =	task [dreg:s22], $0x5FFFF  }
0xbb: {  	[dreg:$0x1] =	wrdreg $0xFFFFFFFF  }
0xbc: {  	[dreg:$0x0] =	wrdreg $0x60  }
0xbd: {  	[dreg:$0x2] =	wrdreg s24  }
0xbe: {  	[dreg:$0x3] =	wrdreg s18  }
0xbf: {  	[dreg:$0x4] =	wrdreg $0xB  }
0xc0: {  	_ =	task.clear_ibuf [dreg:s22], $0x5FFFF;
	_ =	strace $0x9000004C  }
0xc1: {  	s29 =	simm.s32 $0xB;
	_ =	strace $0x8000004E  }
0xc2: {  	_ =	swait.ge [sflag:s29], $0x1  }
0xc3: {  	[sflag:s29] =	ssyncadd.s32 $0xFFFFFFFF  }
0xc4: {  	_ =	strace $0x9000004E  }
0xc5: {  	_ =	sfence  }
0xc6: {  	s30 =	sld [smem:$0x0];
	_ =	sdelay $0x2  }
0xc7: {  	s31 =	sshll.u32 s1, $0xD;
	s1 =	sshrl.u32 s1, $0x2  }
0xc8: {  	s4 =	sand.u32 $0x4000, s31;
	s1 =	sadd.s32 s1, s30  }
0xc9: {  	s0 =	sor.u32 s4, s0;
	s1 =	sshll.u32 s1, $0x11  }
0xca: {  	s0 =	sor.u32 s1, s0  }
0xcb: {  	s0 =	sadd.s32 $0x8F2B, s0  }
0xcc: {  	[sflag:s0] =	ssyncadd.remote.s32 $0x1  }
0xcd: {  	_ =	sfence.sel $0xFFFF  }
0xce: {  	[dreg:$0x0] =	wrdreg $0xFFFFFFFF;
	(pc) =	sbr.abs _section_cstart, $3  }
0xcf: {  	[dreg:$0x1] =	wrdreg $0xFFFFFFFF  }
0xd0: {  	_ =	task.clear_ibuf [dreg:s22], $0x2FFFF;
	_ =	strace $0x9FFFFFFF  }
0xd1: {  	(tm) =	ssettm $0x7FFFFFFF  }
tec
execute0_lowered:
.L_overlay_start_1:
0x0: {  	(tag) =	ssettag $0x1  }
0x1: {  	s4 =	rddreg [dreg:$0x0]  }
0x2: {  	s8 =	rddreg [dreg:$0x1]  }
0x3: {  	s0 =	rddreg [dreg:$0x2]  }
0x4: {  	s3 =	srdreg.scid;
	s1 =	stileid.u32;
	s2 =	simm.s32 $0x0  }
0x5: {  	s14 =	simm.s32 $0x4100;
	s15 =	simm.s32 $0x0;
	s10 =	smul.u32 $0x2710, s1  }
0x6: {  	s6 =	sand.u32 $0x1, s3;
	s28 =	sshll.u32 s1, $0x1;
	s12 =	smul.u32 $0x27100, s1  }
0x7: {  	[smem:$0x7FF] =	sst s2;
	s7 =	sadd.s32 $0x50DE00, s4;
	s11 =	smul.u32 $0x1388, s6  }
0x8: {  	s3 =	sor.u32 s6, s28;
	s29 =	ssub.s32 $0x2, s6;
	s13 =	smul.u32 $0x13880, s6  }
0x9: {  	_ =	strace $0x8000004D;
	s5 =	smul.u32 $0x1388, s3;
	s9 =	sshrl.u32 s29, $0x1  }
0xa: {  	s3 =	sadd.s32 $0x4E6C00, s4;
	s9 =	ssub.s32 s29, s9;
	s10 =	sadd.s32 s11, s10  }
0xb: {  	s11 =	simm.s32 $0x1;
	s5 =	sadd.s32 $0x1380, s5;
	s6 =	smax.u32 s9, $0x1  }
0xc: {  	s31 =	sshrl.u32 s10, $0x3;
	s9 =	simm.s32 $0x2;
	s30 =	sshrl.u32 s5, $0x3  }
0xd: {  	s10 =	simm.s32 $0x80;
	s5 =	sshll.u32 s5, $0x4;
	s4 =	sadd.s32 s8, s30  }
0xe: {  	s5 =	sadd.s32 s7, s5;
	s7 =	sadd.s32 s12, s7;
	s8 =	sadd.s32 s31, s8  }
0xf: {  	s12 =	simm.s32 $0x4080;
	s7 =	sadd.s32 s13, s7;
	s13 =	simm.s32 $0x8  }
.LBB2_1:
0x10: {  	s16 =	sadd.s32 $0x0, s8  }
0x11: {  	[tilespmem:s2], [sflag:$0x2] =	stream.linear.gather [hbm4b:s16+s2], $0x80, $0x38;
	[tilespmem:$0x4500] =	vst v63  }
0x12: {  	_ =	swait.ge [sflag:s9], $0x80  }
0x13: {  	[sflag:s9] =	ssyncset.done $0x0  }
0x14: {  	[sflag:s9] =	ssyncadd.s32 $0xFFFFFF80  }
0x15: {  	[tilespmem:s10], [sflag:$0x1] =	stream.indirect.gather [hbm4b:s3+s10], $0x80, s2, s10, $0xb8;
	[tilespmem:$0x4500] =	vst v63  }
0x16: {  	_ =	swait.ge [sflag:s11], $0x4000  }
0x17: {  	[sflag:s11] =	ssyncset.done $0x0  }
0x18: {  	[sflag:s11] =	ssyncadd.s32 $0xFFFFC000  }
0x19: {  	[hbm4b:s7+s2] =	stream.linear.scatter [tilespmem:s10], [sflag:$0x2], $0x4000, $0x38;
	[tilespmem:$0x4500] =	vst v63  }
0x1a: {  	s17 =	simm.s32 $0x10;
	_ =	swait.ge [sflag:s9], $0x4000  }
0x1b: {  	s18 =	simm.s32 $0x20;
	s16 =	sadd.s32 $0x800, s7;
	[sflag:s9] =	ssyncset.done $0x0  }
.LBB2_2:
0x1c: {  	s19 =	sadd.s32 s17, s8  }
0x1d: {  	[sflag:s9] =	ssyncadd.s32 $0xFFFFC000;
	s17 =	smov.u32 s18;
	s20 =	sadd.s32 $0x10, s18  }
0x1e: {  	[tilespmem:s2], [sflag:$0x2] =	stream.linear.gather [hbm4b:s19+s2], $0x80, $0x38;
	[tilespmem:$0x4500] =	vst v63  }
0x1f: {  	p0 =	sne.s32 s18, $0x260;
	_ =	swait.ge [sflag:s9], $0x80  }
0x20: {  	[sflag:s9] =	ssyncset.done $0x0  }
0x21: {  	[sflag:s9] =	ssyncadd.s32 $0xFFFFFF80  }
0x22: {  	[tilespmem:s10], [sflag:$0x1] =	stream.indirect.gather [hbm4b:s3+s10], $0x80, s2, s10, $0xb8;
	[tilespmem:$0x4500] =	vst v63  }
0x23: {  	_ =	swait.ge [sflag:s11], $0x4000  }
.Ltmp0:
0x24: {  	[sflag:s11] =	ssyncset.done $0x0;
	(pc) =	sbr.rel @p0 .LBB2_2-.Ltmp0, $4  }
0x25: {  	[sflag:s11] =	ssyncadd.s32 $0xFFFFC000  }
0x26: {  	[hbm4b:s16+s2] =	stream.linear.scatter [tilespmem:s10], [sflag:$0x2], $0x4000, $0x38;
	[tilespmem:$0x4500] =	vst v63  }
0x27: {  	_ =	swait.ge [sflag:s9], $0x4000  }
0x28: {  	s18 =	smov.u32 s20;
	s16 =	sadd.s32 $0x800, s16;
	[sflag:s9] =	ssyncset.done $0x0  }
0x29: {  	s17 =	sadd.s32 s17, s8;
	[sflag:s9] =	ssyncadd.s32 $0xFFFFC000  }
0x2a: {  	[tilespmem:s2], [sflag:$0x2] =	stream.linear.gather [hbm4b:s17+s2], $0x80, $0x38;
	[tilespmem:$0x4500] =	vst v63  }
0x2b: {  	_ =	swait.ge [sflag:s9], $0x80  }
0x2c: {  	[sflag:s9] =	ssyncset.done $0x0  }
0x2d: {  	[sflag:s9] =	ssyncadd.s32 $0xFFFFFF80  }
0x2e: {  	[tilespmem:s10], [sflag:$0x1] =	stream.indirect.gather [hbm4b:s3+s10], $0x80, s2, s10, $0xb8;
	[tilespmem:$0x4500] =	vst v63  }
0x2f: {  	_ =	swait.ge [sflag:s11], $0x4000  }
0x30: {  	[sflag:s11] =	ssyncset.done $0x0  }
0x31: {  	[sflag:s11] =	ssyncadd.s32 $0xFFFFC000  }
0x32: {  	[hbm4b:s16+s2] =	stream.linear.scatter [tilespmem:s10], [sflag:$0x2], $0x4000, $0x38;
	[tilespmem:$0x4500] =	vst v63  }
0x33: {  	_ =	swait.ge [sflag:s9], $0x4000  }
0x34: {  	[sflag:s9] =	ssyncset.done $0x0  }
0x35: {  	[sflag:s9] =	ssyncadd.s32 $0xFFFFC000  }
0x36: {  	[tilespmem:s12], [sflag:$0x2] =	stream.linear.gather [hbm4b:s4+s2], $0x8, $0x38;
	[tilespmem:$0x4500] =	vst v63  }
0x37: {  	_ =	swait.ge [sflag:s9], $0x8  }
0x38: {  	[sflag:s9] =	ssyncset.done $0x0  }
0x39: {  	[sflag:s9] =	ssyncadd.s32 $0xFFFFFFF8  }
0x3a: {  	[tilespmem:s14], [sflag:$0x1] =	stream.indirect.gather [hbm4b:s3+s13], $0x80, s12, s13, $0xb8;
	[tilespmem:$0x4500] =	vst v63  }
0x3b: {  	s15 =	sadd.s32 $0x1, s15;
	_ =	swait.ge [sflag:s11], $0x400  }
0x3c: {  	p0 =	sne.s32 s15, s6;
	[sflag:s11] =	ssyncset.done $0x0  }
.Ltmp1:
0x3d: {  	[sflag:s11] =	ssyncadd.s32 $0xFFFFFC00;
	(pc) =	sbr.rel @p0 .LBB2_1-.Ltmp1, $4  }
0x3e: {  	[hbm4b:s5+s2] =	stream.linear.scatter [tilespmem:s14], [sflag:$0x2], $0x400, $0x38;
	[tilespmem:$0x4500] =	vst v63  }
0x3f: {  	_ =	swait.ge [sflag:s9], $0x400  }
0x40: {  	[sflag:s9] =	ssyncset.done $0x0  }
0x41: {  	[sflag:s9] =	ssyncadd.s32 $0xFFFFFC00  }
0x42: {  	_ =	sfence.sel $0x180000  }
0x43: {  	[bflag:$0x0] =	sbarrier.arrive $0xFFFF  }
0x44: {  	p0 =	sne.s32 s1, $0x0;
	_ =	strace $0x9000004D  }
0x45: {  	s0 =	sadd.s32 @!p0 $0x100000, s0;
	[bflag:$0x2] =	sbarrier.arrive $0xFFFF  }
0x46: {  	[sflag:s0] =	ssyncadd.tile.s32 @!p0 $0x1;
	_ =	shalt  }
.Lfunc_end2:
_tile_overlayer_lowered:
.L_overlay_start_2:
0x47: {  	(tag) =	ssettag $0x2  }
0x48: {  	s0 =	rddreg [dreg:$0x0];
	s2 =	stileid.u32  }
0x49: {  	s1 =	rddreg [dreg:$0x1];
	p0 =	sne.s32 s2, $0x0  }
0x4a: {  	s3 =	rddreg [dreg:$0x2];
	[bflag:$0x3] =	sbarrier.arrive $0xFFFF;
	s2 =	simm.s32 @!p0 $0x1C02  }
0x4b: {  	[timem:s3], [sflag:s2] =	dma.local @!p0 [hbm:s0], s1  }
0x4c: {  	s0 =	simm.s32 @!p0 $0x2  }
0x4d: {  	_ =	swait.ge @!p0 [sflag:s0], s1  }
0x4e: {  	s1 =	ssub.s32 @!p0 $0x0, s1;
	[sflag:s0] =	ssyncset.done @!p0 $0x0  }
0x4f: {  	[sflag:s0] =	ssyncadd.s32 @!p0 s1  }
0x50: {  	[bflag:$0x3] =	sbarrier.arrive $0xFFFF  }
0x51: {  	_ =	shalt  }

// kernel: kernel.22.cloned.1.call-start
scs
__scs_entry_jumppad:
0x0: {  	(pc) =	sbr.rel $0x88, $3  }
0x1: {  	(tag) =	ssettag $0x0;
	lr =	simm.s32 $0x1  }
0x2: {  	[smem:$0x3F92] =	sst lr;
	_ =	strace $0xD0000000  }
0x3: {  	_ = 	snop  }
0x4: {  	_ = 	snop  }
0x5: {  	_ = 	snop  }
0x6: {  	_ = 	snop  }
0x7: {  	_ = 	snop  }
__scs_overlays_trampoline_lowered:
0x8: {  	[smem:$0x3FA1] =	sst s0  }
0x9: {  	[smem:$0x3FA2] =	sst s1  }
0xa: {  	[smem:$0x3FA3] =	sst s2  }
0xb: {  	[smem:$0x3FA4] =	sst s3  }
0xc: {  	[smem:$0x3FA5] =	sst s4  }
0xd: {  	[smem:$0x3FA6] =	sst s5  }
0xe: {  	[smem:$0x3FA7] =	sst s6  }
0xf: {  	[smem:$0x3FA8] =	sst s7  }
0x10: {  	[smem:$0x3FA9] =	sst s8  }
0x11: {  	[smem:$0x3FAA] =	sst s9;
	s0 =	simm.s32 @!p0 $0x0  }
0x12: {  	s1 =	sld [smem:$0x3F90];
	s0 =	simm.s32 @p0 $0x1  }
0x13: {  	[smem:$0x3FAB] =	sst s0;
	s0 =	simm.s32 @!p1 $0x0  }
0x14: {  	s2 =	sld [smem:$0x3F8F];
	s0 =	simm.s32 @p1 $0x1  }
0x15: {  	[smem:$0x3FAC] =	sst s0;
	s0 =	simm.s32 @!p2 $0x0  }
0x16: {  	s3 =	sld [smem:$0x3FDB];
	s0 =	simm.s32 @p2 $0x1  }
0x17: {  	s4 =	simm.s32 $0x1BF5;
	[smem:$0x3FAE] =	sst s0  }
0x18: {  	s0 =	sld [smem:$0x3F91];
	_ =	swait.ge [sflag:s4], $0x0  }
0x19: {  	s7 =	sld [smem:$0x3F92]  }
0x1a: {  	s8 =	sadd.s32 $0xFFFFE003, lr  }
0x1b: {  	s9 =	sadd.s32 $0xFFFFFEF7, lr;
	s5 =	simm.s32 $0xFFFFFFFF;
	p2 =	slt.u32 s8, $0xFFFFF086  }
0x1c: {  	p1 =	slt.u32 s9, $0xF7A;
	s5 =	simm.s32 @!p2 $0x0  }
0x1d: {  	s5 =	simm.s32 @p1 $0x1;
	p0 =	seq.s32 s7, s2  }
0x1e: {  	s7 =	smul.u32 @!p0 $0xF7A, s2;
	p2 =	seq.s32 @!p0 s5, $0x0  }
0x1f: {  	s9 =	smul.u32 $0xF7A, s1;
	s8 =	simm.s32 @!p0 $0x1BF5;
	p2 =	por !p2, p0  }
0x20: {  	[sflag:s8] =	ssyncset.s32 @!p0 $0xFFFFF086;
	s6 =	sadd.s32 @!p0 s3, s7;
	s7 =	simm.s32 @!p0 $0x108  }
0x21: {  	s3 =	sadd.s32 s3, s9;
	s6 =	sadd.s32 @!p0 $0x88, s6;
	s7 =	simm.s32 @p2 $0x1082  }
0x22: {  	[simem:s7], [sflag:s8] =	dma.local @!p0 [hbm:s6], $0xF7A  }
0x23: {  	s9 =	sor.u32 $0xD0000000, s2;
	s6 =	simm.s32 $0x108;
	_ =	swait.ge @!p0 [sflag:s8], $0x0  }
0x24: {  	s3 =	sadd.s32 $0x88, s3;
	s6 =	simm.s32 @!p1 $0x1082;
	[sflag:s4] =	ssyncset.s32 $0xFFFFF086  }
0x25: {  	[simem:s6], [sflag:s4] =	dma.local [hbm:s3], $0xF7A  }
0x26: {  	[smem:$0x3F92] =	sst s1;
	(tag) =	ssettag s2;
	_ =	strace s9  }
0x27: {  	s1 =	sld [smem:$0x3FA2]  }
0x28: {  	s2 =	sld [smem:$0x3FA3]  }
0x29: {  	s4 =	sld [smem:$0x3FA5]  }
0x2a: {  	p0 =	seq.s32 s5, $0x0;
	s5 =	sld [smem:$0x3FA6]  }
0x2b: {  	s6 =	sld [smem:$0x3FA7]  }
0x2c: {  	s7 =	sld [smem:$0x3FA8]  }
0x2d: {  	s3 =	simm.s32 $0x108;
	s8 =	sld [smem:$0x3FA9]  }
0x2e: {  	s3 =	simm.s32 @!p0 $0x1082;
	s9 =	sld [smem:$0x3FAA]  }
0x2f: {  	lr =	sadd.s32 s0, s3;
	s0 =	sld [smem:$0x3FA1]  }
0x30: {  	s3 =	sld [smem:$0x3FA4]  }
0x31: {  	[smem:$0x3FAD] =	sst s10  }
0x32: {  	s10 =	sld [smem:$0x3FAB];
	_ =	sdelay $0x3  }
0x33: {  	p0 =	seq.s32 s10, $0x1;
	s10 =	sld [smem:$0x3FAD];
	_ =	sdelay $0x3  }
0x34: {  	[smem:$0x3FAD] =	sst s10  }
0x35: {  	s10 =	sld [smem:$0x3FAC];
	_ =	sdelay $0x3  }
0x36: {  	p1 =	seq.s32 s10, $0x1;
	s10 =	sld [smem:$0x3FAD];
	_ =	sdelay $0x3  }
0x37: {  	[smem:$0x3FAD] =	sst s10  }
0x38: {  	s10 =	sld [smem:$0x3FAE]  }
0x39: {  	_ = 	snop;
	(pc) =	sbr.ind lr, $3  }
0x3a: {  	_ = 	snop  }
0x3b: {  	_ = 	snop  }
0x3c: {  	p2 =	seq.s32 s10, $0x1;
	s10 =	sld [smem:$0x3FAD]  }
0x3d: {  	_ =	shalt  }
0x3e: {  	_ =	shalt  }
0x3f: {  	_ =	shalt  }
0x40: {  	_ =	shalt  }
0x41: {  	_ =	shalt  }
0x42: {  	_ =	shalt  }
0x43: {  	_ =	shalt  }
0x44: {  	_ =	shalt  }
0x45: {  	_ =	shalt  }
0x46: {  	_ =	shalt  }
0x47: {  	_ =	shalt  }
0x48: {  	_ =	shalt  }
0x49: {  	_ =	shalt  }
0x4a: {  	_ =	shalt  }
0x4b: {  	_ =	shalt  }
0x4c: {  	_ =	shalt  }
0x4d: {  	_ =	shalt  }
0x4e: {  	_ =	shalt  }
0x4f: {  	_ =	shalt  }
0x50: {  	_ =	shalt  }
0x51: {  	_ =	shalt  }
0x52: {  	_ =	shalt  }
0x53: {  	_ =	shalt  }
0x54: {  	_ =	shalt  }
0x55: {  	_ =	shalt  }
0x56: {  	_ =	shalt  }
0x57: {  	_ =	shalt  }
0x58: {  	_ =	shalt  }
0x59: {  	_ =	shalt  }
0x5a: {  	_ =	shalt  }
0x5b: {  	_ =	shalt  }
0x5c: {  	_ =	shalt  }
0x5d: {  	_ =	shalt  }
0x5e: {  	_ =	shalt  }
0x5f: {  	_ =	shalt  }
0x60: {  	_ =	shalt  }
0x61: {  	_ =	shalt  }
0x62: {  	_ =	shalt  }
0x63: {  	_ =	shalt  }
0x64: {  	_ =	shalt  }
0x65: {  	_ =	shalt  }
0x66: {  	_ =	shalt  }
0x67: {  	_ =	shalt  }
0x68: {  	_ =	shalt  }
0x69: {  	_ =	shalt  }
0x6a: {  	_ =	shalt  }
0x6b: {  	_ =	shalt  }
0x6c: {  	_ =	shalt  }
0x6d: {  	_ =	shalt  }
0x6e: {  	_ =	shalt  }
0x6f: {  	_ =	shalt  }
0x70: {  	_ =	shalt  }
0x71: {  	_ =	shalt  }
0x72: {  	_ =	shalt  }
0x73: {  	_ =	shalt  }
0x74: {  	_ =	shalt  }
0x75: {  	_ =	shalt  }
0x76: {  	_ =	shalt  }
0x77: {  	_ =	shalt  }
0x78: {  	_ =	shalt  }
0x79: {  	_ =	shalt  }
0x7a: {  	_ =	shalt  }
0x7b: {  	_ =	shalt  }
0x7c: {  	_ =	shalt  }
0x7d: {  	_ =	shalt  }
0x7e: {  	_ =	shalt  }
0x7f: {  	_ =	shalt  }
0x80: {  	_ =	shalt  }
0x81: {  	_ =	shalt  }
0x82: {  	_ =	shalt  }
0x83: {  	_ =	shalt  }
0x84: {  	_ =	shalt  }
0x85: {  	_ =	shalt  }
0x86: {  	_ =	shalt  }
0x87: {  	_ =	shalt  }
.Lfunc_end0:
.L_simem_size_0:
called_computation.3_lowered:
.L_overlay_start_0:
0x88: {  	s2 =	sld [smem:$0x3FD9]  }
0x89: {  	s3 =	sld [smem:$0x3FFE];
	_ =	sdelay $0x1  }
0x8a: {  	s1 =	srdreg.scid  }
0x8b: {  	s0 =	sand.u32 $0x1, s1  }
0x8c: {  	s17 =	sshll.u32 s0, $0xA;
	s2 =	sadd.s32 s3, s2  }
0x8d: {  	s2 =	sadd.s32 s2, s17  }
0x8e: {  	[smem:$0x3FB9] =	sst s2  }
0x8f: {  	_ = 	snop  }
0x90: {  	s2 =	sld [smem:$0x3FC6]  }
0x91: {  	s18 =	sld [smem:$0x3FD0];
	(tm) =	ssettm $0x1  }
0x92: {  	s4 =	sld [smem:$0x3FFB];
	_ =	sdelay $0x3  }
0x93: {  	_ =	strace s4  }
0x94: {  	s4 =	sld [smem:$0x3FFC];
	_ =	sdelay $0x3  }
0x95: {  	_ =	strace s4  }
0x96: {  	s4 =	sld [smem:$0x3FFD];
	_ =	sdelay $0x3  }
0x97: {  	_ =	strace s4  }
0x98: {  	_ =	strace $0x8FFFFFFF  }
0x99: {  	s19 =	sld [smem:$0x3FDB];
	_ =	sdelay $0x1  }
0x9a: {  	s5 =	simm.s32 $_scs_section_size  }
0x9b: {  	s6 =	simm.s32 $_size__tile_overlayer_lowered;
	s7 =	simm.s32 $_tile_overlayer_lowered  }
0x9c: {  	s22 =	simm.s32 $0x1BFF;
	s21 =	sshll.u32 s7, $0x1;
	s4 =	sadd.s32 s5, s19  }
0x9d: {  	s8 =	simm.s32 $0x0;
	s20 =	sshll.u32 s6, $0x1;
	s6 =	sadd.s32 s21, s4  }
0x9e: {  	[timem:s8], [sflag:s22] =	dma.local [hbm:s6], s20  }
0x9f: {  	_ =	swait.ge [sflag:s22], s20  }
0xa0: {  	s5 =	ssub.s32 $0x0, s20;
	[sflag:s22] =	ssyncset.done $0x0  }
0xa1: {  	[sflag:s22] =	ssyncadd.s32 s5;
	_ =	sdelay $0x1  }
0xa2: {  	s23 =	simm.s32 $0x1B8B  }
0xa3: {  	_ =	swait.ge [sflag:s23], $0x1  }
0xa4: {  	[sflag:s23] =	ssyncset.done $0x0  }
0xa5: {  	s25 =	simm.s32 $0x1B8E;
	s24 =	sld [smem:$0x3FFE];
	[sflag:s23] =	ssyncadd.s32 $0xFFFFFFFF  }
0xa6: {  	s26 =	simm.s32 $execute0_lowered;
	[smem:$0x3FD2] =	sst s25  }
0xa7: {  	s6 =	sshll.u32 s26, $0x1;
	_ =	strace $0x8000004F;
	[dreg:$0x1] =	wrdreg $0xFFFFFFFF  }
0xa8: {  	s28 =	simm.s32 $_size_execute0_lowered;
	s4 =	sadd.s32 s4, s6;
	[dreg:$0x0] =	wrdreg $0x0  }
0xa9: {  	s6 =	sshll.u32 s28, $0x1;
	[dreg:$0x2] =	wrdreg s4  }
0xaa: {  	[dreg:$0x3] =	wrdreg s6  }
0xab: {  	[dreg:$0x4] =	wrdreg $0xC0  }
0xac: {  	_ =	task [dreg:s8], $0x5FFFF  }
0xad: {  	[dreg:$0x1] =	wrdreg $0xFFFFFFFF  }
0xae: {  	[dreg:$0x0] =	wrdreg $0x60  }
0xaf: {  	[dreg:$0x2] =	wrdreg s24  }
0xb0: {  	[dreg:$0x3] =	wrdreg s2  }
0xb1: {  	[dreg:$0x4] =	wrdreg s18  }
0xb2: {  	[dreg:$0x5] =	wrdreg $0x45000  }
0xb3: {  	[dreg:$0x6] =	wrdreg $0x9  }
0xb4: {  	_ =	task.clear_ibuf [dreg:s8], $0x7FFFF;
	_ =	strace $0x9000004F  }
0xb5: {  	s29 =	simm.s32 $0x9;
	_ =	strace $0x80000051  }
0xb6: {  	_ =	swait.ge [sflag:s29], $0x1  }
0xb7: {  	[sflag:s29] =	ssyncadd.s32 $0xFFFFFFFF  }
0xb8: {  	_ =	strace $0x90000051  }
0xb9: {  	_ =	sfence  }
0xba: {  	s30 =	sld [smem:$0x0];
	_ =	sdelay $0x2  }
0xbb: {  	s31 =	sshll.u32 s1, $0xD;
	s1 =	sshrl.u32 s1, $0x2  }
0xbc: {  	s3 =	sand.u32 $0x4000, s31;
	s1 =	sadd.s32 s1, s30  }
0xbd: {  	s0 =	sor.u32 s3, s0;
	s1 =	sshll.u32 s1, $0x11  }
0xbe: {  	s0 =	sor.u32 s1, s0  }
0xbf: {  	s0 =	sadd.s32 $0x8F2B, s0  }
0xc0: {  	[sflag:s0] =	ssyncadd.remote.s32 $0x1  }
0xc1: {  	_ =	sfence.sel $0xFFFF  }
0xc2: {  	[dreg:$0x0] =	wrdreg $0xFFFFFFFF;
	(pc) =	sbr.abs _section_cstart, $3  }
0xc3: {  	[dreg:$0x1] =	wrdreg $0xFFFFFFFF  }
0xc4: {  	_ =	task.clear_ibuf [dreg:s8], $0x2FFFF;
	_ =	strace $0x9FFFFFFF  }
0xc5: {  	(tm) =	ssettm $0x7FFFFFFF  }
tec
execute0_lowered:
.L_overlay_start_1:
0x0: {  	(tag) =	ssettag $0x1  }
0x1: {  	s4 =	rddreg [dreg:$0x0]  }
0x2: {  	s15 =	rddreg [dreg:$0x1]  }
0x3: {  	s8 =	rddreg [dreg:$0x2]  }
0x4: {  	s1 =	rddreg [dreg:$0x3]  }
0x5: {  	s0 =	rddreg [dreg:$0x4];
	s2 =	simm.s32 $0x0;
	s5 =	srdreg.scid  }
0x6: {  	s23 =	stileid.u32;
	s22 =	simm.s32 $0x8;
	s14 =	sadd.s32 $0x77EE00, s4  }
0x7: {  	[smem:$0x7FF] =	sst s2;
	s3 =	sadd.s32 $0x50DE00, s4;
	s7 =	smul.u32 $0x4E000, s23  }
0x8: {  	s13 =	sand.u32 $0x1, s5;
	s4 =	sadd.s32 $0x535000, s4;
	s12 =	smul.u32 $0x2700, s23  }
0x9: {  	s9 =	sshll.u32 s23, $0x1;
	s30 =	sshll.u32 s23, $0x6;
	s18 =	smul.u32 $0x2710, s23  }
0xa: {  	s20 =	smul.u32 $0x27100, s23;
	p1 =	sne.s32 s23, $0x0;
	p2 =	seq.s32 s23, $0x0  }
0xb: {  	s23 =	simm.s32 $0x0;
	_ =	strace $0x80000050;
	s5 =	ssub.s32 $0x2, s13  }
0xc: {  	s28 =	sor.u32 s13, s9;
	s19 =	smul.u32 $0x1388, s13;
	p0 =	seq.s32 s13, $0x1  }
0xd: {  	s21 =	smul.u32 $0x13880, s13;
	s6 =	sshrl.u32 s5, $0x1;
	s29 =	sshrl.u32 s7, $0x2  }
0xe: {  	s9 =	smul.u32 $0x1388, s28;
	s7 =	sadd.s32 $0x138000, s1;
	s16 =	ssub.s32 s5, s6  }
0xf: {  	s17 =	sadd.s32 s29, s1;
	s5 =	sadd.s32 s8, s12;
	s6 =	sor.u32 $0x1C01, s30  }
0x10: {  	s8 =	sadd.s32 $0x27000, s8;
	s18 =	sadd.s32 s19, s18;
	s19 =	simm.s32 $0x80  }
0x11: {  	s9 =	sadd.s32 $0x1380, s9;
	s13 =	smax.u32 s16, $0x1;
	s31 =	sshrl.u32 s18, $0x3  }
.Ltmp0:
0x12: {  	s16 =	sshrl.u32 s17, $0x3;
	s17 =	simm.s32 $0x1;
	(pc) =	sbr.rel .LBB2_1-.Ltmp0, $4  }
0x13: {  	s18 =	sshrl.u32 @!p1 s7, $0x3;
	s10 =	sshrl.u32 s9, $0x3;
	s11 =	sshll.u32 s9, $0x4  }
0x14: {  	s9 =	sadd.s32 s15, s10;
	s10 =	sadd.s32 s14, s11;
	s11 =	sadd.s32 s3, s12  }
0x15: {  	s12 =	sadd.s32 s4, s12;
	s14 =	sadd.s32 s20, s14;
	s15 =	sadd.s32 s31, s15  }
0x16: {  	s20 =	simm.s32 $0x4080;
	s14 =	sadd.s32 s21, s14;
	s21 =	simm.s32 $0x4100  }
.LBB2_6:
0x17: {  	s24 =	sadd.s32 $0x27000, s24;
	s25 =	sshrl.u32 s7, $0x3  }
0x18: {  	[hbm:s24], [sflag:s6] =	dma.local [spmem:s25], $0x100  }
0x19: {  	_ =	swait.ge [sflag:s17], $0x100  }
0x1a: {  	[sflag:s17] =	ssyncset.done $0x0  }
0x1b: {  	[sflag:s17] =	ssyncadd.s32 $0xFFFFFF00  }
.LBB2_7:
0x1c: {  	s23 =	sadd.s32 $0x1, s23  }
0x1d: {  	p3 =	sne.s32 s23, s13  }
.Ltmp1:
0x1e: {  	_ = 	snop;
	(pc) =	sbr.rel @!p3 .LBB2_8-.Ltmp1, $1  }
0x1f: {  	_ =	sdelay $0x3  }
.LBB2_1:
0x20: {  	[spmem:s16], [sflag:s6] =	dma.local [hbm:s5], $0x2700  }
0x21: {  	_ =	swait.ge [sflag:s17], $0x2700  }
0x22: {  	[sflag:s17] =	ssyncset.done $0x0  }
0x23: {  	s24 =	simm.s32 @!p1 $0x1;
	[sflag:s17] =	ssyncadd.s32 $0xFFFFD900  }
0x24: {  	[spmem:s18], [sflag:s6] =	dma.local @!p1 [hbm:s8], $0x100  }
0x25: {  	_ =	swait.ge @!p1 [sflag:s24], $0x100  }
0x26: {  	[sflag:s24] =	ssyncset.done @!p1 $0x0  }
0x27: {  	[sflag:s24] =	ssyncadd.s32 @!p1 $0xFFFFFF00  }
0x28: {  	s31 =	sadd.s32 $0x0, s15;
	[bflag:$0x0] =	sbarrier.arrive $0xFFFF  }
0x29: {  	[tilespmem:s2], [sflag:$0x1] =	stream.linear.gather [hbm4b:s31+s2], $0x80, $0x38;
	[tilespmem:$0x17D80] =	vst v63  }
0x2a: {  	_ =	swait.ge [sflag:s17], $0x80  }
0x2b: {  	[sflag:s17] =	ssyncset.done $0x0  }
0x2c: {  	[sflag:s17] =	ssyncadd.s32 $0xFFFFFF80  }
0x2d: {  	[tilespmem:s19], [sflag:$0x1] =	stream.linear.gather [hbm4b:s14+s2], $0x4000, $0x38;
	[tilespmem:$0x17D80] =	vst v63  }
0x2e: {  	_ =	swait.ge [sflag:s17], $0x4000  }
0x2f: {  	[sflag:s17] =	ssyncset.done $0x0  }
0x30: {  	[sflag:s17] =	ssyncadd.s32 $0xFFFFC000  }
0x31: {  	[spmem:s1] =	stream.indirect.scatter.add.f32 [tilespmem:s19], [sflag:$0x1], $0x80, s2, s19, $0xb8;
	[tilespmem:$0x17D80] =	vst v63  }
0x32: {  	s25 =	simm.s32 $0x10;
	_ =	swait.ge [sflag:s17], $0x4000  }
0x33: {  	s26 =	simm.s32 $0x20;
	s24 =	sadd.s32 $0x800, s14;
	[sflag:s17] =	ssyncset.done $0x0  }
.LBB2_2:
0x34: {  	s28 =	sadd.s32 s25, s15  }
0x35: {  	[sflag:s17] =	ssyncadd.s32 $0xFFFFC000;
	s25 =	smov.u32 s26;
	s29 =	sadd.s32 $0x10, s26  }
0x36: {  	[tilespmem:s2], [sflag:$0x1] =	stream.linear.gather [hbm4b:s28+s2], $0x80, $0x38;
	[tilespmem:$0x17D80] =	vst v63  }
0x37: {  	p3 =	sne.s32 s26, $0x260;
	_ =	swait.ge [sflag:s17], $0x80  }
0x38: {  	[sflag:s17] =	ssyncset.done $0x0  }
0x39: {  	[sflag:s17] =	ssyncadd.s32 $0xFFFFFF80  }
0x3a: {  	[tilespmem:s19], [sflag:$0x1] =	stream.linear.gather [hbm4b:s24+s2], $0x4000, $0x38;
	[tilespmem:$0x17D80] =	vst v63  }
0x3b: {  	_ =	swait.ge [sflag:s17], $0x4000  }
.Ltmp2:
0x3c: {  	[sflag:s17] =	ssyncset.done $0x0;
	(pc) =	sbr.rel @p3 .LBB2_2-.Ltmp2, $4  }
0x3d: {  	[sflag:s17] =	ssyncadd.s32 $0xFFFFC000  }
0x3e: {  	[spmem:s1] =	stream.indirect.scatter.add.f32 [tilespmem:s19], [sflag:$0x1], $0x80, s2, s19, $0xb8;
	[tilespmem:$0x17D80] =	vst v63  }
0x3f: {  	_ =	swait.ge [sflag:s17], $0x4000  }
0x40: {  	s26 =	smov.u32 s29;
	s24 =	sadd.s32 $0x800, s24;
	[sflag:s17] =	ssyncset.done $0x0  }
0x41: {  	s25 =	sadd.s32 s25, s15;
	[sflag:s17] =	ssyncadd.s32 $0xFFFFC000  }
0x42: {  	[tilespmem:s2], [sflag:$0x1] =	stream.linear.gather [hbm4b:s25+s2], $0x80, $0x38;
	[tilespmem:$0x17D80] =	vst v63  }
0x43: {  	_ =	swait.ge [sflag:s17], $0x80  }
0x44: {  	[sflag:s17] =	ssyncset.done $0x0  }
0x45: {  	[sflag:s17] =	ssyncadd.s32 $0xFFFFFF80  }
0x46: {  	[tilespmem:s19], [sflag:$0x1] =	stream.linear.gather [hbm4b:s24+s2], $0x4000, $0x38;
	[tilespmem:$0x17D80] =	vst v63  }
0x47: {  	_ =	swait.ge [sflag:s17], $0x4000  }
0x48: {  	[sflag:s17] =	ssyncset.done $0x0  }
0x49: {  	[sflag:s17] =	ssyncadd.s32 $0xFFFFC000  }
0x4a: {  	[spmem:s1] =	stream.indirect.scatter.add.f32 [tilespmem:s19], [sflag:$0x1], $0x80, s2, s19, $0xb8;
	[tilespmem:$0x17D80] =	vst v63  }
0x4b: {  	_ =	swait.ge [sflag:s17], $0x4000  }
0x4c: {  	[sflag:s17] =	ssyncset.done $0x0  }
0x4d: {  	[sflag:s17] =	ssyncadd.s32 $0xFFFFC000  }
0x4e: {  	[tilespmem:s20], [sflag:$0x1] =	stream.linear.gather [hbm4b:s9+s2], $0x8, $0x38;
	[tilespmem:$0x17D80] =	vst v63  }
0x4f: {  	_ =	swait.ge [sflag:s17], $0x8  }
0x50: {  	[sflag:s17] =	ssyncset.done $0x0  }
0x51: {  	[sflag:s17] =	ssyncadd.s32 $0xFFFFFFF8  }
0x52: {  	[tilespmem:s21], [sflag:$0x1] =	stream.linear.gather [hbm4b:s10+s2], $0x400, $0x38;
	[tilespmem:$0x17D80] =	vst v63  }
0x53: {  	_ =	swait.ge [sflag:s17], $0x400  }
0x54: {  	[sflag:s17] =	ssyncset.done $0x0  }
0x55: {  	[sflag:s17] =	ssyncadd.s32 $0xFFFFFC00  }
0x56: {  	[spmem:s1] =	stream.indirect.scatter.add.f32 [tilespmem:s21], [sflag:$0x1], $0x80, s20, s22, $0xb8;
	[tilespmem:$0x17D80] =	vst v63  }
.Ltmp3:
0x57: {  	_ =	swait.ge [sflag:s17], $0x400;
	(pc) =	sbr.rel @!p0 .LBB2_4-.Ltmp3, $3  }
0x58: {  	[sflag:s17] =	ssyncset.done $0x0  }
0x59: {  	[sflag:s17] =	ssyncadd.s32 $0xFFFFFC00  }
0x5a: {  	[bflag:$0x0] =	sbarrier.arrive $0xFFFF;
	_ =	sdelay $0x1  }
0x5b: {  	[hbm:s12], [sflag:s6] =	dma.local [spmem:s16], $0x2700  }
.Ltmp4:
0x5c: {  	_ = 	snop;
	(pc) =	sbr.rel @p1 .LBB2_7-.Ltmp4, $4  }
.Ltmp5:
0x5d: {  	_ = 	snop;
	(pc) =	sbr.rel @!p1 .LBB2_6-.Ltmp5, $4  }
0x5e: {  	_ =	swait.ge [sflag:s17], $0x2700  }
0x5f: {  	[sflag:s17] =	ssyncset.done $0x0  }
0x60: {  	s24 =	smov.u32 s4;
	[sflag:s17] =	ssyncadd.s32 $0xFFFFD900  }
0x61: {  	_ = 	snop  }
.LBB2_4:
0x62: {  	[hbm:s11], [sflag:s6] =	dma.local [spmem:s16], $0x2700  }
.Ltmp6:
0x63: {  	_ = 	snop;
	(pc) =	sbr.rel @!p2 .LBB2_7-.Ltmp6, $4  }
.Ltmp7:
0x64: {  	_ = 	snop;
	(pc) =	sbr.rel @p2 .LBB2_6-.Ltmp7, $4  }
0x65: {  	_ =	swait.ge [sflag:s17], $0x2700  }
0x66: {  	[sflag:s17] =	ssyncset.done $0x0  }
0x67: {  	s24 =	smov.u32 s3;
	[sflag:s17] =	ssyncadd.s32 $0xFFFFD900  }
0x68: {  	_ = 	snop  }
.LBB2_8:
0x69: {  	_ =	sfence.sel $0x180000  }
0x6a: {  	[bflag:$0x0] =	sbarrier.arrive $0xFFFF  }
0x6b: {  	_ =	strace $0x90000050  }
0x6c: {  	s0 =	sadd.s32 @!p1 $0x100000, s0;
	[bflag:$0x2] =	sbarrier.arrive $0xFFFF  }
0x6d: {  	[sflag:s0] =	ssyncadd.tile.s32 @!p1 $0x1;
	_ =	shalt  }
.Lfunc_end2:
_tile_overlayer_lowered:
.L_overlay_start_2:
0x6e: {  	(tag) =	ssettag $0x2  }
0x6f: {  	s0 =	rddreg [dreg:$0x0];
	s2 =	stileid.u32  }
0x70: {  	s1 =	rddreg [dreg:$0x1];
	p0 =	sne.s32 s2, $0x0  }
0x71: {  	s3 =	rddreg [dreg:$0x2];
	[bflag:$0x3] =	sbarrier.arrive $0xFFFF;
	s2 =	simm.s32 @!p0 $0x1C01  }
0x72: {  	[timem:s3], [sflag:s2] =	dma.local @!p0 [hbm:s0], s1  }
0x73: {  	s0 =	simm.s32 @!p0 $0x1  }
0x74: {  	_ =	swait.ge @!p0 [sflag:s0], s1  }
0x75: {  	s1 =	ssub.s32 @!p0 $0x0, s1;
	[sflag:s0] =	ssyncset.done @!p0 $0x0  }
0x76: {  	[sflag:s0] =	ssyncadd.s32 @!p0 s1  }
0x77: {  	[bflag:$0x3] =	sbarrier.arrive $0xFFFF  }
0x78: {  	_ =	shalt  }

// kernel: kernel.25.cloned.1.call-start
scs
__scs_entry_jumppad:
0x0: {  	(pc) =	sbr.rel $0x88, $3  }
0x1: {  	(tag) =	ssettag $0x0;
	lr =	simm.s32 $0x1  }
0x2: {  	[smem:$0x3F92] =	sst lr;
	_ =	strace $0xD0000000  }
0x3: {  	_ = 	snop  }
0x4: {  	_ = 	snop  }
0x5: {  	_ = 	snop  }
0x6: {  	_ = 	snop  }
0x7: {  	_ = 	snop  }
__scs_overlays_trampoline_lowered:
0x8: {  	[smem:$0x3FA1] =	sst s0  }
0x9: {  	[smem:$0x3FA2] =	sst s1  }
0xa: {  	[smem:$0x3FA3] =	sst s2  }
0xb: {  	[smem:$0x3FA4] =	sst s3  }
0xc: {  	[smem:$0x3FA5] =	sst s4  }
0xd: {  	[smem:$0x3FA6] =	sst s5  }
0xe: {  	[smem:$0x3FA7] =	sst s6  }
0xf: {  	[smem:$0x3FA8] =	sst s7  }
0x10: {  	[smem:$0x3FA9] =	sst s8  }
0x11: {  	[smem:$0x3FAA] =	sst s9;
	s0 =	simm.s32 @!p0 $0x0  }
0x12: {  	s1 =	sld [smem:$0x3F90];
	s0 =	simm.s32 @p0 $0x1  }
0x13: {  	[smem:$0x3FAB] =	sst s0;
	s0 =	simm.s32 @!p1 $0x0  }
0x14: {  	s2 =	sld [smem:$0x3F8F];
	s0 =	simm.s32 @p1 $0x1  }
0x15: {  	[smem:$0x3FAC] =	sst s0;
	s0 =	simm.s32 @!p2 $0x0  }
0x16: {  	s3 =	sld [smem:$0x3FDB];
	s0 =	simm.s32 @p2 $0x1  }
0x17: {  	s4 =	simm.s32 $0x1BF5;
	[smem:$0x3FAE] =	sst s0  }
0x18: {  	s0 =	sld [smem:$0x3F91];
	_ =	swait.ge [sflag:s4], $0x0  }
0x19: {  	s7 =	sld [smem:$0x3F92]  }
0x1a: {  	s8 =	sadd.s32 $0xFFFFE003, lr  }
0x1b: {  	s9 =	sadd.s32 $0xFFFFFEF7, lr;
	s5 =	simm.s32 $0xFFFFFFFF;
	p2 =	slt.u32 s8, $0xFFFFF086  }
0x1c: {  	p1 =	slt.u32 s9, $0xF7A;
	s5 =	simm.s32 @!p2 $0x0  }
0x1d: {  	s5 =	simm.s32 @p1 $0x1;
	p0 =	seq.s32 s7, s2  }
0x1e: {  	s7 =	smul.u32 @!p0 $0xF7A, s2;
	p2 =	seq.s32 @!p0 s5, $0x0  }
0x1f: {  	s9 =	smul.u32 $0xF7A, s1;
	s8 =	simm.s32 @!p0 $0x1BF5;
	p2 =	por !p2, p0  }
0x20: {  	[sflag:s8] =	ssyncset.s32 @!p0 $0xFFFFF086;
	s6 =	sadd.s32 @!p0 s3, s7;
	s7 =	simm.s32 @!p0 $0x108  }
0x21: {  	s3 =	sadd.s32 s3, s9;
	s6 =	sadd.s32 @!p0 $0x88, s6;
	s7 =	simm.s32 @p2 $0x1082  }
0x22: {  	[simem:s7], [sflag:s8] =	dma.local @!p0 [hbm:s6], $0xF7A  }
0x23: {  	s9 =	sor.u32 $0xD0000000, s2;
	s6 =	simm.s32 $0x108;
	_ =	swait.ge @!p0 [sflag:s8], $0x0  }
0x24: {  	s3 =	sadd.s32 $0x88, s3;
	s6 =	simm.s32 @!p1 $0x1082;
	[sflag:s4] =	ssyncset.s32 $0xFFFFF086  }
0x25: {  	[simem:s6], [sflag:s4] =	dma.local [hbm:s3], $0xF7A  }
0x26: {  	[smem:$0x3F92] =	sst s1;
	(tag) =	ssettag s2;
	_ =	strace s9  }
0x27: {  	s1 =	sld [smem:$0x3FA2]  }
0x28: {  	s2 =	sld [smem:$0x3FA3]  }
0x29: {  	s4 =	sld [smem:$0x3FA5]  }
0x2a: {  	p0 =	seq.s32 s5, $0x0;
	s5 =	sld [smem:$0x3FA6]  }
0x2b: {  	s6 =	sld [smem:$0x3FA7]  }
0x2c: {  	s7 =	sld [smem:$0x3FA8]  }
0x2d: {  	s3 =	simm.s32 $0x108;
	s8 =	sld [smem:$0x3FA9]  }
0x2e: {  	s3 =	simm.s32 @!p0 $0x1082;
	s9 =	sld [smem:$0x3FAA]  }
0x2f: {  	lr =	sadd.s32 s0, s3;
	s0 =	sld [smem:$0x3FA1]  }
0x30: {  	s3 =	sld [smem:$0x3FA4]  }
0x31: {  	[smem:$0x3FAD] =	sst s10  }
0x32: {  	s10 =	sld [smem:$0x3FAB];
	_ =	sdelay $0x3  }
0x33: {  	p0 =	seq.s32 s10, $0x1;
	s10 =	sld [smem:$0x3FAD];
	_ =	sdelay $0x3  }
0x34: {  	[smem:$0x3FAD] =	sst s10  }
0x35: {  	s10 =	sld [smem:$0x3FAC];
	_ =	sdelay $0x3  }
0x36: {  	p1 =	seq.s32 s10, $0x1;
	s10 =	sld [smem:$0x3FAD];
	_ =	sdelay $0x3  }
0x37: {  	[smem:$0x3FAD] =	sst s10  }
0x38: {  	s10 =	sld [smem:$0x3FAE]  }
0x39: {  	_ = 	snop;
	(pc) =	sbr.ind lr, $3  }
0x3a: {  	_ = 	snop  }
0x3b: {  	_ = 	snop  }
0x3c: {  	p2 =	seq.s32 s10, $0x1;
	s10 =	sld [smem:$0x3FAD]  }
0x3d: {  	_ =	shalt  }
0x3e: {  	_ =	shalt  }
0x3f: {  	_ =	shalt  }
0x40: {  	_ =	shalt  }
0x41: {  	_ =	shalt  }
0x42: {  	_ =	shalt  }
0x43: {  	_ =	shalt  }
0x44: {  	_ =	shalt  }
0x45: {  	_ =	shalt  }
0x46: {  	_ =	shalt  }
0x47: {  	_ =	shalt  }
0x48: {  	_ =	shalt  }
0x49: {  	_ =	shalt  }
0x4a: {  	_ =	shalt  }
0x4b: {  	_ =	shalt  }
0x4c: {  	_ =	shalt  }
0x4d: {  	_ =	shalt  }
0x4e: {  	_ =	shalt  }
0x4f: {  	_ =	shalt  }
0x50: {  	_ =	shalt  }
0x51: {  	_ =	shalt  }
0x52: {  	_ =	shalt  }
0x53: {  	_ =	shalt  }
0x54: {  	_ =	shalt  }
0x55: {  	_ =	shalt  }
0x56: {  	_ =	shalt  }
0x57: {  	_ =	shalt  }
0x58: {  	_ =	shalt  }
0x59: {  	_ =	shalt  }
0x5a: {  	_ =	shalt  }
0x5b: {  	_ =	shalt  }
0x5c: {  	_ =	shalt  }
0x5d: {  	_ =	shalt  }
0x5e: {  	_ =	shalt  }
0x5f: {  	_ =	shalt  }
0x60: {  	_ =	shalt  }
0x61: {  	_ =	shalt  }
0x62: {  	_ =	shalt  }
0x63: {  	_ =	shalt  }
0x64: {  	_ =	shalt  }
0x65: {  	_ =	shalt  }
0x66: {  	_ =	shalt  }
0x67: {  	_ =	shalt  }
0x68: {  	_ =	shalt  }
0x69: {  	_ =	shalt  }
0x6a: {  	_ =	shalt  }
0x6b: {  	_ =	shalt  }
0x6c: {  	_ =	shalt  }
0x6d: {  	_ =	shalt  }
0x6e: {  	_ =	shalt  }
0x6f: {  	_ =	shalt  }
0x70: {  	_ =	shalt  }
0x71: {  	_ =	shalt  }
0x72: {  	_ =	shalt  }
0x73: {  	_ =	shalt  }
0x74: {  	_ =	shalt  }
0x75: {  	_ =	shalt  }
0x76: {  	_ =	shalt  }
0x77: {  	_ =	shalt  }
0x78: {  	_ =	shalt  }
0x79: {  	_ =	shalt  }
0x7a: {  	_ =	shalt  }
0x7b: {  	_ =	shalt  }
0x7c: {  	_ =	shalt  }
0x7d: {  	_ =	shalt  }
0x7e: {  	_ =	shalt  }
0x7f: {  	_ =	shalt  }
0x80: {  	_ =	shalt  }
0x81: {  	_ =	shalt  }
0x82: {  	_ =	shalt  }
0x83: {  	_ =	shalt  }
0x84: {  	_ =	shalt  }
0x85: {  	_ =	shalt  }
0x86: {  	_ =	shalt  }
0x87: {  	_ =	shalt  }
.Lfunc_end0:
.L_simem_size_0:
called_computation.4_lowered:
.L_overlay_start_0:
0x88: {  	s2 =	sld [smem:$0x3FD9]  }
0x89: {  	s3 =	sld [smem:$0x3FFE];
	_ =	sdelay $0x1  }
0x8a: {  	s1 =	srdreg.scid  }
0x8b: {  	s0 =	sand.u32 $0x1, s1  }
0x8c: {  	s17 =	sshll.u32 s0, $0xA;
	s2 =	sadd.s32 s3, s2  }
0x8d: {  	s2 =	sadd.s32 s2, s17  }
0x8e: {  	[smem:$0x3FB9] =	sst s2  }
0x8f: {  	_ = 	snop  }
0x90: {  	s2 =	sld [smem:$0x3FC7];
	(tm) =	ssettm $0x1  }
0x91: {  	s18 =	sld [smem:$0x3FFB];
	_ =	sdelay $0x3  }
0x92: {  	_ =	strace s18  }
0x93: {  	s3 =	sld [smem:$0x3FFC];
	_ =	sdelay $0x3  }
0x94: {  	_ =	strace s3  }
0x95: {  	s3 =	sld [smem:$0x3FFD];
	_ =	sdelay $0x3  }
0x96: {  	_ =	strace s3  }
0x97: {  	_ =	strace $0x8FFFFFFF  }
0x98: {  	s19 =	sld [smem:$0x3FDB];
	_ =	sdelay $0x1  }
0x99: {  	s4 =	simm.s32 $_scs_section_size  }
0x9a: {  	s5 =	simm.s32 $_size__tile_overlayer_lowered;
	s6 =	simm.s32 $_tile_overlayer_lowered  }
0x9b: {  	s22 =	simm.s32 $0x1BFF;
	s21 =	sshll.u32 s6, $0x1;
	s3 =	sadd.s32 s4, s19  }
0x9c: {  	s7 =	simm.s32 $0x0;
	s20 =	sshll.u32 s5, $0x1;
	s5 =	sadd.s32 s21, s3  }
0x9d: {  	[timem:s7], [sflag:s22] =	dma.local [hbm:s5], s20  }
0x9e: {  	_ =	swait.ge [sflag:s22], s20  }
0x9f: {  	s4 =	ssub.s32 $0x0, s20;
	[sflag:s22] =	ssyncset.done $0x0  }
0xa0: {  	[sflag:s22] =	ssyncadd.s32 s4;
	_ =	sdelay $0x1  }
0xa1: {  	s23 =	simm.s32 $0x1B8B  }
0xa2: {  	_ =	swait.ge [sflag:s23], $0x1  }
0xa3: {  	[sflag:s23] =	ssyncset.done $0x0  }
0xa4: {  	s25 =	simm.s32 $0x1B8E;
	s24 =	sld [smem:$0x3FFE];
	[sflag:s23] =	ssyncadd.s32 $0xFFFFFFFF  }
0xa5: {  	s26 =	simm.s32 $execute0_lowered;
	[smem:$0x3FD2] =	sst s25  }
0xa6: {  	s5 =	sshll.u32 s26, $0x1;
	_ =	strace $0x80000052;
	[dreg:$0x1] =	wrdreg $0xFFFFFFFF  }
0xa7: {  	s28 =	simm.s32 $_size_execute0_lowered;
	s3 =	sadd.s32 s3, s5;
	[dreg:$0x0] =	wrdreg $0x0  }
0xa8: {  	s5 =	sshll.u32 s28, $0x1;
	[dreg:$0x2] =	wrdreg s3  }
0xa9: {  	[dreg:$0x3] =	wrdreg s5  }
0xaa: {  	[dreg:$0x4] =	wrdreg $0xC0  }
0xab: {  	_ =	task [dreg:s7], $0x5FFFF  }
0xac: {  	[dreg:$0x1] =	wrdreg $0xFFFFFFFF  }
0xad: {  	[dreg:$0x0] =	wrdreg $0x60  }
0xae: {  	[dreg:$0x2] =	wrdreg s24  }
0xaf: {  	[dreg:$0x3] =	wrdreg s2  }
0xb0: {  	[dreg:$0x4] =	wrdreg $0x9  }
0xb1: {  	_ =	task.clear_ibuf [dreg:s7], $0x5FFFF;
	_ =	strace $0x90000052  }
0xb2: {  	s29 =	simm.s32 $0x9;
	_ =	strace $0x80000054  }
0xb3: {  	_ =	swait.ge [sflag:s29], $0x1  }
0xb4: {  	[sflag:s29] =	ssyncadd.s32 $0xFFFFFFFF  }
0xb5: {  	_ =	strace $0x90000054  }
0xb6: {  	_ =	sfence  }
0xb7: {  	s30 =	sld [smem:$0x0];
	_ =	sdelay $0x2  }
0xb8: {  	s31 =	sshll.u32 s1, $0xD;
	s1 =	sshrl.u32 s1, $0x2  }
0xb9: {  	s3 =	sand.u32 $0x4000, s31;
	s1 =	sadd.s32 s1, s30  }
0xba: {  	s0 =	sor.u32 s3, s0;
	s1 =	sshll.u32 s1, $0x11  }
0xbb: {  	s0 =	sor.u32 s1, s0  }
0xbc: {  	s0 =	sadd.s32 $0x8F2B, s0  }
0xbd: {  	[sflag:s0] =	ssyncadd.remote.s32 $0x1  }
0xbe: {  	_ =	sfence.sel $0xFFFF  }
0xbf: {  	[dreg:$0x0] =	wrdreg $0xFFFFFFFF;
	(pc) =	sbr.abs _section_cstart, $3  }
0xc0: {  	[dreg:$0x1] =	wrdreg $0xFFFFFFFF  }
0xc1: {  	_ =	task.clear_ibuf [dreg:s7], $0x2FFFF;
	_ =	strace $0x9FFFFFFF  }
0xc2: {  	(tm) =	ssettm $0x7FFFFFFF  }
0xc3: {  	_ =	shalt  }
tec
execute0_lowered:
.L_overlay_start_1:
0x0: {  	(tag) =	ssettag $0x1  }
0x1: {  	s4 =	rddreg [dreg:$0x0]  }
0x2: {  	s8 =	rddreg [dreg:$0x1]  }
0x3: {  	s0 =	rddreg [dreg:$0x2]  }
0x4: {  	s3 =	srdreg.scid;
	s1 =	stileid.u32;
	s2 =	simm.s32 $0x0  }
0x5: {  	s14 =	simm.s32 $0x4100;
	s15 =	simm.s32 $0x0;
	s10 =	smul.u32 $0x2710, s1  }
0x6: {  	s6 =	sand.u32 $0x1, s3;
	s28 =	sshll.u32 s1, $0x1;
	s12 =	smul.u32 $0x27100, s1  }
0x7: {  	[smem:$0x7FF] =	sst s2;
	s7 =	sadd.s32 $0x535000, s4;
	s11 =	smul.u32 $0x1388, s6  }
0x8: {  	s3 =	sor.u32 s6, s28;
	s29 =	ssub.s32 $0x2, s6;
	s13 =	smul.u32 $0x13880, s6  }
0x9: {  	_ =	strace $0x80000053;
	s5 =	smul.u32 $0x1388, s3;
	s9 =	sshrl.u32 s29, $0x1  }
0xa: {  	s3 =	sadd.s32 $0x4E6C00, s4;
	s9 =	ssub.s32 s29, s9;
	s10 =	sadd.s32 s11, s10  }
0xb: {  	s11 =	simm.s32 $0x1;
	s5 =	sadd.s32 $0x1380, s5;
	s6 =	smax.u32 s9, $0x1  }
0xc: {  	s31 =	sshrl.u32 s10, $0x3;
	s9 =	simm.s32 $0x2;
	s30 =	sshrl.u32 s5, $0x3  }
0xd: {  	s10 =	simm.s32 $0x80;
	s5 =	sshll.u32 s5, $0x4;
	s4 =	sadd.s32 s8, s30  }
0xe: {  	s5 =	sadd.s32 s7, s5;
	s7 =	sadd.s32 s12, s7;
	s8 =	sadd.s32 s31, s8  }
0xf: {  	s12 =	simm.s32 $0x4080;
	s7 =	sadd.s32 s13, s7;
	s13 =	simm.s32 $0x8  }
.LBB2_1:
0x10: {  	s16 =	sadd.s32 $0x0, s8  }
0x11: {  	[tilespmem:s2], [sflag:$0x2] =	stream.linear.gather [hbm4b:s16+s2], $0x80, $0x38;
	[tilespmem:$0x4500] =	vst v63  }
0x12: {  	_ =	swait.ge [sflag:s9], $0x80  }
0x13: {  	[sflag:s9] =	ssyncset.done $0x0  }
0x14: {  	[sflag:s9] =	ssyncadd.s32 $0xFFFFFF80  }
0x15: {  	[tilespmem:s10], [sflag:$0x1] =	stream.indirect.gather [hbm4b:s3+s10], $0x80, s2, s10, $0xb8;
	[tilespmem:$0x4500] =	vst v63  }
0x16: {  	_ =	swait.ge [sflag:s11], $0x4000  }
0x17: {  	[sflag:s11] =	ssyncset.done $0x0  }
0x18: {  	[sflag:s11] =	ssyncadd.s32 $0xFFFFC000  }
0x19: {  	[hbm4b:s7+s2] =	stream.linear.scatter [tilespmem:s10], [sflag:$0x2], $0x4000, $0x38;
	[tilespmem:$0x4500] =	vst v63  }
0x1a: {  	s17 =	simm.s32 $0x10;
	_ =	swait.ge [sflag:s9], $0x4000  }
0x1b: {  	s18 =	simm.s32 $0x20;
	s16 =	sadd.s32 $0x800, s7;
	[sflag:s9] =	ssyncset.done $0x0  }
.LBB2_2:
0x1c: {  	s19 =	sadd.s32 s17, s8  }
0x1d: {  	[sflag:s9] =	ssyncadd.s32 $0xFFFFC000;
	s17 =	smov.u32 s18;
	s20 =	sadd.s32 $0x10, s18  }
0x1e: {  	[tilespmem:s2], [sflag:$0x2] =	stream.linear.gather [hbm4b:s19+s2], $0x80, $0x38;
	[tilespmem:$0x4500] =	vst v63  }
0x1f: {  	p0 =	sne.s32 s18, $0x260;
	_ =	swait.ge [sflag:s9], $0x80  }
0x20: {  	[sflag:s9] =	ssyncset.done $0x0  }
0x21: {  	[sflag:s9] =	ssyncadd.s32 $0xFFFFFF80  }
0x22: {  	[tilespmem:s10], [sflag:$0x1] =	stream.indirect.gather [hbm4b:s3+s10], $0x80, s2, s10, $0xb8;
	[tilespmem:$0x4500] =	vst v63  }
0x23: {  	_ =	swait.ge [sflag:s11], $0x4000  }
.Ltmp0:
0x24: {  	[sflag:s11] =	ssyncset.done $0x0;
	(pc) =	sbr.rel @p0 .LBB2_2-.Ltmp0, $4  }
0x25: {  	[sflag:s11] =	ssyncadd.s32 $0xFFFFC000  }
0x26: {  	[hbm4b:s16+s2] =	stream.linear.scatter [tilespmem:s10], [sflag:$0x2], $0x4000, $0x38;
	[tilespmem:$0x4500] =	vst v63  }
0x27: {  	_ =	swait.ge [sflag:s9], $0x4000  }
0x28: {  	s18 =	smov.u32 s20;
	s16 =	sadd.s32 $0x800, s16;
	[sflag:s9] =	ssyncset.done $0x0  }
0x29: {  	s17 =	sadd.s32 s17, s8;
	[sflag:s9] =	ssyncadd.s32 $0xFFFFC000  }
0x2a: {  	[tilespmem:s2], [sflag:$0x2] =	stream.linear.gather [hbm4b:s17+s2], $0x80, $0x38;
	[tilespmem:$0x4500] =	vst v63  }
0x2b: {  	_ =	swait.ge [sflag:s9], $0x80  }
0x2c: {  	[sflag:s9] =	ssyncset.done $0x0  }
0x2d: {  	[sflag:s9] =	ssyncadd.s32 $0xFFFFFF80  }
0x2e: {  	[tilespmem:s10], [sflag:$0x1] =	stream.indirect.gather [hbm4b:s3+s10], $0x80, s2, s10, $0xb8;
	[tilespmem:$0x4500] =	vst v63  }
0x2f: {  	_ =	swait.ge [sflag:s11], $0x4000  }
0x30: {  	[sflag:s11] =	ssyncset.done $0x0  }
0x31: {  	[sflag:s11] =	ssyncadd.s32 $0xFFFFC000  }
0x32: {  	[hbm4b:s16+s2] =	stream.linear.scatter [tilespmem:s10], [sflag:$0x2], $0x4000, $0x38;
	[tilespmem:$0x4500] =	vst v63  }
0x33: {  	_ =	swait.ge [sflag:s9], $0x4000  }
0x34: {  	[sflag:s9] =	ssyncset.done $0x0  }
0x35: {  	[sflag:s9] =	ssyncadd.s32 $0xFFFFC000  }
0x36: {  	[tilespmem:s12], [sflag:$0x2] =	stream.linear.gather [hbm4b:s4+s2], $0x8, $0x38;
	[tilespmem:$0x4500] =	vst v63  }
0x37: {  	_ =	swait.ge [sflag:s9], $0x8  }
0x38: {  	[sflag:s9] =	ssyncset.done $0x0  }
0x39: {  	[sflag:s9] =	ssyncadd.s32 $0xFFFFFFF8  }
0x3a: {  	[tilespmem:s14], [sflag:$0x1] =	stream.indirect.gather [hbm4b:s3+s13], $0x80, s12, s13, $0xb8;
	[tilespmem:$0x4500] =	vst v63  }
0x3b: {  	s15 =	sadd.s32 $0x1, s15;
	_ =	swait.ge [sflag:s11], $0x400  }
0x3c: {  	p0 =	sne.s32 s15, s6;
	[sflag:s11] =	ssyncset.done $0x0  }
.Ltmp1:
0x3d: {  	[sflag:s11] =	ssyncadd.s32 $0xFFFFFC00;
	(pc) =	sbr.rel @p0 .LBB2_1-.Ltmp1, $4  }
0x3e: {  	[hbm4b:s5+s2] =	stream.linear.scatter [tilespmem:s14], [sflag:$0x2], $0x400, $0x38;
	[tilespmem:$0x4500] =	vst v63  }
0x3f: {  	_ =	swait.ge [sflag:s9], $0x400  }
0x40: {  	[sflag:s9] =	ssyncset.done $0x0  }
0x41: {  	[sflag:s9] =	ssyncadd.s32 $0xFFFFFC00  }
0x42: {  	_ =	sfence.sel $0x180000  }
0x43: {  	[bflag:$0x0] =	sbarrier.arrive $0xFFFF  }
0x44: {  	p0 =	sne.s32 s1, $0x0;
	_ =	strace $0x90000053  }
0x45: {  	s0 =	sadd.s32 @!p0 $0x100000, s0;
	[bflag:$0x2] =	sbarrier.arrive $0xFFFF  }
0x46: {  	[sflag:s0] =	ssyncadd.tile.s32 @!p0 $0x1;
	_ =	shalt  }
.Lfunc_end2:
_tile_overlayer_lowered:
.L_overlay_start_2:
0x47: {  	(tag) =	ssettag $0x2  }
0x48: {  	s0 =	rddreg [dreg:$0x0];
	s2 =	stileid.u32  }
0x49: {  	s1 =	rddreg [dreg:$0x1];
	p0 =	sne.s32 s2, $0x0  }
0x4a: {  	s3 =	rddreg [dreg:$0x2];
	[bflag:$0x3] =	sbarrier.arrive $0xFFFF;
	s2 =	simm.s32 @!p0 $0x1C02  }
0x4b: {  	[timem:s3], [sflag:s2] =	dma.local @!p0 [hbm:s0], s1  }
0x4c: {  	s0 =	simm.s32 @!p0 $0x2  }
0x4d: {  	_ =	swait.ge @!p0 [sflag:s0], s1  }
0x4e: {  	s1 =	ssub.s32 @!p0 $0x0, s1;
	[sflag:s0] =	ssyncset.done @!p0 $0x0  }
0x4f: {  	[sflag:s0] =	ssyncadd.s32 @!p0 s1  }
0x50: {  	[bflag:$0x3] =	sbarrier.arrive $0xFFFF  }
0x51: {  	_ =	shalt  }

// kernel: kernel.28.cloned.1.call-start
scs
__scs_entry_jumppad:
0x0: {  	(pc) =	sbr.rel $0x88, $3  }
0x1: {  	(tag) =	ssettag $0x0;
	lr =	simm.s32 $0x1  }
0x2: {  	[smem:$0x3F92] =	sst lr;
	_ =	strace $0xD0000000  }
0x3: {  	_ = 	snop  }
0x4: {  	_ = 	snop  }
0x5: {  	_ = 	snop  }
0x6: {  	_ = 	snop  }
0x7: {  	_ = 	snop  }
__scs_overlays_trampoline_lowered:
0x8: {  	[smem:$0x3FA1] =	sst s0  }
0x9: {  	[smem:$0x3FA2] =	sst s1  }
0xa: {  	[smem:$0x3FA3] =	sst s2  }
0xb: {  	[smem:$0x3FA4] =	sst s3  }
0xc: {  	[smem:$0x3FA5] =	sst s4  }
0xd: {  	[smem:$0x3FA6] =	sst s5  }
0xe: {  	[smem:$0x3FA7] =	sst s6  }
0xf: {  	[smem:$0x3FA8] =	sst s7  }
0x10: {  	[smem:$0x3FA9] =	sst s8  }
0x11: {  	[smem:$0x3FAA] =	sst s9;
	s0 =	simm.s32 @!p0 $0x0  }
0x12: {  	s1 =	sld [smem:$0x3F90];
	s0 =	simm.s32 @p0 $0x1  }
0x13: {  	[smem:$0x3FAB] =	sst s0;
	s0 =	simm.s32 @!p1 $0x0  }
0x14: {  	s2 =	sld [smem:$0x3F8F];
	s0 =	simm.s32 @p1 $0x1  }
0x15: {  	[smem:$0x3FAC] =	sst s0;
	s0 =	simm.s32 @!p2 $0x0  }
0x16: {  	s3 =	sld [smem:$0x3FDB];
	s0 =	simm.s32 @p2 $0x1  }
0x17: {  	s4 =	simm.s32 $0x1BF5;
	[smem:$0x3FAE] =	sst s0  }
0x18: {  	s0 =	sld [smem:$0x3F91];
	_ =	swait.ge [sflag:s4], $0x0  }
0x19: {  	s7 =	sld [smem:$0x3F92]  }
0x1a: {  	s8 =	sadd.s32 $0xFFFFE003, lr  }
0x1b: {  	s9 =	sadd.s32 $0xFFFFFEF7, lr;
	s5 =	simm.s32 $0xFFFFFFFF;
	p2 =	slt.u32 s8, $0xFFFFF086  }
0x1c: {  	p1 =	slt.u32 s9, $0xF7A;
	s5 =	simm.s32 @!p2 $0x0  }
0x1d: {  	s5 =	simm.s32 @p1 $0x1;
	p0 =	seq.s32 s7, s2  }
0x1e: {  	s7 =	smul.u32 @!p0 $0xF7A, s2;
	p2 =	seq.s32 @!p0 s5, $0x0  }
0x1f: {  	s9 =	smul.u32 $0xF7A, s1;
	s8 =	simm.s32 @!p0 $0x1BF5;
	p2 =	por !p2, p0  }
0x20: {  	[sflag:s8] =	ssyncset.s32 @!p0 $0xFFFFF086;
	s6 =	sadd.s32 @!p0 s3, s7;
	s7 =	simm.s32 @!p0 $0x108  }
0x21: {  	s3 =	sadd.s32 s3, s9;
	s6 =	sadd.s32 @!p0 $0x88, s6;
	s7 =	simm.s32 @p2 $0x1082  }
0x22: {  	[simem:s7], [sflag:s8] =	dma.local @!p0 [hbm:s6], $0xF7A  }
0x23: {  	s9 =	sor.u32 $0xD0000000, s2;
	s6 =	simm.s32 $0x108;
	_ =	swait.ge @!p0 [sflag:s8], $0x0  }
0x24: {  	s3 =	sadd.s32 $0x88, s3;
	s6 =	simm.s32 @!p1 $0x1082;
	[sflag:s4] =	ssyncset.s32 $0xFFFFF086  }
0x25: {  	[simem:s6], [sflag:s4] =	dma.local [hbm:s3], $0xF7A  }
0x26: {  	[smem:$0x3F92] =	sst s1;
	(tag) =	ssettag s2;
	_ =	strace s9  }
0x27: {  	s1 =	sld [smem:$0x3FA2]  }
0x28: {  	s2 =	sld [smem:$0x3FA3]  }
0x29: {  	s4 =	sld [smem:$0x3FA5]  }
0x2a: {  	p0 =	seq.s32 s5, $0x0;
	s5 =	sld [smem:$0x3FA6]  }
0x2b: {  	s6 =	sld [smem:$0x3FA7]  }
0x2c: {  	s7 =	sld [smem:$0x3FA8]  }
0x2d: {  	s3 =	simm.s32 $0x108;
	s8 =	sld [smem:$0x3FA9]  }
0x2e: {  	s3 =	simm.s32 @!p0 $0x1082;
	s9 =	sld [smem:$0x3FAA]  }
0x2f: {  	lr =	sadd.s32 s0, s3;
	s0 =	sld [smem:$0x3FA1]  }
0x30: {  	s3 =	sld [smem:$0x3FA4]  }
0x31: {  	[smem:$0x3FAD] =	sst s10  }
0x32: {  	s10 =	sld [smem:$0x3FAB];
	_ =	sdelay $0x3  }
0x33: {  	p0 =	seq.s32 s10, $0x1;
	s10 =	sld [smem:$0x3FAD];
	_ =	sdelay $0x3  }
0x34: {  	[smem:$0x3FAD] =	sst s10  }
0x35: {  	s10 =	sld [smem:$0x3FAC];
	_ =	sdelay $0x3  }
0x36: {  	p1 =	seq.s32 s10, $0x1;
	s10 =	sld [smem:$0x3FAD];
	_ =	sdelay $0x3  }
0x37: {  	[smem:$0x3FAD] =	sst s10  }
0x38: {  	s10 =	sld [smem:$0x3FAE]  }
0x39: {  	_ = 	snop;
	(pc) =	sbr.ind lr, $3  }
0x3a: {  	_ = 	snop  }
0x3b: {  	_ = 	snop  }
0x3c: {  	p2 =	seq.s32 s10, $0x1;
	s10 =	sld [smem:$0x3FAD]  }
0x3d: {  	_ =	shalt  }
0x3e: {  	_ =	shalt  }
0x3f: {  	_ =	shalt  }
0x40: {  	_ =	shalt  }
0x41: {  	_ =	shalt  }
0x42: {  	_ =	shalt  }
0x43: {  	_ =	shalt  }
0x44: {  	_ =	shalt  }
0x45: {  	_ =	shalt  }
0x46: {  	_ =	shalt  }
0x47: {  	_ =	shalt  }
0x48: {  	_ =	shalt  }
0x49: {  	_ =	shalt  }
0x4a: {  	_ =	shalt  }
0x4b: {  	_ =	shalt  }
0x4c: {  	_ =	shalt  }
0x4d: {  	_ =	shalt  }
0x4e: {  	_ =	shalt  }
0x4f: {  	_ =	shalt  }
0x50: {  	_ =	shalt  }
0x51: {  	_ =	shalt  }
0x52: {  	_ =	shalt  }
0x53: {  	_ =	shalt  }
0x54: {  	_ =	shalt  }
0x55: {  	_ =	shalt  }
0x56: {  	_ =	shalt  }
0x57: {  	_ =	shalt  }
0x58: {  	_ =	shalt  }
0x59: {  	_ =	shalt  }
0x5a: {  	_ =	shalt  }
0x5b: {  	_ =	shalt  }
0x5c: {  	_ =	shalt  }
0x5d: {  	_ =	shalt  }
0x5e: {  	_ =	shalt  }
0x5f: {  	_ =	shalt  }
0x60: {  	_ =	shalt  }
0x61: {  	_ =	shalt  }
0x62: {  	_ =	shalt  }
0x63: {  	_ =	shalt  }
0x64: {  	_ =	shalt  }
0x65: {  	_ =	shalt  }
0x66: {  	_ =	shalt  }
0x67: {  	_ =	shalt  }
0x68: {  	_ =	shalt  }
0x69: {  	_ =	shalt  }
0x6a: {  	_ =	shalt  }
0x6b: {  	_ =	shalt  }
0x6c: {  	_ =	shalt  }
0x6d: {  	_ =	shalt  }
0x6e: {  	_ =	shalt  }
0x6f: {  	_ =	shalt  }
0x70: {  	_ =	shalt  }
0x71: {  	_ =	shalt  }
0x72: {  	_ =	shalt  }
0x73: {  	_ =	shalt  }
0x74: {  	_ =	shalt  }
0x75: {  	_ =	shalt  }
0x76: {  	_ =	shalt  }
0x77: {  	_ =	shalt  }
0x78: {  	_ =	shalt  }
0x79: {  	_ =	shalt  }
0x7a: {  	_ =	shalt  }
0x7b: {  	_ =	shalt  }
0x7c: {  	_ =	shalt  }
0x7d: {  	_ =	shalt  }
0x7e: {  	_ =	shalt  }
0x7f: {  	_ =	shalt  }
0x80: {  	_ =	shalt  }
0x81: {  	_ =	shalt  }
0x82: {  	_ =	shalt  }
0x83: {  	_ =	shalt  }
0x84: {  	_ =	shalt  }
0x85: {  	_ =	shalt  }
0x86: {  	_ =	shalt  }
0x87: {  	_ =	shalt  }
.Lfunc_end0:
.L_simem_size_0:
called_computation.5_lowered:
.L_overlay_start_0:
0x88: {  	s2 =	sld [smem:$0x3FD9]  }
0x89: {  	s3 =	sld [smem:$0x3FFE];
	_ =	sdelay $0x1  }
0x8a: {  	s1 =	srdreg.scid  }
0x8b: {  	s0 =	sand.u32 $0x1, s1  }
0x8c: {  	s17 =	sshll.u32 s0, $0xA;
	s2 =	sadd.s32 s3, s2  }
0x8d: {  	s2 =	sadd.s32 s2, s17  }
0x8e: {  	[smem:$0x3FB9] =	sst s2  }
0x8f: {  	_ = 	snop  }
0x90: {  	s2 =	sld [smem:$0x3FC6]  }
0x91: {  	s18 =	sld [smem:$0x3FD0];
	(tm) =	ssettm $0x1  }
0x92: {  	s4 =	sld [smem:$0x3FFB];
	_ =	sdelay $0x3  }
0x93: {  	_ =	strace s4  }
0x94: {  	s4 =	sld [smem:$0x3FFC];
	_ =	sdelay $0x3  }
0x95: {  	_ =	strace s4  }
0x96: {  	s4 =	sld [smem:$0x3FFD];
	_ =	sdelay $0x3  }
0x97: {  	_ =	strace s4  }
0x98: {  	_ =	strace $0x8FFFFFFF  }
0x99: {  	s19 =	sld [smem:$0x3FDB];
	_ =	sdelay $0x1  }
0x9a: {  	s5 =	simm.s32 $_scs_section_size  }
0x9b: {  	s6 =	simm.s32 $_size__tile_overlayer_lowered;
	s7 =	simm.s32 $_tile_overlayer_lowered  }
0x9c: {  	s22 =	simm.s32 $0x1BFF;
	s21 =	sshll.u32 s7, $0x1;
	s4 =	sadd.s32 s5, s19  }
0x9d: {  	s8 =	simm.s32 $0x0;
	s20 =	sshll.u32 s6, $0x1;
	s6 =	sadd.s32 s21, s4  }
0x9e: {  	[timem:s8], [sflag:s22] =	dma.local [hbm:s6], s20  }
0x9f: {  	_ =	swait.ge [sflag:s22], s20  }
0xa0: {  	s5 =	ssub.s32 $0x0, s20;
	[sflag:s22] =	ssyncset.done $0x0  }
0xa1: {  	[sflag:s22] =	ssyncadd.s32 s5;
	_ =	sdelay $0x1  }
0xa2: {  	s23 =	simm.s32 $0x1B8B  }
0xa3: {  	_ =	swait.ge [sflag:s23], $0x1  }
0xa4: {  	[sflag:s23] =	ssyncset.done $0x0  }
0xa5: {  	s25 =	simm.s32 $0x1B8E;
	s24 =	sld [smem:$0x3FFE];
	[sflag:s23] =	ssyncadd.s32 $0xFFFFFFFF  }
0xa6: {  	s26 =	simm.s32 $execute0_lowered;
	[smem:$0x3FD2] =	sst s25  }
0xa7: {  	s6 =	sshll.u32 s26, $0x1;
	_ =	strace $0x80000055;
	[dreg:$0x1] =	wrdreg $0xFFFFFFFF  }
0xa8: {  	s28 =	simm.s32 $_size_execute0_lowered;
	s4 =	sadd.s32 s4, s6;
	[dreg:$0x0] =	wrdreg $0x0  }
0xa9: {  	s6 =	sshll.u32 s28, $0x1;
	[dreg:$0x2] =	wrdreg s4  }
0xaa: {  	[dreg:$0x3] =	wrdreg s6  }
0xab: {  	[dreg:$0x4] =	wrdreg $0xC0  }
0xac: {  	_ =	task [dreg:s8], $0x5FFFF  }
0xad: {  	[dreg:$0x1] =	wrdreg $0xFFFFFFFF  }
0xae: {  	[dreg:$0x0] =	wrdreg $0x60  }
0xaf: {  	[dreg:$0x2] =	wrdreg s24  }
0xb0: {  	[dreg:$0x3] =	wrdreg s2  }
0xb1: {  	[dreg:$0x4] =	wrdreg s18  }
0xb2: {  	[dreg:$0x5] =	wrdreg $0x45000  }
0xb3: {  	[dreg:$0x6] =	wrdreg $0x9  }
0xb4: {  	_ =	task.clear_ibuf [dreg:s8], $0x7FFFF;
	_ =	strace $0x90000055  }
0xb5: {  	s29 =	simm.s32 $0x9;
	_ =	strace $0x80000057  }
0xb6: {  	_ =	swait.ge [sflag:s29], $0x1  }
0xb7: {  	[sflag:s29] =	ssyncadd.s32 $0xFFFFFFFF  }
0xb8: {  	_ =	strace $0x90000057  }
0xb9: {  	_ =	sfence  }
0xba: {  	s30 =	sld [smem:$0x0];
	_ =	sdelay $0x2  }
0xbb: {  	s31 =	sshll.u32 s1, $0xD;
	s1 =	sshrl.u32 s1, $0x2  }
0xbc: {  	s3 =	sand.u32 $0x4000, s31;
	s1 =	sadd.s32 s1, s30  }
0xbd: {  	s0 =	sor.u32 s3, s0;
	s1 =	sshll.u32 s1, $0x11  }
0xbe: {  	s0 =	sor.u32 s1, s0  }
0xbf: {  	s0 =	sadd.s32 $0x8F2B, s0  }
0xc0: {  	[sflag:s0] =	ssyncadd.remote.s32 $0x1  }
0xc1: {  	_ =	sfence.sel $0xFFFF  }
0xc2: {  	[dreg:$0x0] =	wrdreg $0xFFFFFFFF;
	(pc) =	sbr.abs _section_cstart, $3  }
0xc3: {  	[dreg:$0x1] =	wrdreg $0xFFFFFFFF  }
0xc4: {  	_ =	task.clear_ibuf [dreg:s8], $0x2FFFF;
	_ =	strace $0x9FFFFFFF  }
0xc5: {  	(tm) =	ssettm $0x7FFFFFFF  }
tec
execute0_lowered:
.L_overlay_start_1:
0x0: {  	(tag) =	ssettag $0x1  }
0x1: {  	s4 =	rddreg [dreg:$0x0]  }
0x2: {  	s15 =	rddreg [dreg:$0x1]  }
0x3: {  	s8 =	rddreg [dreg:$0x2]  }
0x4: {  	s1 =	rddreg [dreg:$0x3]  }
0x5: {  	s0 =	rddreg [dreg:$0x4];
	s2 =	simm.s32 $0x0;
	s5 =	srdreg.scid  }
0x6: {  	s23 =	stileid.u32;
	s22 =	simm.s32 $0x8;
	[smem:$0x7FF] =	sst s2  }
0x7: {  	s14 =	sadd.s32 $0x7A6000, s4;
	s3 =	sadd.s32 $0x535000, s4;
	s7 =	smul.u32 $0x4E000, s23  }
0x8: {  	s13 =	sand.u32 $0x1, s5;
	s4 =	sadd.s32 $0x55C200, s4;
	s12 =	smul.u32 $0x2700, s23  }
0x9: {  	s9 =	sshll.u32 s23, $0x1;
	s30 =	sshll.u32 s23, $0x6;
	s18 =	smul.u32 $0x2710, s23  }
0xa: {  	s20 =	smul.u32 $0x27100, s23;
	p1 =	sne.s32 s23, $0x0;
	p2 =	seq.s32 s23, $0x0  }
0xb: {  	s23 =	simm.s32 $0x0;
	_ =	strace $0x80000056;
	s5 =	ssub.s32 $0x2, s13  }
0xc: {  	s28 =	sor.u32 s13, s9;
	s19 =	smul.u32 $0x1388, s13;
	p0 =	seq.s32 s13, $0x1  }
0xd: {  	s21 =	smul.u32 $0x13880, s13;
	s6 =	sshrl.u32 s5, $0x1;
	s29 =	sshrl.u32 s7, $0x2  }
0xe: {  	s9 =	smul.u32 $0x1388, s28;
	s7 =	sadd.s32 $0x138000, s1;
	s16 =	ssub.s32 s5, s6  }
0xf: {  	s17 =	sadd.s32 s29, s1;
	s5 =	sadd.s32 s8, s12;
	s6 =	sor.u32 $0x1C01, s30  }
0x10: {  	s8 =	sadd.s32 $0x27000, s8;
	s18 =	sadd.s32 s19, s18;
	s19 =	simm.s32 $0x80  }
0x11: {  	s9 =	sadd.s32 $0x1380, s9;
	s13 =	smax.u32 s16, $0x1;
	s31 =	sshrl.u32 s18, $0x3  }
.Ltmp0:
0x12: {  	s16 =	sshrl.u32 s17, $0x3;
	s17 =	simm.s32 $0x1;
	(pc) =	sbr.rel .LBB2_1-.Ltmp0, $4  }
0x13: {  	s18 =	sshrl.u32 @!p1 s7, $0x3;
	s10 =	sshrl.u32 s9, $0x3;
	s11 =	sshll.u32 s9, $0x4  }
0x14: {  	s9 =	sadd.s32 s15, s10;
	s10 =	sadd.s32 s14, s11;
	s11 =	sadd.s32 s3, s12  }
0x15: {  	s12 =	sadd.s32 s4, s12;
	s14 =	sadd.s32 s20, s14;
	s15 =	sadd.s32 s31, s15  }
0x16: {  	s20 =	simm.s32 $0x4080;
	s14 =	sadd.s32 s21, s14;
	s21 =	simm.s32 $0x4100  }
.LBB2_6:
0x17: {  	s24 =	sadd.s32 $0x27000, s24;
	s25 =	sshrl.u32 s7, $0x3  }
0x18: {  	[hbm:s24], [sflag:s6] =	dma.local [spmem:s25], $0x100  }
0x19: {  	_ =	swait.ge [sflag:s17], $0x100  }
0x1a: {  	[sflag:s17] =	ssyncset.done $0x0  }
0x1b: {  	[sflag:s17] =	ssyncadd.s32 $0xFFFFFF00  }
.LBB2_7:
0x1c: {  	s23 =	sadd.s32 $0x1, s23  }
0x1d: {  	p3 =	sne.s32 s23, s13  }
.Ltmp1:
0x1e: {  	_ = 	snop;
	(pc) =	sbr.rel @!p3 .LBB2_8-.Ltmp1, $1  }
0x1f: {  	_ =	sdelay $0x3  }
.LBB2_1:
0x20: {  	[spmem:s16], [sflag:s6] =	dma.local [hbm:s5], $0x2700  }
0x21: {  	_ =	swait.ge [sflag:s17], $0x2700  }
0x22: {  	[sflag:s17] =	ssyncset.done $0x0  }
0x23: {  	s24 =	simm.s32 @!p1 $0x1;
	[sflag:s17] =	ssyncadd.s32 $0xFFFFD900  }
0x24: {  	[spmem:s18], [sflag:s6] =	dma.local @!p1 [hbm:s8], $0x100  }
0x25: {  	_ =	swait.ge @!p1 [sflag:s24], $0x100  }
0x26: {  	[sflag:s24] =	ssyncset.done @!p1 $0x0  }
0x27: {  	[sflag:s24] =	ssyncadd.s32 @!p1 $0xFFFFFF00  }
0x28: {  	s31 =	sadd.s32 $0x0, s15;
	[bflag:$0x0] =	sbarrier.arrive $0xFFFF  }
0x29: {  	[tilespmem:s2], [sflag:$0x1] =	stream.linear.gather [hbm4b:s31+s2], $0x80, $0x38;
	[tilespmem:$0x17D80] =	vst v63  }
0x2a: {  	_ =	swait.ge [sflag:s17], $0x80  }
0x2b: {  	[sflag:s17] =	ssyncset.done $0x0  }
0x2c: {  	[sflag:s17] =	ssyncadd.s32 $0xFFFFFF80  }
0x2d: {  	[tilespmem:s19], [sflag:$0x1] =	stream.linear.gather [hbm4b:s14+s2], $0x4000, $0x38;
	[tilespmem:$0x17D80] =	vst v63  }
0x2e: {  	_ =	swait.ge [sflag:s17], $0x4000  }
0x2f: {  	[sflag:s17] =	ssyncset.done $0x0  }
0x30: {  	[sflag:s17] =	ssyncadd.s32 $0xFFFFC000  }
0x31: {  	[spmem:s1] =	stream.indirect.scatter.add.f32 [tilespmem:s19], [sflag:$0x1], $0x80, s2, s19, $0xb8;
	[tilespmem:$0x17D80] =	vst v63  }
0x32: {  	s25 =	simm.s32 $0x10;
	_ =	swait.ge [sflag:s17], $0x4000  }
0x33: {  	s26 =	simm.s32 $0x20;
	s24 =	sadd.s32 $0x800, s14;
	[sflag:s17] =	ssyncset.done $0x0  }
.LBB2_2:
0x34: {  	s28 =	sadd.s32 s25, s15  }
0x35: {  	[sflag:s17] =	ssyncadd.s32 $0xFFFFC000;
	s25 =	smov.u32 s26;
	s29 =	sadd.s32 $0x10, s26  }
0x36: {  	[tilespmem:s2], [sflag:$0x1] =	stream.linear.gather [hbm4b:s28+s2], $0x80, $0x38;
	[tilespmem:$0x17D80] =	vst v63  }
0x37: {  	p3 =	sne.s32 s26, $0x260;
	_ =	swait.ge [sflag:s17], $0x80  }
0x38: {  	[sflag:s17] =	ssyncset.done $0x0  }
0x39: {  	[sflag:s17] =	ssyncadd.s32 $0xFFFFFF80  }
0x3a: {  	[tilespmem:s19], [sflag:$0x1] =	stream.linear.gather [hbm4b:s24+s2], $0x4000, $0x38;
	[tilespmem:$0x17D80] =	vst v63  }
0x3b: {  	_ =	swait.ge [sflag:s17], $0x4000  }
.Ltmp2:
0x3c: {  	[sflag:s17] =	ssyncset.done $0x0;
	(pc) =	sbr.rel @p3 .LBB2_2-.Ltmp2, $4  }
0x3d: {  	[sflag:s17] =	ssyncadd.s32 $0xFFFFC000  }
0x3e: {  	[spmem:s1] =	stream.indirect.scatter.add.f32 [tilespmem:s19], [sflag:$0x1], $0x80, s2, s19, $0xb8;
	[tilespmem:$0x17D80] =	vst v63  }
0x3f: {  	_ =	swait.ge [sflag:s17], $0x4000  }
0x40: {  	s26 =	smov.u32 s29;
	s24 =	sadd.s32 $0x800, s24;
	[sflag:s17] =	ssyncset.done $0x0  }
0x41: {  	s25 =	sadd.s32 s25, s15;
	[sflag:s17] =	ssyncadd.s32 $0xFFFFC000  }
0x42: {  	[tilespmem:s2], [sflag:$0x1] =	stream.linear.gather [hbm4b:s25+s2], $0x80, $0x38;
	[tilespmem:$0x17D80] =	vst v63  }
0x43: {  	_ =	swait.ge [sflag:s17], $0x80  }
0x44: {  	[sflag:s17] =	ssyncset.done $0x0  }
0x45: {  	[sflag:s17] =	ssyncadd.s32 $0xFFFFFF80  }
0x46: {  	[tilespmem:s19], [sflag:$0x1] =	stream.linear.gather [hbm4b:s24+s2], $0x4000, $0x38;
	[tilespmem:$0x17D80] =	vst v63  }
0x47: {  	_ =	swait.ge [sflag:s17], $0x4000  }
0x48: {  	[sflag:s17] =	ssyncset.done $0x0  }
0x49: {  	[sflag:s17] =	ssyncadd.s32 $0xFFFFC000  }
0x4a: {  	[spmem:s1] =	stream.indirect.scatter.add.f32 [tilespmem:s19], [sflag:$0x1], $0x80, s2, s19, $0xb8;
	[tilespmem:$0x17D80] =	vst v63  }
0x4b: {  	_ =	swait.ge [sflag:s17], $0x4000  }
0x4c: {  	[sflag:s17] =	ssyncset.done $0x0  }
0x4d: {  	[sflag:s17] =	ssyncadd.s32 $0xFFFFC000  }
0x4e: {  	[tilespmem:s20], [sflag:$0x1] =	stream.linear.gather [hbm4b:s9+s2], $0x8, $0x38;
	[tilespmem:$0x17D80] =	vst v63  }
0x4f: {  	_ =	swait.ge [sflag:s17], $0x8  }
0x50: {  	[sflag:s17] =	ssyncset.done $0x0  }
0x51: {  	[sflag:s17] =	ssyncadd.s32 $0xFFFFFFF8  }
0x52: {  	[tilespmem:s21], [sflag:$0x1] =	stream.linear.gather [hbm4b:s10+s2], $0x400, $0x38;
	[tilespmem:$0x17D80] =	vst v63  }
0x53: {  	_ =	swait.ge [sflag:s17], $0x400  }
0x54: {  	[sflag:s17] =	ssyncset.done $0x0  }
0x55: {  	[sflag:s17] =	ssyncadd.s32 $0xFFFFFC00  }
0x56: {  	[spmem:s1] =	stream.indirect.scatter.add.f32 [tilespmem:s21], [sflag:$0x1], $0x80, s20, s22, $0xb8;
	[tilespmem:$0x17D80] =	vst v63  }
.Ltmp3:
0x57: {  	_ =	swait.ge [sflag:s17], $0x400;
	(pc) =	sbr.rel @!p0 .LBB2_4-.Ltmp3, $3  }
0x58: {  	[sflag:s17] =	ssyncset.done $0x0  }
0x59: {  	[sflag:s17] =	ssyncadd.s32 $0xFFFFFC00  }
0x5a: {  	[bflag:$0x0] =	sbarrier.arrive $0xFFFF;
	_ =	sdelay $0x1  }
0x5b: {  	[hbm:s12], [sflag:s6] =	dma.local [spmem:s16], $0x2700  }
.Ltmp4:
0x5c: {  	_ = 	snop;
	(pc) =	sbr.rel @p1 .LBB2_7-.Ltmp4, $4  }
.Ltmp5:
0x5d: {  	_ = 	snop;
	(pc) =	sbr.rel @!p1 .LBB2_6-.Ltmp5, $4  }
0x5e: {  	_ =	swait.ge [sflag:s17], $0x2700  }
0x5f: {  	[sflag:s17] =	ssyncset.done $0x0  }
0x60: {  	s24 =	smov.u32 s4;
	[sflag:s17] =	ssyncadd.s32 $0xFFFFD900  }
0x61: {  	_ = 	snop  }
.LBB2_4:
0x62: {  	[hbm:s11], [sflag:s6] =	dma.local [spmem:s16], $0x2700  }
.Ltmp6:
0x63: {  	_ = 	snop;
	(pc) =	sbr.rel @!p2 .LBB2_7-.Ltmp6, $4  }
.Ltmp7:
0x64: {  	_ = 	snop;
	(pc) =	sbr.rel @p2 .LBB2_6-.Ltmp7, $4  }
0x65: {  	_ =	swait.ge [sflag:s17], $0x2700  }
0x66: {  	[sflag:s17] =	ssyncset.done $0x0  }
0x67: {  	s24 =	smov.u32 s3;
	[sflag:s17] =	ssyncadd.s32 $0xFFFFD900  }
0x68: {  	_ = 	snop  }
.LBB2_8:
0x69: {  	_ =	sfence.sel $0x180000  }
0x6a: {  	[bflag:$0x0] =	sbarrier.arrive $0xFFFF  }
0x6b: {  	_ =	strace $0x90000056  }
0x6c: {  	s0 =	sadd.s32 @!p1 $0x100000, s0;
	[bflag:$0x2] =	sbarrier.arrive $0xFFFF  }
0x6d: {  	[sflag:s0] =	ssyncadd.tile.s32 @!p1 $0x1;
	_ =	shalt  }
.Lfunc_end2:
_tile_overlayer_lowered:
.L_overlay_start_2:
0x6e: {  	(tag) =	ssettag $0x2  }
0x6f: {  	s0 =	rddreg [dreg:$0x0];
	s2 =	stileid.u32  }
0x70: {  	s1 =	rddreg [dreg:$0x1];
	p0 =	sne.s32 s2, $0x0  }
0x71: {  	s3 =	rddreg [dreg:$0x2];
	[bflag:$0x3] =	sbarrier.arrive $0xFFFF;
	s2 =	simm.s32 @!p0 $0x1C01  }
0x72: {  	[timem:s3], [sflag:s2] =	dma.local @!p0 [hbm:s0], s1  }
0x73: {  	s0 =	simm.s32 @!p0 $0x1  }
0x74: {  	_ =	swait.ge @!p0 [sflag:s0], s1  }
0x75: {  	s1 =	ssub.s32 @!p0 $0x0, s1;
	[sflag:s0] =	ssyncset.done @!p0 $0x0  }
0x76: {  	[sflag:s0] =	ssyncadd.s32 @!p0 s1  }
0x77: {  	[bflag:$0x3] =	sbarrier.arrive $0xFFFF  }
0x78: {  	_ =	shalt  }

</sc_bundles>
